<compile_context>
chip_gen: v7x
topology: tpu7x:2x2x1
jax: 0.10.2.dev20260603
libtpu: 0.0.44.dev20260713+nightly
codegen_flags: <defaults>
</compile_context>

<pallas_src>
import functools

import jax
import jax.numpy as jnp
from jax import lax
from jax.experimental import pallas as pl
from jax.experimental.pallas import tpu as pltpu
from jax.experimental.pallas import tpu_sc as plsc

N = 10000
E = 320000
NC = 2
NS = 16
NW = NC * NS
EPW = E // NW
NCHUNK = EPW // 16
NROW = (EPW + 127) // 128
CWA = 128
ROWSA = (EPW + CWA - 1) // CWA
SUBA = CWA // 16

@functools.cache
def _mesh():
    return plsc.VectorSubcoreMesh(
        core_axis_name="c", subcore_axis_name="s", num_cores=NC, num_subcores=NS
    )


def _wid():
    return lax.axis_index("s") * NC + lax.axis_index("c")


def _body_a(src_h, dst_h, px_h, py_h, pz_h, z_h,
            src_v, dst_v, px_v, py_v, pz_v, idx2, val2, sem):
    base = _wid() * EPW
    pltpu.sync_copy(src_h.at[pl.ds(base, EPW)], src_v)
    pltpu.sync_copy(dst_h.at[pl.ds(base, EPW)], dst_v)
    pltpu.sync_copy(px_h, px_v)
    pltpu.sync_copy(py_h, py_v)
    pltpu.sync_copy(pz_h, pz_v)

    @pl.loop(0, ROWSA)
    def _compute(j):
        for c in range(SUBA):
            e = j * SUBA + c
            off = jnp.minimum(e, NCHUNK - 1) * 16
            s = src_v[pl.ds(off, 16)]
            d = dst_v[pl.ds(off, 16)]
            dx = plsc.load_gather(px_v, [d]) - plsc.load_gather(px_v, [s])
            dy = plsc.load_gather(py_v, [d]) - plsc.load_gather(py_v, [s])
            dz = plsc.load_gather(pz_v, [d]) - plsc.load_gather(pz_v, [s])
            w = 1.0 / (1.0 + dx * dx + dy * dy + dz * dz)
            idx2[j, pl.ds(c * 16, 16)] = s * N + d
            val2[j, pl.ds(c * 16, 16)] = w

    @pl.loop(0, ROWSA)
    def _fire(j):
        pltpu.async_copy(val2.at[j], z_h.at[idx2.at[j]], sem)

    @pl.loop(0, ROWSA)
    def _drain(j):
        pltpu.make_async_copy(val2.at[j], z_h.at[idx2.at[j]], sem).wait()


@functools.cache
def _kernel_a():
    return pl.kernel(
        _body_a,
        out_type=(),
        mesh=_mesh(),
        compiler_params=pltpu.CompilerParams(needs_layout_passes=False),
        scratch_types=[
            pltpu.VMEM((EPW,), jnp.int32),
            pltpu.VMEM((EPW,), jnp.int32),
            pltpu.VMEM((N,), jnp.float32),
            pltpu.VMEM((N,), jnp.float32),
            pltpu.VMEM((N,), jnp.float32),
            pltpu.VMEM((ROWSA, CWA), jnp.int32),
            pltpu.VMEM((ROWSA, CWA), jnp.float32),
            pltpu.SemaphoreType.DMA,
        ],
    )


RPT = 320


def _body_rs_sc(z_h, w_h, buf0, buf1, wv, sem0, sem1):
    lo = jnp.minimum(_wid() * RPT, N - RPT)
    lanes = lax.iota(jnp.int32, 16)
    bufs = (buf0, buf1)
    sems = (sem0, sem1)

    pltpu.async_copy(z_h.at[pl.ds(lo * N, N)], buf0, sem0)

    @pl.loop(0, RPT // 16)
    def _grp(g):
        res = jnp.zeros((16,), jnp.float32)
        for k in range(16):
            i = g * 16 + k
            nxt = i + 1

            @pl.when(nxt < RPT)
            def _():
                pltpu.async_copy(z_h.at[pl.ds((lo + nxt) * N, N)],
                                 bufs[(k + 1) % 2], sems[(k + 1) % 2])

            pltpu.make_async_copy(z_h.at[pl.ds((lo + i) * N, N)],
                                  bufs[k % 2], sems[k % 2]).wait()

            def _acc(c, a, _k=k):
                return a + bufs[_k % 2][pl.ds(c * 16, 16)]

            acc = lax.fori_loop(0, N // 16, _acc,
                                jnp.zeros((16,), jnp.float32), unroll=8)
            res = jnp.where(lanes == k, jnp.sum(acc), res)

        wv[pl.ds(g * 16, 16)] = res

    pltpu.sync_copy(wv, w_h.at[pl.ds(lo, RPT)])


@functools.cache
def _rowsum_sc():
    return pl.kernel(
        _body_rs_sc,
        out_type=jax.ShapeDtypeStruct((N,), jnp.float32),
        mesh=_mesh(),
        compiler_params=pltpu.CompilerParams(needs_layout_passes=False),
        scratch_types=[
            pltpu.VMEM((N,), jnp.float32),
            pltpu.VMEM((N,), jnp.float32),
            pltpu.VMEM((RPT,), jnp.float32),
            pltpu.SemaphoreType.DMA,
            pltpu.SemaphoreType.DMA,
        ],
    )


FR = 256


def _body_fin(zf, zt, wc, wr, o):
    wcs = jnp.where(wc[...] > 0.0, wc[...], 1.0)
    wrs = jnp.where(wr[...] > 0.0, wr[...], 1.0)
    o[...] = 0.5 * (zf[...] / wcs + jnp.swapaxes(zt[...], 0, 1) / wrs)


_final = pl.pallas_call(
    _body_fin,
    out_shape=jax.ShapeDtypeStruct((N, N), jnp.float32),
    grid=(pl.cdiv(N, FR),),
    compiler_params=pltpu.CompilerParams(vmem_limit_bytes=127 * 1024 * 1024),
    in_specs=[
        pl.BlockSpec((FR, N), lambda i: (i, 0)),
        pl.BlockSpec((N, FR), lambda i: (0, i)),
        pl.BlockSpec((FR, 1), lambda i: (i, 0)),
        pl.BlockSpec((1, N), lambda i: (0, 0)),
    ],
    out_specs=pl.BlockSpec((FR, N), lambda i: (i, 0)),
)


def kernel(features, pos, edges, faces):
    del features, faces
    src = edges[0].astype(jnp.int32)
    dst = edges[1].astype(jnp.int32)
    px = jnp.asarray(pos[:, 0], jnp.float32)
    py = jnp.asarray(pos[:, 1], jnp.float32)
    pz = jnp.asarray(pos[:, 2], jnp.float32)

    z_ref = jax.new_ref(jnp.zeros((N * N,), jnp.float32))
    _kernel_a()(src, dst, px, py, pz, z_ref)
    z1 = jax.freeze(z_ref)
    w = _rowsum_sc()(z1)
    z2 = z1.reshape(N, N)
    return _final(z2, z2, w.reshape(N, 1), w.reshape(1, N))

# --- scband reference (transcript-rebuilt; emitter-appended) ---
"""Pipeline reference for scband-vanilla-metric-7937099563598 (READ-ONLY COPY).

The authoritative reference and input builder live on the scoring server;
editing this copy changes nothing except your own understanding.
"""

import jax, jax.numpy as jnp
import numpy as np

N_NODES = 10000
N_EDGES = 320000
D_FEAT = 128
N_FACES = 20000


def setup_inputs(seed: int = 0) -> dict:
    key = jax.random.key(seed)
    k1, k2, k3, k4 = jax.random.split(key, 4)
    features = jax.random.normal(k1, (N_NODES, D_FEAT), dtype=jnp.float32)
    pos = jax.random.normal(k2, (N_NODES, 3), dtype=jnp.float32)
    edges = jax.random.randint(k3, (2, N_EDGES), 0, N_NODES)
    # guarantee that node N_NODES-1 appears so n_verts == N_NODES deterministically
    edges = edges.at[0, 0].set(N_NODES - 1)
    faces = jax.random.randint(k4, (N_FACES, 3), 0, N_NODES)
    return {"features": features, "pos": pos, "edges": edges, "faces": faces}


def reference(features, pos, edges, faces):
    # idx = edges.unique(dim=1): unique columns of the [2, E] edge tensor,
    # realized with a fixed-shape first-occurrence mask over lexicographically
    # sorted edges (same order jnp.unique produces along axis=0 of edges.T).
    n_verts = pos.shape[0]
    edge_id = edges[0] * n_verts + edges[1]
    order = jnp.argsort(edge_id)
    src = edges[0][order]
    dst = edges[1][order]
    eid_sorted = edge_id[order]
    first = jnp.concatenate(
        [jnp.array([True]), eid_sorted[1:] != eid_sorted[:-1]]
    )
    # tangent vectors and Euclidean distances to neighbours
    tangent_vecs = pos[dst] - pos[src]
    dist_sq = jnp.sum(tangent_vecs ** 2, axis=1)
    # rational kernel: 1 / (1 + dist^2)  (dist = ||tangent||_2, only dist^2 is needed)
    weights = 1.0 / (1.0 + dist_sq)
    masked_weights = jnp.where(first, weights, jnp.zeros_like(weights))
    # row-wise normalization via scatter-add over source vertices
    weights_sum = jnp.zeros((n_verts,), dtype=weights.dtype).at[src].add(masked_weights)
    weights_norm = jnp.where(
        first, weights / weights_sum[src], jnp.zeros_like(weights)
    )
    # materialize the sparse adjacency densely (COO scatter-add) and symmetrize
    dense = jnp.zeros((n_verts, n_verts), dtype=weights.dtype).at[src, dst].add(weights_norm)
    adjacency = 0.5 * (dense + dense.T)
    return adjacency

if __name__ == "__main__":
    import jax
    _d = setup_inputs()
    print(jax.jit(kernel)(*tuple(_d.values())))

</pallas_src>

<mosaic_0001>
#map = affine_map<(d0, d1) -> (0)>
module attributes {stable_mosaic.version = 14 : i64} {
  func.func @_body_rs_sc(%arg0: i32, %arg1: i32, %arg2: memref<100000000xf32, #tpu.memory_space<hbm>>, %arg3: memref<10000xf32, #tpu.memory_space<hbm>>, %arg4: memref<10000xf32, #tpu.memory_space<vmem>>, %arg5: memref<10000xf32, #tpu.memory_space<vmem>>, %arg6: memref<320xf32, #tpu.memory_space<vmem>>, %arg7: memref<!tpu.dma_semaphore, #tpu.memory_space<semaphore_mem>>, %arg8: memref<!tpu.dma_semaphore, #tpu.memory_space<semaphore_mem>>) attributes {dimension_semantics = [#tpu.dimension_semantics<core_parallel>, #tpu.dimension_semantics<subcore_parallel>], iteration_bounds = array<i64: 2, 16>, scalar_prefetch = 0 : i64, scratch_operands = 5 : i64, tpu.core_type = #tpu.core_type<sc_vector_subcore>, window_params = [{transform_indices = #map}, {transform_indices = #map}]} {
    %mul3A = arith.constant 2 : i32
    %mul3A_0 = arith.muli %arg1, %mul3A : i32
    %add3A = arith.addi %mul3A_0, %arg0 : i32
    %mul3A_1 = arith.constant 320 : i32
    %mul3A_2 = arith.muli %add3A, %mul3A_1 : i32
    %min3A = arith.constant 9680 : i32
    %min3A_3 = arith.minsi %mul3A_2, %min3A : i32
    %iota3A = tpu.iota {dimensions = array<i32: 0>} : vector<16xi32>
    %mul3A_4 = arith.constant 10000 : i32
    %mul3A_5 = arith.muli %min3A_3, %mul3A_4 : i32
    %dma_start3A = tpu.memref_slice %arg2[%mul3A_5] : memref<100000000xf32, #tpu.memory_space<hbm>> -> memref<10000xf32, #tpu.memory_space<hbm>>
    %dma_start3A_6 = tpu.memref_slice %arg2[%mul3A_5] : memref<100000000xf32, #tpu.memory_space<hbm>> -> memref<10000xf32, #tpu.memory_space<hbm>>
    tpu.enqueue_dma source(%dma_start3A_6 : memref<10000xf32, #tpu.memory_space<hbm>>) target(%arg4 : memref<10000xf32, #tpu.memory_space<vmem>>) target_semaphore(%arg7 : memref<!tpu.dma_semaphore, #tpu.memory_space<semaphore_mem>>)
    %scan3A = arith.constant 0 : i32
    %scan3A_7 = arith.constant 20 : i32
    %scan3A_8 = arith.addi %scan3A, %scan3A_7 : i32
    %scan3A_9 = arith.constant 1 : i32
    scf.for %scan3A_11 = %scan3A to %scan3A_8 step %scan3A_9  : i32 {
      %mul3A_12 = arith.constant 1 : i32
      %mul3A_13 = arith.muli %scan3A_11, %mul3A_12 : i32
      %add3A_14 = arith.constant 0 : i32
      %add3A_15 = arith.addi %add3A_14, %mul3A_13 : i32
      %broadcast_in_dim3A = arith.constant 0.000000e+00 : f32
      %broadcast_in_dim3A_16 = vector.broadcast %broadcast_in_dim3A : f32 to vector<16xf32>
      %mul3A_17 = arith.constant 16 : i32
      %mul3A_18 = arith.muli %add3A_15, %mul3A_17 : i32
      %add3A_19 = arith.constant 0 : i32
      %add3A_20 = arith.addi %mul3A_18, %add3A_19 : i32
      %add3A_21 = arith.constant 1 : i32
      %add3A_22 = arith.addi %add3A_20, %add3A_21 : i32
      %lt3A = arith.constant 320 : i32
      %lt3A_23 = arith.cmpi slt, %add3A_22, %lt3A : i32
      %convert_element_type3A = arith.extui %lt3A_23 : i1 to i32
      %cond3A = arith.constant 0 : i32
      %cond3A_24 = arith.cmpi ne, %convert_element_type3A, %cond3A : i32
      scf.if %cond3A_24 {
        %add3A_652 = arith.addi %min3A_3, %add3A_22 : i32
        %mul3A_653 = arith.constant 10000 : i32
        %mul3A_654 = arith.muli %add3A_652, %mul3A_653 : i32
        %dma_start3A_655 = tpu.memref_slice %arg2[%mul3A_654] : memref<100000000xf32, #tpu.memory_space<hbm>> -> memref<10000xf32, #tpu.memory_space<hbm>>
        %dma_start3A_656 = tpu.memref_slice %arg2[%mul3A_654] : memref<100000000xf32, #tpu.memory_space<hbm>> -> memref<10000xf32, #tpu.memory_space<hbm>>
        tpu.enqueue_dma source(%dma_start3A_656 : memref<10000xf32, #tpu.memory_space<hbm>>) target(%arg5 : memref<10000xf32, #tpu.memory_space<vmem>>) target_semaphore(%arg8 : memref<!tpu.dma_semaphore, #tpu.memory_space<semaphore_mem>>)
      } else {
      }
      %add3A_25 = arith.addi %min3A_3, %add3A_20 : i32
      %mul3A_26 = arith.constant 10000 : i32
      %mul3A_27 = arith.muli %add3A_25, %mul3A_26 : i32
      %dma_wait3A = tpu.memref_slice %arg2[%mul3A_27] : memref<100000000xf32, #tpu.memory_space<hbm>> -> memref<10000xf32, #tpu.memory_space<hbm>>
      %dma_wait3A_28 = tpu.memref_slice %arg2[%mul3A_27] : memref<100000000xf32, #tpu.memory_space<hbm>> -> memref<10000xf32, #tpu.memory_space<hbm>>
      tpu.wait_dma2 semaphore(%arg7 : memref<!tpu.dma_semaphore, #tpu.memory_space<semaphore_mem>>) src(%dma_wait3A_28 : memref<10000xf32, #tpu.memory_space<hbm>>) dst(%arg4 : memref<10000xf32, #tpu.memory_space<vmem>>)
      %broadcast_in_dim3A_29 = arith.constant 0.000000e+00 : f32
      %broadcast_in_dim3A_30 = vector.broadcast %broadcast_in_dim3A_29 : f32 to vector<16xf32>
      %scan3A_31 = arith.constant 0 : i32
      %scan3A_32 = arith.constant 624 : i32
      %scan3A_33 = arith.addi %scan3A_31, %scan3A_32 : i32
      %scan3A_34 = arith.constant 8 : i32
      %scan3A_35 = scf.for %scan3A_652 = %scan3A_31 to %scan3A_33 step %scan3A_34 iter_args(%scan3A_653 = %broadcast_in_dim3A_30) -> (vector<16xf32>)  : i32 {
        %mul3A_654 = arith.constant 16 : i32
        %mul3A_655 = arith.muli %scan3A_652, %mul3A_654 : i32
        %get3A_656 = arith.index_cast %mul3A_655 : i32 to index
        %get3A_657 = tpu.vector_load %arg4[%get3A_656] {strides = array<i32>} : memref<10000xf32, #tpu.memory_space<vmem>>, vector<16xf32>,
        %add3A_658 = arith.addf %scan3A_653, %get3A_657 : vector<16xf32>
        %scan3A_659 = arith.constant 1 : i32
        %scan3A_660 = arith.addi %scan3A_652, %scan3A_659 : i32
        %mul3A_661 = arith.constant 16 : i32
        %mul3A_662 = arith.muli %scan3A_660, %mul3A_661 : i32
        %get3A_663 = arith.index_cast %mul3A_662 : i32 to index
        %get3A_664 = tpu.vector_load %arg4[%get3A_663] {strides = array<i32>} : memref<10000xf32, #tpu.memory_space<vmem>>, vector<16xf32>,
        %add3A_665 = arith.addf %add3A_658, %get3A_664 : vector<16xf32>
        %scan3A_666 = arith.constant 2 : i32
        %scan3A_667 = arith.addi %scan3A_652, %scan3A_666 : i32
        %mul3A_668 = arith.constant 16 : i32
        %mul3A_669 = arith.muli %scan3A_667, %mul3A_668 : i32
        %get3A_670 = arith.index_cast %mul3A_669 : i32 to index
        %get3A_671 = tpu.vector_load %arg4[%get3A_670] {strides = array<i32>} : memref<10000xf32, #tpu.memory_space<vmem>>, vector<16xf32>,
        %add3A_672 = arith.addf %add3A_665, %get3A_671 : vector<16xf32>
        %scan3A_673 = arith.constant 3 : i32
        %scan3A_674 = arith.addi %scan3A_652, %scan3A_673 : i32
        %mul3A_675 = arith.constant 16 : i32
        %mul3A_676 = arith.muli %scan3A_674, %mul3A_675 : i32
        %get3A_677 = arith.index_cast %mul3A_676 : i32 to index
        %get3A_678 = tpu.vector_load %arg4[%get3A_677] {strides = array<i32>} : memref<10000xf32, #tpu.memory_space<vmem>>, vector<16xf32>,
        %add3A_679 = arith.addf %add3A_672, %get3A_678 : vector<16xf32>
        %scan3A_680 = arith.constant 4 : i32
        %scan3A_681 = arith.addi %scan3A_652, %scan3A_680 : i32
        %mul3A_682 = arith.constant 16 : i32
        %mul3A_683 = arith.muli %scan3A_681, %mul3A_682 : i32
        %get3A_684 = arith.index_cast %mul3A_683 : i32 to index
        %get3A_685 = tpu.vector_load %arg4[%get3A_684] {strides = array<i32>} : memref<10000xf32, #tpu.memory_space<vmem>>, vector<16xf32>,
        %add3A_686 = arith.addf %add3A_679, %get3A_685 : vector<16xf32>
        %scan3A_687 = arith.constant 5 : i32
        %scan3A_688 = arith.addi %scan3A_652, %scan3A_687 : i32
        %mul3A_689 = arith.constant 16 : i32
        %mul3A_690 = arith.muli %scan3A_688, %mul3A_689 : i32
        %get3A_691 = arith.index_cast %mul3A_690 : i32 to index
        %get3A_692 = tpu.vector_load %arg4[%get3A_691] {strides = array<i32>} : memref<10000xf32, #tpu.memory_space<vmem>>, vector<16xf32>,
        %add3A_693 = arith.addf %add3A_686, %get3A_692 : vector<16xf32>
        %scan3A_694 = arith.constant 6 : i32
        %scan3A_695 = arith.addi %scan3A_652, %scan3A_694 : i32
        %mul3A_696 = arith.constant 16 : i32
        %mul3A_697 = arith.muli %scan3A_695, %mul3A_696 : i32
        %get3A_698 = arith.index_cast %mul3A_697 : i32 to index
        %get3A_699 = tpu.vector_load %arg4[%get3A_698] {strides = array<i32>} : memref<10000xf32, #tpu.memory_space<vmem>>, vector<16xf32>,
        %add3A_700 = arith.addf %add3A_693, %get3A_699 : vector<16xf32>
        %scan3A_701 = arith.constant 7 : i32
        %scan3A_702 = arith.addi %scan3A_652, %scan3A_701 : i32
        %mul3A_703 = arith.constant 16 : i32
        %mul3A_704 = arith.muli %scan3A_702, %mul3A_703 : i32
        %get3A_705 = arith.index_cast %mul3A_704 : i32 to index
        %get3A_706 = tpu.vector_load %arg4[%get3A_705] {strides = array<i32>} : memref<10000xf32, #tpu.memory_space<vmem>>, vector<16xf32>,
        %add3A_707 = arith.addf %add3A_700, %get3A_706 : vector<16xf32>
        scf.yield %add3A_707 : vector<16xf32>
      }
      %scan3A_36 = arith.constant 624 : i32
      %scan3A_37 = arith.addi %scan3A_31, %scan3A_36 : i32
      %mul3A_38 = arith.constant 16 : i32
      %mul3A_39 = arith.muli %scan3A_37, %mul3A_38 : i32
      %get3A = arith.index_cast %mul3A_39 : i32 to index
      %get3A_40 = tpu.vector_load %arg4[%get3A] {strides = array<i32>} : memref<10000xf32, #tpu.memory_space<vmem>>, vector<16xf32>,
      %add3A_41 = arith.addf %scan3A_35, %get3A_40 : vector<16xf32>
      %scan3A_42 = arith.constant 625 : i32
      %eq3A = arith.constant 0 : i32
      %eq3A_43 = vector.broadcast %eq3A : i32 to vector<16xi32>
      %eq3A_44 = arith.cmpi eq, %iota3A, %eq3A_43 : vector<16xi32>
      %reduce_sum3A = arith.constant true
      %reduce_sum3A_45 = vector.broadcast %reduce_sum3A : i1 to vector<16xi1>
      %reduce_sum3A_46 = tpu.scan <sum>, %add3A_41 masked %reduce_sum3A_45 : vector<16xf32>, vector<16xi1> -> vector<16xf32>
      %reduce_sum3A_47 = vector.extract %reduce_sum3A_46[15] : f32 from vector<16xf32>
      %broadcast_in_dim3A_48 = vector.broadcast %reduce_sum3A_47 : f32 to vector<16xf32>
      %select_n3A = arith.select %eq3A_44, %broadcast_in_dim3A_48, %broadcast_in_dim3A_16 : vector<16xi1>, vector<16xf32>
      %mul3A_49 = arith.constant 16 : i32
      %mul3A_50 = arith.muli %add3A_15, %mul3A_49 : i32
      %add3A_51 = arith.constant 1 : i32
      %add3A_52 = arith.addi %mul3A_50, %add3A_51 : i32
      %add3A_53 = arith.constant 1 : i32
      %add3A_54 = arith.addi %add3A_52, %add3A_53 : i32
      %lt3A_55 = arith.constant 320 : i32
      %lt3A_56 = arith.cmpi slt, %add3A_54, %lt3A_55 : i32
      %convert_element_type3A_57 = arith.extui %lt3A_56 : i1 to i32
      %cond3A_58 = arith.constant 0 : i32
      %cond3A_59 = arith.cmpi ne, %convert_element_type3A_57, %cond3A_58 : i32
      scf.if %cond3A_59 {
        %add3A_652 = arith.addi %min3A_3, %add3A_54 : i32
        %mul3A_653 = arith.constant 10000 : i32
        %mul3A_654 = arith.muli %add3A_652, %mul3A_653 : i32
        %dma_start3A_655 = tpu.memref_slice %arg2[%mul3A_654] : memref<100000000xf32, #tpu.memory_space<hbm>> -> memref<10000xf32, #tpu.memory_space<hbm>>
        %dma_start3A_656 = tpu.memref_slice %arg2[%mul3A_654] : memref<100000000xf32, #tpu.memory_space<hbm>> -> memref<10000xf32, #tpu.memory_space<hbm>>
        tpu.enqueue_dma source(%dma_start3A_656 : memref<10000xf32, #tpu.memory_space<hbm>>) target(%arg4 : memref<10000xf32, #tpu.memory_space<vmem>>) target_semaphore(%arg7 : memref<!tpu.dma_semaphore, #tpu.memory_space<semaphore_mem>>)
      } else {
      }
      %add3A_60 = arith.addi %min3A_3, %add3A_52 : i32
      %mul3A_61 = arith.constant 10000 : i32
      %mul3A_62 = arith.muli %add3A_60, %mul3A_61 : i32
      %dma_wait3A_63 = tpu.memref_slice %arg2[%mul3A_62] : memref<100000000xf32, #tpu.memory_space<hbm>> -> memref<10000xf32, #tpu.memory_space<hbm>>
      %dma_wait3A_64 = tpu.memref_slice %arg2[%mul3A_62] : memref<100000000xf32, #tpu.memory_space<hbm>> -> memref<10000xf32, #tpu.memory_space<hbm>>
      tpu.wait_dma2 semaphore(%arg8 : memref<!tpu.dma_semaphore, #tpu.memory_space<semaphore_mem>>) src(%dma_wait3A_64 : memref<10000xf32, #tpu.memory_space<hbm>>) dst(%arg5 : memref<10000xf32, #tpu.memory_space<vmem>>)
      %broadcast_in_dim3A_65 = arith.constant 0.000000e+00 : f32
      %broadcast_in_dim3A_66 = vector.broadcast %broadcast_in_dim3A_65 : f32 to vector<16xf32>
      %scan3A_67 = arith.constant 0 : i32
      %scan3A_68 = arith.constant 624 : i32
      %scan3A_69 = arith.addi %scan3A_67, %scan3A_68 : i32
      %scan3A_70 = arith.constant 8 : i32
      %scan3A_71 = scf.for %scan3A_652 = %scan3A_67 to %scan3A_69 step %scan3A_70 iter_args(%scan3A_653 = %broadcast_in_dim3A_66) -> (vector<16xf32>)  : i32 {
        %mul3A_654 = arith.constant 16 : i32
        %mul3A_655 = arith.muli %scan3A_652, %mul3A_654 : i32
        %get3A_656 = arith.index_cast %mul3A_655 : i32 to index
        %get3A_657 = tpu.vector_load %arg5[%get3A_656] {strides = array<i32>} : memref<10000xf32, #tpu.memory_space<vmem>>, vector<16xf32>,
        %add3A_658 = arith.addf %scan3A_653, %get3A_657 : vector<16xf32>
        %scan3A_659 = arith.constant 1 : i32
        %scan3A_660 = arith.addi %scan3A_652, %scan3A_659 : i32
        %mul3A_661 = arith.constant 16 : i32
        %mul3A_662 = arith.muli %scan3A_660, %mul3A_661 : i32
        %get3A_663 = arith.index_cast %mul3A_662 : i32 to index
        %get3A_664 = tpu.vector_load %arg5[%get3A_663] {strides = array<i32>} : memref<10000xf32, #tpu.memory_space<vmem>>, vector<16xf32>,
        %add3A_665 = arith.addf %add3A_658, %get3A_664 : vector<16xf32>
        %scan3A_666 = arith.constant 2 : i32
        %scan3A_667 = arith.addi %scan3A_652, %scan3A_666 : i32
        %mul3A_668 = arith.constant 16 : i32
        %mul3A_669 = arith.muli %scan3A_667, %mul3A_668 : i32
        %get3A_670 = arith.index_cast %mul3A_669 : i32 to index
        %get3A_671 = tpu.vector_load %arg5[%get3A_670] {strides = array<i32>} : memref<10000xf32, #tpu.memory_space<vmem>>, vector<16xf32>,
        %add3A_672 = arith.addf %add3A_665, %get3A_671 : vector<16xf32>
        %scan3A_673 = arith.constant 3 : i32
        %scan3A_674 = arith.addi %scan3A_652, %scan3A_673 : i32
        %mul3A_675 = arith.constant 16 : i32
        %mul3A_676 = arith.muli %scan3A_674, %mul3A_675 : i32
        %get3A_677 = arith.index_cast %mul3A_676 : i32 to index
        %get3A_678 = tpu.vector_load %arg5[%get3A_677] {strides = array<i32>} : memref<10000xf32, #tpu.memory_space<vmem>>, vector<16xf32>,
        %add3A_679 = arith.addf %add3A_672, %get3A_678 : vector<16xf32>
        %scan3A_680 = arith.constant 4 : i32
        %scan3A_681 = arith.addi %scan3A_652, %scan3A_680 : i32
        %mul3A_682 = arith.constant 16 : i32
        %mul3A_683 = arith.muli %scan3A_681, %mul3A_682 : i32
        %get3A_684 = arith.index_cast %mul3A_683 : i32 to index
        %get3A_685 = tpu.vector_load %arg5[%get3A_684] {strides = array<i32>} : memref<10000xf32, #tpu.memory_space<vmem>>, vector<16xf32>,
        %add3A_686 = arith.addf %add3A_679, %get3A_685 : vector<16xf32>
        %scan3A_687 = arith.constant 5 : i32
        %scan3A_688 = arith.addi %scan3A_652, %scan3A_687 : i32
        %mul3A_689 = arith.constant 16 : i32
        %mul3A_690 = arith.muli %scan3A_688, %mul3A_689 : i32
        %get3A_691 = arith.index_cast %mul3A_690 : i32 to index
        %get3A_692 = tpu.vector_load %arg5[%get3A_691] {strides = array<i32>} : memref<10000xf32, #tpu.memory_space<vmem>>, vector<16xf32>,
        %add3A_693 = arith.addf %add3A_686, %get3A_692 : vector<16xf32>
        %scan3A_694 = arith.constant 6 : i32
        %scan3A_695 = arith.addi %scan3A_652, %scan3A_694 : i32
        %mul3A_696 = arith.constant 16 : i32
        %mul3A_697 = arith.muli %scan3A_695, %mul3A_696 : i32
        %get3A_698 = arith.index_cast %mul3A_697 : i32 to index
        %get3A_699 = tpu.vector_load %arg5[%get3A_698] {strides = array<i32>} : memref<10000xf32, #tpu.memory_space<vmem>>, vector<16xf32>,
        %add3A_700 = arith.addf %add3A_693, %get3A_699 : vector<16xf32>
        %scan3A_701 = arith.constant 7 : i32
        %scan3A_702 = arith.addi %scan3A_652, %scan3A_701 : i32
        %mul3A_703 = arith.constant 16 : i32
        %mul3A_704 = arith.muli %scan3A_702, %mul3A_703 : i32
        %get3A_705 = arith.index_cast %mul3A_704 : i32 to index
        %get3A_706 = tpu.vector_load %arg5[%get3A_705] {strides = array<i32>} : memref<10000xf32, #tpu.memory_space<vmem>>, vector<16xf32>,
        %add3A_707 = arith.addf %add3A_700, %get3A_706 : vector<16xf32>
        scf.yield %add3A_707 : vector<16xf32>
      }
      %scan3A_72 = arith.constant 624 : i32
      %scan3A_73 = arith.addi %scan3A_67, %scan3A_72 : i32
      %mul3A_74 = arith.constant 16 : i32
      %mul3A_75 = arith.muli %scan3A_73, %mul3A_74 : i32
      %get3A_76 = arith.index_cast %mul3A_75 : i32 to index
      %get3A_77 = tpu.vector_load %arg5[%get3A_76] {strides = array<i32>} : memref<10000xf32, #tpu.memory_space<vmem>>, vector<16xf32>,
      %add3A_78 = arith.addf %scan3A_71, %get3A_77 : vector<16xf32>
      %scan3A_79 = arith.constant 625 : i32
      %eq3A_80 = arith.constant 1 : i32
      %eq3A_81 = vector.broadcast %eq3A_80 : i32 to vector<16xi32>
      %eq3A_82 = arith.cmpi eq, %iota3A, %eq3A_81 : vector<16xi32>
      %reduce_sum3A_83 = arith.constant true
      %reduce_sum3A_84 = vector.broadcast %reduce_sum3A_83 : i1 to vector<16xi1>
      %reduce_sum3A_85 = tpu.scan <sum>, %add3A_78 masked %reduce_sum3A_84 : vector<16xf32>, vector<16xi1> -> vector<16xf32>
      %reduce_sum3A_86 = vector.extract %reduce_sum3A_85[15] : f32 from vector<16xf32>
      %broadcast_in_dim3A_87 = vector.broadcast %reduce_sum3A_86 : f32 to vector<16xf32>
      %select_n3A_88 = arith.select %eq3A_82, %broadcast_in_dim3A_87, %select_n3A : vector<16xi1>, vector<16xf32>
      %mul3A_89 = arith.constant 16 : i32
      %mul3A_90 = arith.muli %add3A_15, %mul3A_89 : i32
      %add3A_91 = arith.constant 2 : i32
      %add3A_92 = arith.addi %mul3A_90, %add3A_91 : i32
      %add3A_93 = arith.constant 1 : i32
      %add3A_94 = arith.addi %add3A_92, %add3A_93 : i32
      %lt3A_95 = arith.constant 320 : i32
      %lt3A_96 = arith.cmpi slt, %add3A_94, %lt3A_95 : i32
      %convert_element_type3A_97 = arith.extui %lt3A_96 : i1 to i32
      %cond3A_98 = arith.constant 0 : i32
      %cond3A_99 = arith.cmpi ne, %convert_element_type3A_97, %cond3A_98 : i32
      scf.if %cond3A_99 {
        %add3A_652 = arith.addi %min3A_3, %add3A_94 : i32
        %mul3A_653 = arith.constant 10000 : i32
        %mul3A_654 = arith.muli %add3A_652, %mul3A_653 : i32
        %dma_start3A_655 = tpu.memref_slice %arg2[%mul3A_654] : memref<100000000xf32, #tpu.memory_space<hbm>> -> memref<10000xf32, #tpu.memory_space<hbm>>
        %dma_start3A_656 = tpu.memref_slice %arg2[%mul3A_654] : memref<100000000xf32, #tpu.memory_space<hbm>> -> memref<10000xf32, #tpu.memory_space<hbm>>
        tpu.enqueue_dma source(%dma_start3A_656 : memref<10000xf32, #tpu.memory_space<hbm>>) target(%arg5 : memref<10000xf32, #tpu.memory_space<vmem>>) target_semaphore(%arg8 : memref<!tpu.dma_semaphore, #tpu.memory_space<semaphore_mem>>)
      } else {
      }
      %add3A_100 = arith.addi %min3A_3, %add3A_92 : i32
      %mul3A_101 = arith.constant 10000 : i32
      %mul3A_102 = arith.muli %add3A_100, %mul3A_101 : i32
      %dma_wait3A_103 = tpu.memref_slice %arg2[%mul3A_102] : memref<100000000xf32, #tpu.memory_space<hbm>> -> memref<10000xf32, #tpu.memory_space<hbm>>
      %dma_wait3A_104 = tpu.memref_slice %arg2[%mul3A_102] : memref<100000000xf32, #tpu.memory_space<hbm>> -> memref<10000xf32, #tpu.memory_space<hbm>>
      tpu.wait_dma2 semaphore(%arg7 : memref<!tpu.dma_semaphore, #tpu.memory_space<semaphore_mem>>) src(%dma_wait3A_104 : memref<10000xf32, #tpu.memory_space<hbm>>) dst(%arg4 : memref<10000xf32, #tpu.memory_space<vmem>>)
      %broadcast_in_dim3A_105 = arith.constant 0.000000e+00 : f32
      %broadcast_in_dim3A_106 = vector.broadcast %broadcast_in_dim3A_105 : f32 to vector<16xf32>
      %scan3A_107 = arith.constant 0 : i32
      %scan3A_108 = arith.constant 624 : i32
      %scan3A_109 = arith.addi %scan3A_107, %scan3A_108 : i32
      %scan3A_110 = arith.constant 8 : i32
      %scan3A_111 = scf.for %scan3A_652 = %scan3A_107 to %scan3A_109 step %scan3A_110 iter_args(%scan3A_653 = %broadcast_in_dim3A_106) -> (vector<16xf32>)  : i32 {
        %mul3A_654 = arith.constant 16 : i32
        %mul3A_655 = arith.muli %scan3A_652, %mul3A_654 : i32
        %get3A_656 = arith.index_cast %mul3A_655 : i32 to index
        %get3A_657 = tpu.vector_load %arg4[%get3A_656] {strides = array<i32>} : memref<10000xf32, #tpu.memory_space<vmem>>, vector<16xf32>,
        %add3A_658 = arith.addf %scan3A_653, %get3A_657 : vector<16xf32>
        %scan3A_659 = arith.constant 1 : i32
        %scan3A_660 = arith.addi %scan3A_652, %scan3A_659 : i32
        %mul3A_661 = arith.constant 16 : i32
        %mul3A_662 = arith.muli %scan3A_660, %mul3A_661 : i32
        %get3A_663 = arith.index_cast %mul3A_662 : i32 to index
        %get3A_664 = tpu.vector_load %arg4[%get3A_663] {strides = array<i32>} : memref<10000xf32, #tpu.memory_space<vmem>>, vector<16xf32>,
        %add3A_665 = arith.addf %add3A_658, %get3A_664 : vector<16xf32>
        %scan3A_666 = arith.constant 2 : i32
        %scan3A_667 = arith.addi %scan3A_652, %scan3A_666 : i32
        %mul3A_668 = arith.constant 16 : i32
        %mul3A_669 = arith.muli %scan3A_667, %mul3A_668 : i32
        %get3A_670 = arith.index_cast %mul3A_669 : i32 to index
        %get3A_671 = tpu.vector_load %arg4[%get3A_670] {strides = array<i32>} : memref<10000xf32, #tpu.memory_space<vmem>>, vector<16xf32>,
        %add3A_672 = arith.addf %add3A_665, %get3A_671 : vector<16xf32>
        %scan3A_673 = arith.constant 3 : i32
        %scan3A_674 = arith.addi %scan3A_652, %scan3A_673 : i32
        %mul3A_675 = arith.constant 16 : i32
        %mul3A_676 = arith.muli %scan3A_674, %mul3A_675 : i32
        %get3A_677 = arith.index_cast %mul3A_676 : i32 to index
        %get3A_678 = tpu.vector_load %arg4[%get3A_677] {strides = array<i32>} : memref<10000xf32, #tpu.memory_space<vmem>>, vector<16xf32>,
        %add3A_679 = arith.addf %add3A_672, %get3A_678 : vector<16xf32>
        %scan3A_680 = arith.constant 4 : i32
        %scan3A_681 = arith.addi %scan3A_652, %scan3A_680 : i32
        %mul3A_682 = arith.constant 16 : i32
        %mul3A_683 = arith.muli %scan3A_681, %mul3A_682 : i32
        %get3A_684 = arith.index_cast %mul3A_683 : i32 to index
        %get3A_685 = tpu.vector_load %arg4[%get3A_684] {strides = array<i32>} : memref<10000xf32, #tpu.memory_space<vmem>>, vector<16xf32>,
        %add3A_686 = arith.addf %add3A_679, %get3A_685 : vector<16xf32>
        %scan3A_687 = arith.constant 5 : i32
        %scan3A_688 = arith.addi %scan3A_652, %scan3A_687 : i32
        %mul3A_689 = arith.constant 16 : i32
        %mul3A_690 = arith.muli %scan3A_688, %mul3A_689 : i32
        %get3A_691 = arith.index_cast %mul3A_690 : i32 to index
        %get3A_692 = tpu.vector_load %arg4[%get3A_691] {strides = array<i32>} : memref<10000xf32, #tpu.memory_space<vmem>>, vector<16xf32>,
        %add3A_693 = arith.addf %add3A_686, %get3A_692 : vector<16xf32>
        %scan3A_694 = arith.constant 6 : i32
        %scan3A_695 = arith.addi %scan3A_652, %scan3A_694 : i32
        %mul3A_696 = arith.constant 16 : i32
        %mul3A_697 = arith.muli %scan3A_695, %mul3A_696 : i32
        %get3A_698 = arith.index_cast %mul3A_697 : i32 to index
        %get3A_699 = tpu.vector_load %arg4[%get3A_698] {strides = array<i32>} : memref<10000xf32, #tpu.memory_space<vmem>>, vector<16xf32>,
        %add3A_700 = arith.addf %add3A_693, %get3A_699 : vector<16xf32>
        %scan3A_701 = arith.constant 7 : i32
        %scan3A_702 = arith.addi %scan3A_652, %scan3A_701 : i32
        %mul3A_703 = arith.constant 16 : i32
        %mul3A_704 = arith.muli %scan3A_702, %mul3A_703 : i32
        %get3A_705 = arith.index_cast %mul3A_704 : i32 to index
        %get3A_706 = tpu.vector_load %arg4[%get3A_705] {strides = array<i32>} : memref<10000xf32, #tpu.memory_space<vmem>>, vector<16xf32>,
        %add3A_707 = arith.addf %add3A_700, %get3A_706 : vector<16xf32>
        scf.yield %add3A_707 : vector<16xf32>
      }
      %scan3A_112 = arith.constant 624 : i32
      %scan3A_113 = arith.addi %scan3A_107, %scan3A_112 : i32
      %mul3A_114 = arith.constant 16 : i32
      %mul3A_115 = arith.muli %scan3A_113, %mul3A_114 : i32
      %get3A_116 = arith.index_cast %mul3A_115 : i32 to index
      %get3A_117 = tpu.vector_load %arg4[%get3A_116] {strides = array<i32>} : memref<10000xf32, #tpu.memory_space<vmem>>, vector<16xf32>,
      %add3A_118 = arith.addf %scan3A_111, %get3A_117 : vector<16xf32>
      %scan3A_119 = arith.constant 625 : i32
      %eq3A_120 = arith.constant 2 : i32
      %eq3A_121 = vector.broadcast %eq3A_120 : i32 to vector<16xi32>
      %eq3A_122 = arith.cmpi eq, %iota3A, %eq3A_121 : vector<16xi32>
      %reduce_sum3A_123 = arith.constant true
      %reduce_sum3A_124 = vector.broadcast %reduce_sum3A_123 : i1 to vector<16xi1>
      %reduce_sum3A_125 = tpu.scan <sum>, %add3A_118 masked %reduce_sum3A_124 : vector<16xf32>, vector<16xi1> -> vector<16xf32>
      %reduce_sum3A_126 = vector.extract %reduce_sum3A_125[15] : f32 from vector<16xf32>
      %broadcast_in_dim3A_127 = vector.broadcast %reduce_sum3A_126 : f32 to vector<16xf32>
      %select_n3A_128 = arith.select %eq3A_122, %broadcast_in_dim3A_127, %select_n3A_88 : vector<16xi1>, vector<16xf32>
      %mul3A_129 = arith.constant 16 : i32
      %mul3A_130 = arith.muli %add3A_15, %mul3A_129 : i32
      %add3A_131 = arith.constant 3 : i32
      %add3A_132 = arith.addi %mul3A_130, %add3A_131 : i32
      %add3A_133 = arith.constant 1 : i32
      %add3A_134 = arith.addi %add3A_132, %add3A_133 : i32
      %lt3A_135 = arith.constant 320 : i32
      %lt3A_136 = arith.cmpi slt, %add3A_134, %lt3A_135 : i32
      %convert_element_type3A_137 = arith.extui %lt3A_136 : i1 to i32
      %cond3A_138 = arith.constant 0 : i32
      %cond3A_139 = arith.cmpi ne, %convert_element_type3A_137, %cond3A_138 : i32
      scf.if %cond3A_139 {
        %add3A_652 = arith.addi %min3A_3, %add3A_134 : i32
        %mul3A_653 = arith.constant 10000 : i32
        %mul3A_654 = arith.muli %add3A_652, %mul3A_653 : i32
        %dma_start3A_655 = tpu.memref_slice %arg2[%mul3A_654] : memref<100000000xf32, #tpu.memory_space<hbm>> -> memref<10000xf32, #tpu.memory_space<hbm>>
        %dma_start3A_656 = tpu.memref_slice %arg2[%mul3A_654] : memref<100000000xf32, #tpu.memory_space<hbm>> -> memref<10000xf32, #tpu.memory_space<hbm>>
        tpu.enqueue_dma source(%dma_start3A_656 : memref<10000xf32, #tpu.memory_space<hbm>>) target(%arg4 : memref<10000xf32, #tpu.memory_space<vmem>>) target_semaphore(%arg7 : memref<!tpu.dma_semaphore, #tpu.memory_space<semaphore_mem>>)
      } else {
      }
      %add3A_140 = arith.addi %min3A_3, %add3A_132 : i32
      %mul3A_141 = arith.constant 10000 : i32
      %mul3A_142 = arith.muli %add3A_140, %mul3A_141 : i32
      %dma_wait3A_143 = tpu.memref_slice %arg2[%mul3A_142] : memref<100000000xf32, #tpu.memory_space<hbm>> -> memref<10000xf32, #tpu.memory_space<hbm>>
      %dma_wait3A_144 = tpu.memref_slice %arg2[%mul3A_142] : memref<100000000xf32, #tpu.memory_space<hbm>> -> memref<10000xf32, #tpu.memory_space<hbm>>
      tpu.wait_dma2 semaphore(%arg8 : memref<!tpu.dma_semaphore, #tpu.memory_space<semaphore_mem>>) src(%dma_wait3A_144 : memref<10000xf32, #tpu.memory_space<hbm>>) dst(%arg5 : memref<10000xf32, #tpu.memory_space<vmem>>)
      %broadcast_in_dim3A_145 = arith.constant 0.000000e+00 : f32
      %broadcast_in_dim3A_146 = vector.broadcast %broadcast_in_dim3A_145 : f32 to vector<16xf32>
      %scan3A_147 = arith.constant 0 : i32
      %scan3A_148 = arith.constant 624 : i32
      %scan3A_149 = arith.addi %scan3A_147, %scan3A_148 : i32
      %scan3A_150 = arith.constant 8 : i32
      %scan3A_151 = scf.for %scan3A_652 = %scan3A_147 to %scan3A_149 step %scan3A_150 iter_args(%scan3A_653 = %broadcast_in_dim3A_146) -> (vector<16xf32>)  : i32 {
        %mul3A_654 = arith.constant 16 : i32
        %mul3A_655 = arith.muli %scan3A_652, %mul3A_654 : i32
        %get3A_656 = arith.index_cast %mul3A_655 : i32 to index
        %get3A_657 = tpu.vector_load %arg5[%get3A_656] {strides = array<i32>} : memref<10000xf32, #tpu.memory_space<vmem>>, vector<16xf32>,
        %add3A_658 = arith.addf %scan3A_653, %get3A_657 : vector<16xf32>
        %scan3A_659 = arith.constant 1 : i32
        %scan3A_660 = arith.addi %scan3A_652, %scan3A_659 : i32
        %mul3A_661 = arith.constant 16 : i32
        %mul3A_662 = arith.muli %scan3A_660, %mul3A_661 : i32
        %get3A_663 = arith.index_cast %mul3A_662 : i32 to index
        %get3A_664 = tpu.vector_load %arg5[%get3A_663] {strides = array<i32>} : memref<10000xf32, #tpu.memory_space<vmem>>, vector<16xf32>,
        %add3A_665 = arith.addf %add3A_658, %get3A_664 : vector<16xf32>
        %scan3A_666 = arith.constant 2 : i32
        %scan3A_667 = arith.addi %scan3A_652, %scan3A_666 : i32
        %mul3A_668 = arith.constant 16 : i32
        %mul3A_669 = arith.muli %scan3A_667, %mul3A_668 : i32
        %get3A_670 = arith.index_cast %mul3A_669 : i32 to index
        %get3A_671 = tpu.vector_load %arg5[%get3A_670] {strides = array<i32>} : memref<10000xf32, #tpu.memory_space<vmem>>, vector<16xf32>,
        %add3A_672 = arith.addf %add3A_665, %get3A_671 : vector<16xf32>
        %scan3A_673 = arith.constant 3 : i32
        %scan3A_674 = arith.addi %scan3A_652, %scan3A_673 : i32
        %mul3A_675 = arith.constant 16 : i32
        %mul3A_676 = arith.muli %scan3A_674, %mul3A_675 : i32
        %get3A_677 = arith.index_cast %mul3A_676 : i32 to index
        %get3A_678 = tpu.vector_load %arg5[%get3A_677] {strides = array<i32>} : memref<10000xf32, #tpu.memory_space<vmem>>, vector<16xf32>,
        %add3A_679 = arith.addf %add3A_672, %get3A_678 : vector<16xf32>
        %scan3A_680 = arith.constant 4 : i32
        %scan3A_681 = arith.addi %scan3A_652, %scan3A_680 : i32
        %mul3A_682 = arith.constant 16 : i32
        %mul3A_683 = arith.muli %scan3A_681, %mul3A_682 : i32
        %get3A_684 = arith.index_cast %mul3A_683 : i32 to index
        %get3A_685 = tpu.vector_load %arg5[%get3A_684] {strides = array<i32>} : memref<10000xf32, #tpu.memory_space<vmem>>, vector<16xf32>,
        %add3A_686 = arith.addf %add3A_679, %get3A_685 : vector<16xf32>
        %scan3A_687 = arith.constant 5 : i32
        %scan3A_688 = arith.addi %scan3A_652, %scan3A_687 : i32
        %mul3A_689 = arith.constant 16 : i32
        %mul3A_690 = arith.muli %scan3A_688, %mul3A_689 : i32
        %get3A_691 = arith.index_cast %mul3A_690 : i32 to index
        %get3A_692 = tpu.vector_load %arg5[%get3A_691] {strides = array<i32>} : memref<10000xf32, #tpu.memory_space<vmem>>, vector<16xf32>,
        %add3A_693 = arith.addf %add3A_686, %get3A_692 : vector<16xf32>
        %scan3A_694 = arith.constant 6 : i32
        %scan3A_695 = arith.addi %scan3A_652, %scan3A_694 : i32
        %mul3A_696 = arith.constant 16 : i32
        %mul3A_697 = arith.muli %scan3A_695, %mul3A_696 : i32
        %get3A_698 = arith.index_cast %mul3A_697 : i32 to index
        %get3A_699 = tpu.vector_load %arg5[%get3A_698] {strides = array<i32>} : memref<10000xf32, #tpu.memory_space<vmem>>, vector<16xf32>,
        %add3A_700 = arith.addf %add3A_693, %get3A_699 : vector<16xf32>
        %scan3A_701 = arith.constant 7 : i32
        %scan3A_702 = arith.addi %scan3A_652, %scan3A_701 : i32
        %mul3A_703 = arith.constant 16 : i32
        %mul3A_704 = arith.muli %scan3A_702, %mul3A_703 : i32
        %get3A_705 = arith.index_cast %mul3A_704 : i32 to index
        %get3A_706 = tpu.vector_load %arg5[%get3A_705] {strides = array<i32>} : memref<10000xf32, #tpu.memory_space<vmem>>, vector<16xf32>,
        %add3A_707 = arith.addf %add3A_700, %get3A_706 : vector<16xf32>
        scf.yield %add3A_707 : vector<16xf32>
      }
      %scan3A_152 = arith.constant 624 : i32
      %scan3A_153 = arith.addi %scan3A_147, %scan3A_152 : i32
      %mul3A_154 = arith.constant 16 : i32
      %mul3A_155 = arith.muli %scan3A_153, %mul3A_154 : i32
      %get3A_156 = arith.index_cast %mul3A_155 : i32 to index
      %get3A_157 = tpu.vector_load %arg5[%get3A_156] {strides = array<i32>} : memref<10000xf32, #tpu.memory_space<vmem>>, vector<16xf32>,
      %add3A_158 = arith.addf %scan3A_151, %get3A_157 : vector<16xf32>
      %scan3A_159 = arith.constant 625 : i32
      %eq3A_160 = arith.constant 3 : i32
      %eq3A_161 = vector.broadcast %eq3A_160 : i32 to vector<16xi32>
      %eq3A_162 = arith.cmpi eq, %iota3A, %eq3A_161 : vector<16xi32>
      %reduce_sum3A_163 = arith.constant true
      %reduce_sum3A_164 = vector.broadcast %reduce_sum3A_163 : i1 to vector<16xi1>
      %reduce_sum3A_165 = tpu.scan <sum>, %add3A_158 masked %reduce_sum3A_164 : vector<16xf32>, vector<16xi1> -> vector<16xf32>
      %reduce_sum3A_166 = vector.extract %reduce_sum3A_165[15] : f32 from vector<16xf32>
      %broadcast_in_dim3A_167 = vector.broadcast %reduce_sum3A_166 : f32 to vector<16xf32>
      %select_n3A_168 = arith.select %eq3A_162, %broadcast_in_dim3A_167, %select_n3A_128 : vector<16xi1>, vector<16xf32>
      %mul3A_169 = arith.constant 16 : i32
      %mul3A_170 = arith.muli %add3A_15, %mul3A_169 : i32
      %add3A_171 = arith.constant 4 : i32
      %add3A_172 = arith.addi %mul3A_170, %add3A_171 : i32
      %add3A_173 = arith.constant 1 : i32
      %add3A_174 = arith.addi %add3A_172, %add3A_173 : i32
      %lt3A_175 = arith.constant 320 : i32
      %lt3A_176 = arith.cmpi slt, %add3A_174, %lt3A_175 : i32
      %convert_element_type3A_177 = arith.extui %lt3A_176 : i1 to i32
      %cond3A_178 = arith.constant 0 : i32
      %cond3A_179 = arith.cmpi ne, %convert_element_type3A_177, %cond3A_178 : i32
      scf.if %cond3A_179 {
        %add3A_652 = arith.addi %min3A_3, %add3A_174 : i32
        %mul3A_653 = arith.constant 10000 : i32
        %mul3A_654 = arith.muli %add3A_652, %mul3A_653 : i32
        %dma_start3A_655 = tpu.memref_slice %arg2[%mul3A_654] : memref<100000000xf32, #tpu.memory_space<hbm>> -> memref<10000xf32, #tpu.memory_space<hbm>>
        %dma_start3A_656 = tpu.memref_slice %arg2[%mul3A_654] : memref<100000000xf32, #tpu.memory_space<hbm>> -> memref<10000xf32, #tpu.memory_space<hbm>>
        tpu.enqueue_dma source(%dma_start3A_656 : memref<10000xf32, #tpu.memory_space<hbm>>) target(%arg5 : memref<10000xf32, #tpu.memory_space<vmem>>) target_semaphore(%arg8 : memref<!tpu.dma_semaphore, #tpu.memory_space<semaphore_mem>>)
      } else {
      }
      %add3A_180 = arith.addi %min3A_3, %add3A_172 : i32
      %mul3A_181 = arith.constant 10000 : i32
      %mul3A_182 = arith.muli %add3A_180, %mul3A_181 : i32
      %dma_wait3A_183 = tpu.memref_slice %arg2[%mul3A_182] : memref<100000000xf32, #tpu.memory_space<hbm>> -> memref<10000xf32, #tpu.memory_space<hbm>>
      %dma_wait3A_184 = tpu.memref_slice %arg2[%mul3A_182] : memref<100000000xf32, #tpu.memory_space<hbm>> -> memref<10000xf32, #tpu.memory_space<hbm>>
      tpu.wait_dma2 semaphore(%arg7 : memref<!tpu.dma_semaphore, #tpu.memory_space<semaphore_mem>>) src(%dma_wait3A_184 : memref<10000xf32, #tpu.memory_space<hbm>>) dst(%arg4 : memref<10000xf32, #tpu.memory_space<vmem>>)
      %broadcast_in_dim3A_185 = arith.constant 0.000000e+00 : f32
      %broadcast_in_dim3A_186 = vector.broadcast %broadcast_in_dim3A_185 : f32 to vector<16xf32>
      %scan3A_187 = arith.constant 0 : i32
      %scan3A_188 = arith.constant 624 : i32
      %scan3A_189 = arith.addi %scan3A_187, %scan3A_188 : i32
      %scan3A_190 = arith.constant 8 : i32
      %scan3A_191 = scf.for %scan3A_652 = %scan3A_187 to %scan3A_189 step %scan3A_190 iter_args(%scan3A_653 = %broadcast_in_dim3A_186) -> (vector<16xf32>)  : i32 {
        %mul3A_654 = arith.constant 16 : i32
        %mul3A_655 = arith.muli %scan3A_652, %mul3A_654 : i32
        %get3A_656 = arith.index_cast %mul3A_655 : i32 to index
        %get3A_657 = tpu.vector_load %arg4[%get3A_656] {strides = array<i32>} : memref<10000xf32, #tpu.memory_space<vmem>>, vector<16xf32>,
        %add3A_658 = arith.addf %scan3A_653, %get3A_657 : vector<16xf32>
        %scan3A_659 = arith.constant 1 : i32
        %scan3A_660 = arith.addi %scan3A_652, %scan3A_659 : i32
        %mul3A_661 = arith.constant 16 : i32
        %mul3A_662 = arith.muli %scan3A_660, %mul3A_661 : i32
        %get3A_663 = arith.index_cast %mul3A_662 : i32 to index
        %get3A_664 = tpu.vector_load %arg4[%get3A_663] {strides = array<i32>} : memref<10000xf32, #tpu.memory_space<vmem>>, vector<16xf32>,
        %add3A_665 = arith.addf %add3A_658, %get3A_664 : vector<16xf32>
        %scan3A_666 = arith.constant 2 : i32
        %scan3A_667 = arith.addi %scan3A_652, %scan3A_666 : i32
        %mul3A_668 = arith.constant 16 : i32
        %mul3A_669 = arith.muli %scan3A_667, %mul3A_668 : i32
        %get3A_670 = arith.index_cast %mul3A_669 : i32 to index
        %get3A_671 = tpu.vector_load %arg4[%get3A_670] {strides = array<i32>} : memref<10000xf32, #tpu.memory_space<vmem>>, vector<16xf32>,
        %add3A_672 = arith.addf %add3A_665, %get3A_671 : vector<16xf32>
        %scan3A_673 = arith.constant 3 : i32
        %scan3A_674 = arith.addi %scan3A_652, %scan3A_673 : i32
        %mul3A_675 = arith.constant 16 : i32
        %mul3A_676 = arith.muli %scan3A_674, %mul3A_675 : i32
        %get3A_677 = arith.index_cast %mul3A_676 : i32 to index
        %get3A_678 = tpu.vector_load %arg4[%get3A_677] {strides = array<i32>} : memref<10000xf32, #tpu.memory_space<vmem>>, vector<16xf32>,
        %add3A_679 = arith.addf %add3A_672, %get3A_678 : vector<16xf32>
        %scan3A_680 = arith.constant 4 : i32
        %scan3A_681 = arith.addi %scan3A_652, %scan3A_680 : i32
        %mul3A_682 = arith.constant 16 : i32
        %mul3A_683 = arith.muli %scan3A_681, %mul3A_682 : i32
        %get3A_684 = arith.index_cast %mul3A_683 : i32 to index
        %get3A_685 = tpu.vector_load %arg4[%get3A_684] {strides = array<i32>} : memref<10000xf32, #tpu.memory_space<vmem>>, vector<16xf32>,
        %add3A_686 = arith.addf %add3A_679, %get3A_685 : vector<16xf32>
        %scan3A_687 = arith.constant 5 : i32
        %scan3A_688 = arith.addi %scan3A_652, %scan3A_687 : i32
        %mul3A_689 = arith.constant 16 : i32
        %mul3A_690 = arith.muli %scan3A_688, %mul3A_689 : i32
        %get3A_691 = arith.index_cast %mul3A_690 : i32 to index
        %get3A_692 = tpu.vector_load %arg4[%get3A_691] {strides = array<i32>} : memref<10000xf32, #tpu.memory_space<vmem>>, vector<16xf32>,
        %add3A_693 = arith.addf %add3A_686, %get3A_692 : vector<16xf32>
        %scan3A_694 = arith.constant 6 : i32
        %scan3A_695 = arith.addi %scan3A_652, %scan3A_694 : i32
        %mul3A_696 = arith.constant 16 : i32
        %mul3A_697 = arith.muli %scan3A_695, %mul3A_696 : i32
        %get3A_698 = arith.index_cast %mul3A_697 : i32 to index
        %get3A_699 = tpu.vector_load %arg4[%get3A_698] {strides = array<i32>} : memref<10000xf32, #tpu.memory_space<vmem>>, vector<16xf32>,
        %add3A_700 = arith.addf %add3A_693, %get3A_699 : vector<16xf32>
        %scan3A_701 = arith.constant 7 : i32
        %scan3A_702 = arith.addi %scan3A_652, %scan3A_701 : i32
        %mul3A_703 = arith.constant 16 : i32
        %mul3A_704 = arith.muli %scan3A_702, %mul3A_703 : i32
        %get3A_705 = arith.index_cast %mul3A_704 : i32 to index
        %get3A_706 = tpu.vector_load %arg4[%get3A_705] {strides = array<i32>} : memref<10000xf32, #tpu.memory_space<vmem>>, vector<16xf32>,
        %add3A_707 = arith.addf %add3A_700, %get3A_706 : vector<16xf32>
        scf.yield %add3A_707 : vector<16xf32>
      }
      %scan3A_192 = arith.constant 624 : i32
      %scan3A_193 = arith.addi %scan3A_187, %scan3A_192 : i32
      %mul3A_194 = arith.constant 16 : i32
      %mul3A_195 = arith.muli %scan3A_193, %mul3A_194 : i32
      %get3A_196 = arith.index_cast %mul3A_195 : i32 to index
      %get3A_197 = tpu.vector_load %arg4[%get3A_196] {strides = array<i32>} : memref<10000xf32, #tpu.memory_space<vmem>>, vector<16xf32>,
      %add3A_198 = arith.addf %scan3A_191, %get3A_197 : vector<16xf32>
      %scan3A_199 = arith.constant 625 : i32
      %eq3A_200 = arith.constant 4 : i32
      %eq3A_201 = vector.broadcast %eq3A_200 : i32 to vector<16xi32>
      %eq3A_202 = arith.cmpi eq, %iota3A, %eq3A_201 : vector<16xi32>
      %reduce_sum3A_203 = arith.constant true
      %reduce_sum3A_204 = vector.broadcast %reduce_sum3A_203 : i1 to vector<16xi1>
      %reduce_sum3A_205 = tpu.scan <sum>, %add3A_198 masked %reduce_sum3A_204 : vector<16xf32>, vector<16xi1> -> vector<16xf32>
      %reduce_sum3A_206 = vector.extract %reduce_sum3A_205[15] : f32 from vector<16xf32>
      %broadcast_in_dim3A_207 = vector.broadcast %reduce_sum3A_206 : f32 to vector<16xf32>
      %select_n3A_208 = arith.select %eq3A_202, %broadcast_in_dim3A_207, %select_n3A_168 : vector<16xi1>, vector<16xf32>
      %mul3A_209 = arith.constant 16 : i32
      %mul3A_210 = arith.muli %add3A_15, %mul3A_209 : i32
      %add3A_211 = arith.constant 5 : i32
      %add3A_212 = arith.addi %mul3A_210, %add3A_211 : i32
      %add3A_213 = arith.constant 1 : i32
      %add3A_214 = arith.addi %add3A_212, %add3A_213 : i32
      %lt3A_215 = arith.constant 320 : i32
      %lt3A_216 = arith.cmpi slt, %add3A_214, %lt3A_215 : i32
      %convert_element_type3A_217 = arith.extui %lt3A_216 : i1 to i32
      %cond3A_218 = arith.constant 0 : i32
      %cond3A_219 = arith.cmpi ne, %convert_element_type3A_217, %cond3A_218 : i32
      scf.if %cond3A_219 {
        %add3A_652 = arith.addi %min3A_3, %add3A_214 : i32
        %mul3A_653 = arith.constant 10000 : i32
        %mul3A_654 = arith.muli %add3A_652, %mul3A_653 : i32
        %dma_start3A_655 = tpu.memref_slice %arg2[%mul3A_654] : memref<100000000xf32, #tpu.memory_space<hbm>> -> memref<10000xf32, #tpu.memory_space<hbm>>
        %dma_start3A_656 = tpu.memref_slice %arg2[%mul3A_654] : memref<100000000xf32, #tpu.memory_space<hbm>> -> memref<10000xf32, #tpu.memory_space<hbm>>
        tpu.enqueue_dma source(%dma_start3A_656 : memref<10000xf32, #tpu.memory_space<hbm>>) target(%arg4 : memref<10000xf32, #tpu.memory_space<vmem>>) target_semaphore(%arg7 : memref<!tpu.dma_semaphore, #tpu.memory_space<semaphore_mem>>)
      } else {
      }
      %add3A_220 = arith.addi %min3A_3, %add3A_212 : i32
      %mul3A_221 = arith.constant 10000 : i32
      %mul3A_222 = arith.muli %add3A_220, %mul3A_221 : i32
      %dma_wait3A_223 = tpu.memref_slice %arg2[%mul3A_222] : memref<100000000xf32, #tpu.memory_space<hbm>> -> memref<10000xf32, #tpu.memory_space<hbm>>
      %dma_wait3A_224 = tpu.memref_slice %arg2[%mul3A_222] : memref<100000000xf32, #tpu.memory_space<hbm>> -> memref<10000xf32, #tpu.memory_space<hbm>>
      tpu.wait_dma2 semaphore(%arg8 : memref<!tpu.dma_semaphore, #tpu.memory_space<semaphore_mem>>) src(%dma_wait3A_224 : memref<10000xf32, #tpu.memory_space<hbm>>) dst(%arg5 : memref<10000xf32, #tpu.memory_space<vmem>>)
      %broadcast_in_dim3A_225 = arith.constant 0.000000e+00 : f32
      %broadcast_in_dim3A_226 = vector.broadcast %broadcast_in_dim3A_225 : f32 to vector<16xf32>
      %scan3A_227 = arith.constant 0 : i32
      %scan3A_228 = arith.constant 624 : i32
      %scan3A_229 = arith.addi %scan3A_227, %scan3A_228 : i32
      %scan3A_230 = arith.constant 8 : i32
      %scan3A_231 = scf.for %scan3A_652 = %scan3A_227 to %scan3A_229 step %scan3A_230 iter_args(%scan3A_653 = %broadcast_in_dim3A_226) -> (vector<16xf32>)  : i32 {
        %mul3A_654 = arith.constant 16 : i32
        %mul3A_655 = arith.muli %scan3A_652, %mul3A_654 : i32
        %get3A_656 = arith.index_cast %mul3A_655 : i32 to index
        %get3A_657 = tpu.vector_load %arg5[%get3A_656] {strides = array<i32>} : memref<10000xf32, #tpu.memory_space<vmem>>, vector<16xf32>,
        %add3A_658 = arith.addf %scan3A_653, %get3A_657 : vector<16xf32>
        %scan3A_659 = arith.constant 1 : i32
        %scan3A_660 = arith.addi %scan3A_652, %scan3A_659 : i32
        %mul3A_661 = arith.constant 16 : i32
        %mul3A_662 = arith.muli %scan3A_660, %mul3A_661 : i32
        %get3A_663 = arith.index_cast %mul3A_662 : i32 to index
        %get3A_664 = tpu.vector_load %arg5[%get3A_663] {strides = array<i32>} : memref<10000xf32, #tpu.memory_space<vmem>>, vector<16xf32>,
        %add3A_665 = arith.addf %add3A_658, %get3A_664 : vector<16xf32>
        %scan3A_666 = arith.constant 2 : i32
        %scan3A_667 = arith.addi %scan3A_652, %scan3A_666 : i32
        %mul3A_668 = arith.constant 16 : i32
        %mul3A_669 = arith.muli %scan3A_667, %mul3A_668 : i32
        %get3A_670 = arith.index_cast %mul3A_669 : i32 to index
        %get3A_671 = tpu.vector_load %arg5[%get3A_670] {strides = array<i32>} : memref<10000xf32, #tpu.memory_space<vmem>>, vector<16xf32>,
        %add3A_672 = arith.addf %add3A_665, %get3A_671 : vector<16xf32>
        %scan3A_673 = arith.constant 3 : i32
        %scan3A_674 = arith.addi %scan3A_652, %scan3A_673 : i32
        %mul3A_675 = arith.constant 16 : i32
        %mul3A_676 = arith.muli %scan3A_674, %mul3A_675 : i32
        %get3A_677 = arith.index_cast %mul3A_676 : i32 to index
        %get3A_678 = tpu.vector_load %arg5[%get3A_677] {strides = array<i32>} : memref<10000xf32, #tpu.memory_space<vmem>>, vector<16xf32>,
        %add3A_679 = arith.addf %add3A_672, %get3A_678 : vector<16xf32>
        %scan3A_680 = arith.constant 4 : i32
        %scan3A_681 = arith.addi %scan3A_652, %scan3A_680 : i32
        %mul3A_682 = arith.constant 16 : i32
        %mul3A_683 = arith.muli %scan3A_681, %mul3A_682 : i32
        %get3A_684 = arith.index_cast %mul3A_683 : i32 to index
        %get3A_685 = tpu.vector_load %arg5[%get3A_684] {strides = array<i32>} : memref<10000xf32, #tpu.memory_space<vmem>>, vector<16xf32>,
        %add3A_686 = arith.addf %add3A_679, %get3A_685 : vector<16xf32>
        %scan3A_687 = arith.constant 5 : i32
        %scan3A_688 = arith.addi %scan3A_652, %scan3A_687 : i32
        %mul3A_689 = arith.constant 16 : i32
        %mul3A_690 = arith.muli %scan3A_688, %mul3A_689 : i32
        %get3A_691 = arith.index_cast %mul3A_690 : i32 to index
        %get3A_692 = tpu.vector_load %arg5[%get3A_691] {strides = array<i32>} : memref<10000xf32, #tpu.memory_space<vmem>>, vector<16xf32>,
        %add3A_693 = arith.addf %add3A_686, %get3A_692 : vector<16xf32>
        %scan3A_694 = arith.constant 6 : i32
        %scan3A_695 = arith.addi %scan3A_652, %scan3A_694 : i32
        %mul3A_696 = arith.constant 16 : i32
        %mul3A_697 = arith.muli %scan3A_695, %mul3A_696 : i32
        %get3A_698 = arith.index_cast %mul3A_697 : i32 to index
        %get3A_699 = tpu.vector_load %arg5[%get3A_698] {strides = array<i32>} : memref<10000xf32, #tpu.memory_space<vmem>>, vector<16xf32>,
        %add3A_700 = arith.addf %add3A_693, %get3A_699 : vector<16xf32>
        %scan3A_701 = arith.constant 7 : i32
        %scan3A_702 = arith.addi %scan3A_652, %scan3A_701 : i32
        %mul3A_703 = arith.constant 16 : i32
        %mul3A_704 = arith.muli %scan3A_702, %mul3A_703 : i32
        %get3A_705 = arith.index_cast %mul3A_704 : i32 to index
        %get3A_706 = tpu.vector_load %arg5[%get3A_705] {strides = array<i32>} : memref<10000xf32, #tpu.memory_space<vmem>>, vector<16xf32>,
        %add3A_707 = arith.addf %add3A_700, %get3A_706 : vector<16xf32>
        scf.yield %add3A_707 : vector<16xf32>
      }
      %scan3A_232 = arith.constant 624 : i32
      %scan3A_233 = arith.addi %scan3A_227, %scan3A_232 : i32
      %mul3A_234 = arith.constant 16 : i32
      %mul3A_235 = arith.muli %scan3A_233, %mul3A_234 : i32
      %get3A_236 = arith.index_cast %mul3A_235 : i32 to index
      %get3A_237 = tpu.vector_load %arg5[%get3A_236] {strides = array<i32>} : memref<10000xf32, #tpu.memory_space<vmem>>, vector<16xf32>,
      %add3A_238 = arith.addf %scan3A_231, %get3A_237 : vector<16xf32>
      %scan3A_239 = arith.constant 625 : i32
      %eq3A_240 = arith.constant 5 : i32
      %eq3A_241 = vector.broadcast %eq3A_240 : i32 to vector<16xi32>
      %eq3A_242 = arith.cmpi eq, %iota3A, %eq3A_241 : vector<16xi32>
      %reduce_sum3A_243 = arith.constant true
      %reduce_sum3A_244 = vector.broadcast %reduce_sum3A_243 : i1 to vector<16xi1>
      %reduce_sum3A_245 = tpu.scan <sum>, %add3A_238 masked %reduce_sum3A_244 : vector<16xf32>, vector<16xi1> -> vector<16xf32>
      %reduce_sum3A_246 = vector.extract %reduce_sum3A_245[15] : f32 from vector<16xf32>
      %broadcast_in_dim3A_247 = vector.broadcast %reduce_sum3A_246 : f32 to vector<16xf32>
      %select_n3A_248 = arith.select %eq3A_242, %broadcast_in_dim3A_247, %select_n3A_208 : vector<16xi1>, vector<16xf32>
      %mul3A_249 = arith.constant 16 : i32
      %mul3A_250 = arith.muli %add3A_15, %mul3A_249 : i32
      %add3A_251 = arith.constant 6 : i32
      %add3A_252 = arith.addi %mul3A_250, %add3A_251 : i32
      %add3A_253 = arith.constant 1 : i32
      %add3A_254 = arith.addi %add3A_252, %add3A_253 : i32
      %lt3A_255 = arith.constant 320 : i32
      %lt3A_256 = arith.cmpi slt, %add3A_254, %lt3A_255 : i32
      %convert_element_type3A_257 = arith.extui %lt3A_256 : i1 to i32
      %cond3A_258 = arith.constant 0 : i32
      %cond3A_259 = arith.cmpi ne, %convert_element_type3A_257, %cond3A_258 : i32
      scf.if %cond3A_259 {
        %add3A_652 = arith.addi %min3A_3, %add3A_254 : i32
        %mul3A_653 = arith.constant 10000 : i32
        %mul3A_654 = arith.muli %add3A_652, %mul3A_653 : i32
        %dma_start3A_655 = tpu.memref_slice %arg2[%mul3A_654] : memref<100000000xf32, #tpu.memory_space<hbm>> -> memref<10000xf32, #tpu.memory_space<hbm>>
        %dma_start3A_656 = tpu.memref_slice %arg2[%mul3A_654] : memref<100000000xf32, #tpu.memory_space<hbm>> -> memref<10000xf32, #tpu.memory_space<hbm>>
        tpu.enqueue_dma source(%dma_start3A_656 : memref<10000xf32, #tpu.memory_space<hbm>>) target(%arg5 : memref<10000xf32, #tpu.memory_space<vmem>>) target_semaphore(%arg8 : memref<!tpu.dma_semaphore, #tpu.memory_space<semaphore_mem>>)
      } else {
      }
      %add3A_260 = arith.addi %min3A_3, %add3A_252 : i32
      %mul3A_261 = arith.constant 10000 : i32
      %mul3A_262 = arith.muli %add3A_260, %mul3A_261 : i32
      %dma_wait3A_263 = tpu.memref_slice %arg2[%mul3A_262] : memref<100000000xf32, #tpu.memory_space<hbm>> -> memref<10000xf32, #tpu.memory_space<hbm>>
      %dma_wait3A_264 = tpu.memref_slice %arg2[%mul3A_262] : memref<100000000xf32, #tpu.memory_space<hbm>> -> memref<10000xf32, #tpu.memory_space<hbm>>
      tpu.wait_dma2 semaphore(%arg7 : memref<!tpu.dma_semaphore, #tpu.memory_space<semaphore_mem>>) src(%dma_wait3A_264 : memref<10000xf32, #tpu.memory_space<hbm>>) dst(%arg4 : memref<10000xf32, #tpu.memory_space<vmem>>)
      %broadcast_in_dim3A_265 = arith.constant 0.000000e+00 : f32
      %broadcast_in_dim3A_266 = vector.broadcast %broadcast_in_dim3A_265 : f32 to vector<16xf32>
      %scan3A_267 = arith.constant 0 : i32
      %scan3A_268 = arith.constant 624 : i32
      %scan3A_269 = arith.addi %scan3A_267, %scan3A_268 : i32
      %scan3A_270 = arith.constant 8 : i32
      %scan3A_271 = scf.for %scan3A_652 = %scan3A_267 to %scan3A_269 step %scan3A_270 iter_args(%scan3A_653 = %broadcast_in_dim3A_266) -> (vector<16xf32>)  : i32 {
        %mul3A_654 = arith.constant 16 : i32
        %mul3A_655 = arith.muli %scan3A_652, %mul3A_654 : i32
        %get3A_656 = arith.index_cast %mul3A_655 : i32 to index
        %get3A_657 = tpu.vector_load %arg4[%get3A_656] {strides = array<i32>} : memref<10000xf32, #tpu.memory_space<vmem>>, vector<16xf32>,
        %add3A_658 = arith.addf %scan3A_653, %get3A_657 : vector<16xf32>
        %scan3A_659 = arith.constant 1 : i32
        %scan3A_660 = arith.addi %scan3A_652, %scan3A_659 : i32
        %mul3A_661 = arith.constant 16 : i32
        %mul3A_662 = arith.muli %scan3A_660, %mul3A_661 : i32
        %get3A_663 = arith.index_cast %mul3A_662 : i32 to index
        %get3A_664 = tpu.vector_load %arg4[%get3A_663] {strides = array<i32>} : memref<10000xf32, #tpu.memory_space<vmem>>, vector<16xf32>,
        %add3A_665 = arith.addf %add3A_658, %get3A_664 : vector<16xf32>
        %scan3A_666 = arith.constant 2 : i32
        %scan3A_667 = arith.addi %scan3A_652, %scan3A_666 : i32
        %mul3A_668 = arith.constant 16 : i32
        %mul3A_669 = arith.muli %scan3A_667, %mul3A_668 : i32
        %get3A_670 = arith.index_cast %mul3A_669 : i32 to index
        %get3A_671 = tpu.vector_load %arg4[%get3A_670] {strides = array<i32>} : memref<10000xf32, #tpu.memory_space<vmem>>, vector<16xf32>,
        %add3A_672 = arith.addf %add3A_665, %get3A_671 : vector<16xf32>
        %scan3A_673 = arith.constant 3 : i32
        %scan3A_674 = arith.addi %scan3A_652, %scan3A_673 : i32
        %mul3A_675 = arith.constant 16 : i32
        %mul3A_676 = arith.muli %scan3A_674, %mul3A_675 : i32
        %get3A_677 = arith.index_cast %mul3A_676 : i32 to index
        %get3A_678 = tpu.vector_load %arg4[%get3A_677] {strides = array<i32>} : memref<10000xf32, #tpu.memory_space<vmem>>, vector<16xf32>,
        %add3A_679 = arith.addf %add3A_672, %get3A_678 : vector<16xf32>
        %scan3A_680 = arith.constant 4 : i32
        %scan3A_681 = arith.addi %scan3A_652, %scan3A_680 : i32
        %mul3A_682 = arith.constant 16 : i32
        %mul3A_683 = arith.muli %scan3A_681, %mul3A_682 : i32
        %get3A_684 = arith.index_cast %mul3A_683 : i32 to index
        %get3A_685 = tpu.vector_load %arg4[%get3A_684] {strides = array<i32>} : memref<10000xf32, #tpu.memory_space<vmem>>, vector<16xf32>,
        %add3A_686 = arith.addf %add3A_679, %get3A_685 : vector<16xf32>
        %scan3A_687 = arith.constant 5 : i32
        %scan3A_688 = arith.addi %scan3A_652, %scan3A_687 : i32
        %mul3A_689 = arith.constant 16 : i32
        %mul3A_690 = arith.muli %scan3A_688, %mul3A_689 : i32
        %get3A_691 = arith.index_cast %mul3A_690 : i32 to index
        %get3A_692 = tpu.vector_load %arg4[%get3A_691] {strides = array<i32>} : memref<10000xf32, #tpu.memory_space<vmem>>, vector<16xf32>,
        %add3A_693 = arith.addf %add3A_686, %get3A_692 : vector<16xf32>
        %scan3A_694 = arith.constant 6 : i32
        %scan3A_695 = arith.addi %scan3A_652, %scan3A_694 : i32
        %mul3A_696 = arith.constant 16 : i32
        %mul3A_697 = arith.muli %scan3A_695, %mul3A_696 : i32
        %get3A_698 = arith.index_cast %mul3A_697 : i32 to index
        %get3A_699 = tpu.vector_load %arg4[%get3A_698] {strides = array<i32>} : memref<10000xf32, #tpu.memory_space<vmem>>, vector<16xf32>,
        %add3A_700 = arith.addf %add3A_693, %get3A_699 : vector<16xf32>
        %scan3A_701 = arith.constant 7 : i32
        %scan3A_702 = arith.addi %scan3A_652, %scan3A_701 : i32
        %mul3A_703 = arith.constant 16 : i32
        %mul3A_704 = arith.muli %scan3A_702, %mul3A_703 : i32
        %get3A_705 = arith.index_cast %mul3A_704 : i32 to index
        %get3A_706 = tpu.vector_load %arg4[%get3A_705] {strides = array<i32>} : memref<10000xf32, #tpu.memory_space<vmem>>, vector<16xf32>,
        %add3A_707 = arith.addf %add3A_700, %get3A_706 : vector<16xf32>
        scf.yield %add3A_707 : vector<16xf32>
      }
      %scan3A_272 = arith.constant 624 : i32
      %scan3A_273 = arith.addi %scan3A_267, %scan3A_272 : i32
      %mul3A_274 = arith.constant 16 : i32
      %mul3A_275 = arith.muli %scan3A_273, %mul3A_274 : i32
      %get3A_276 = arith.index_cast %mul3A_275 : i32 to index
      %get3A_277 = tpu.vector_load %arg4[%get3A_276] {strides = array<i32>} : memref<10000xf32, #tpu.memory_space<vmem>>, vector<16xf32>,
      %add3A_278 = arith.addf %scan3A_271, %get3A_277 : vector<16xf32>
      %scan3A_279 = arith.constant 625 : i32
      %eq3A_280 = arith.constant 6 : i32
      %eq3A_281 = vector.broadcast %eq3A_280 : i32 to vector<16xi32>
      %eq3A_282 = arith.cmpi eq, %iota3A, %eq3A_281 : vector<16xi32>
      %reduce_sum3A_283 = arith.constant true
      %reduce_sum3A_284 = vector.broadcast %reduce_sum3A_283 : i1 to vector<16xi1>
      %reduce_sum3A_285 = tpu.scan <sum>, %add3A_278 masked %reduce_sum3A_284 : vector<16xf32>, vector<16xi1> -> vector<16xf32>
      %reduce_sum3A_286 = vector.extract %reduce_sum3A_285[15] : f32 from vector<16xf32>
      %broadcast_in_dim3A_287 = vector.broadcast %reduce_sum3A_286 : f32 to vector<16xf32>
      %select_n3A_288 = arith.select %eq3A_282, %broadcast_in_dim3A_287, %select_n3A_248 : vector<16xi1>, vector<16xf32>
      %mul3A_289 = arith.constant 16 : i32
      %mul3A_290 = arith.muli %add3A_15, %mul3A_289 : i32
      %add3A_291 = arith.constant 7 : i32
      %add3A_292 = arith.addi %mul3A_290, %add3A_291 : i32
      %add3A_293 = arith.constant 1 : i32
      %add3A_294 = arith.addi %add3A_292, %add3A_293 : i32
      %lt3A_295 = arith.constant 320 : i32
      %lt3A_296 = arith.cmpi slt, %add3A_294, %lt3A_295 : i32
      %convert_element_type3A_297 = arith.extui %lt3A_296 : i1 to i32
      %cond3A_298 = arith.constant 0 : i32
      %cond3A_299 = arith.cmpi ne, %convert_element_type3A_297, %cond3A_298 : i32
      scf.if %cond3A_299 {
        %add3A_652 = arith.addi %min3A_3, %add3A_294 : i32
        %mul3A_653 = arith.constant 10000 : i32
        %mul3A_654 = arith.muli %add3A_652, %mul3A_653 : i32
        %dma_start3A_655 = tpu.memref_slice %arg2[%mul3A_654] : memref<100000000xf32, #tpu.memory_space<hbm>> -> memref<10000xf32, #tpu.memory_space<hbm>>
        %dma_start3A_656 = tpu.memref_slice %arg2[%mul3A_654] : memref<100000000xf32, #tpu.memory_space<hbm>> -> memref<10000xf32, #tpu.memory_space<hbm>>
        tpu.enqueue_dma source(%dma_start3A_656 : memref<10000xf32, #tpu.memory_space<hbm>>) target(%arg4 : memref<10000xf32, #tpu.memory_space<vmem>>) target_semaphore(%arg7 : memref<!tpu.dma_semaphore, #tpu.memory_space<semaphore_mem>>)
      } else {
      }
      %add3A_300 = arith.addi %min3A_3, %add3A_292 : i32
      %mul3A_301 = arith.constant 10000 : i32
      %mul3A_302 = arith.muli %add3A_300, %mul3A_301 : i32
      %dma_wait3A_303 = tpu.memref_slice %arg2[%mul3A_302] : memref<100000000xf32, #tpu.memory_space<hbm>> -> memref<10000xf32, #tpu.memory_space<hbm>>
      %dma_wait3A_304 = tpu.memref_slice %arg2[%mul3A_302] : memref<100000000xf32, #tpu.memory_space<hbm>> -> memref<10000xf32, #tpu.memory_space<hbm>>
      tpu.wait_dma2 semaphore(%arg8 : memref<!tpu.dma_semaphore, #tpu.memory_space<semaphore_mem>>) src(%dma_wait3A_304 : memref<10000xf32, #tpu.memory_space<hbm>>) dst(%arg5 : memref<10000xf32, #tpu.memory_space<vmem>>)
      %broadcast_in_dim3A_305 = arith.constant 0.000000e+00 : f32
      %broadcast_in_dim3A_306 = vector.broadcast %broadcast_in_dim3A_305 : f32 to vector<16xf32>
      %scan3A_307 = arith.constant 0 : i32
      %scan3A_308 = arith.constant 624 : i32
      %scan3A_309 = arith.addi %scan3A_307, %scan3A_308 : i32
      %scan3A_310 = arith.constant 8 : i32
      %scan3A_311 = scf.for %scan3A_652 = %scan3A_307 to %scan3A_309 step %scan3A_310 iter_args(%scan3A_653 = %broadcast_in_dim3A_306) -> (vector<16xf32>)  : i32 {
        %mul3A_654 = arith.constant 16 : i32
        %mul3A_655 = arith.muli %scan3A_652, %mul3A_654 : i32
        %get3A_656 = arith.index_cast %mul3A_655 : i32 to index
        %get3A_657 = tpu.vector_load %arg5[%get3A_656] {strides = array<i32>} : memref<10000xf32, #tpu.memory_space<vmem>>, vector<16xf32>,
        %add3A_658 = arith.addf %scan3A_653, %get3A_657 : vector<16xf32>
        %scan3A_659 = arith.constant 1 : i32
        %scan3A_660 = arith.addi %scan3A_652, %scan3A_659 : i32
        %mul3A_661 = arith.constant 16 : i32
        %mul3A_662 = arith.muli %scan3A_660, %mul3A_661 : i32
        %get3A_663 = arith.index_cast %mul3A_662 : i32 to index
        %get3A_664 = tpu.vector_load %arg5[%get3A_663] {strides = array<i32>} : memref<10000xf32, #tpu.memory_space<vmem>>, vector<16xf32>,
        %add3A_665 = arith.addf %add3A_658, %get3A_664 : vector<16xf32>
        %scan3A_666 = arith.constant 2 : i32
        %scan3A_667 = arith.addi %scan3A_652, %scan3A_666 : i32
        %mul3A_668 = arith.constant 16 : i32
        %mul3A_669 = arith.muli %scan3A_667, %mul3A_668 : i32
        %get3A_670 = arith.index_cast %mul3A_669 : i32 to index
        %get3A_671 = tpu.vector_load %arg5[%get3A_670] {strides = array<i32>} : memref<10000xf32, #tpu.memory_space<vmem>>, vector<16xf32>,
        %add3A_672 = arith.addf %add3A_665, %get3A_671 : vector<16xf32>
        %scan3A_673 = arith.constant 3 : i32
        %scan3A_674 = arith.addi %scan3A_652, %scan3A_673 : i32
        %mul3A_675 = arith.constant 16 : i32
        %mul3A_676 = arith.muli %scan3A_674, %mul3A_675 : i32
        %get3A_677 = arith.index_cast %mul3A_676 : i32 to index
        %get3A_678 = tpu.vector_load %arg5[%get3A_677] {strides = array<i32>} : memref<10000xf32, #tpu.memory_space<vmem>>, vector<16xf32>,
        %add3A_679 = arith.addf %add3A_672, %get3A_678 : vector<16xf32>
        %scan3A_680 = arith.constant 4 : i32
        %scan3A_681 = arith.addi %scan3A_652, %scan3A_680 : i32
        %mul3A_682 = arith.constant 16 : i32
        %mul3A_683 = arith.muli %scan3A_681, %mul3A_682 : i32
        %get3A_684 = arith.index_cast %mul3A_683 : i32 to index
        %get3A_685 = tpu.vector_load %arg5[%get3A_684] {strides = array<i32>} : memref<10000xf32, #tpu.memory_space<vmem>>, vector<16xf32>,
        %add3A_686 = arith.addf %add3A_679, %get3A_685 : vector<16xf32>
        %scan3A_687 = arith.constant 5 : i32
        %scan3A_688 = arith.addi %scan3A_652, %scan3A_687 : i32
        %mul3A_689 = arith.constant 16 : i32
        %mul3A_690 = arith.muli %scan3A_688, %mul3A_689 : i32
        %get3A_691 = arith.index_cast %mul3A_690 : i32 to index
        %get3A_692 = tpu.vector_load %arg5[%get3A_691] {strides = array<i32>} : memref<10000xf32, #tpu.memory_space<vmem>>, vector<16xf32>,
        %add3A_693 = arith.addf %add3A_686, %get3A_692 : vector<16xf32>
        %scan3A_694 = arith.constant 6 : i32
        %scan3A_695 = arith.addi %scan3A_652, %scan3A_694 : i32
        %mul3A_696 = arith.constant 16 : i32
        %mul3A_697 = arith.muli %scan3A_695, %mul3A_696 : i32
        %get3A_698 = arith.index_cast %mul3A_697 : i32 to index
        %get3A_699 = tpu.vector_load %arg5[%get3A_698] {strides = array<i32>} : memref<10000xf32, #tpu.memory_space<vmem>>, vector<16xf32>,
        %add3A_700 = arith.addf %add3A_693, %get3A_699 : vector<16xf32>
        %scan3A_701 = arith.constant 7 : i32
        %scan3A_702 = arith.addi %scan3A_652, %scan3A_701 : i32
        %mul3A_703 = arith.constant 16 : i32
        %mul3A_704 = arith.muli %scan3A_702, %mul3A_703 : i32
        %get3A_705 = arith.index_cast %mul3A_704 : i32 to index
        %get3A_706 = tpu.vector_load %arg5[%get3A_705] {strides = array<i32>} : memref<10000xf32, #tpu.memory_space<vmem>>, vector<16xf32>,
        %add3A_707 = arith.addf %add3A_700, %get3A_706 : vector<16xf32>
        scf.yield %add3A_707 : vector<16xf32>
      }
      %scan3A_312 = arith.constant 624 : i32
      %scan3A_313 = arith.addi %scan3A_307, %scan3A_312 : i32
      %mul3A_314 = arith.constant 16 : i32
      %mul3A_315 = arith.muli %scan3A_313, %mul3A_314 : i32
      %get3A_316 = arith.index_cast %mul3A_315 : i32 to index
      %get3A_317 = tpu.vector_load %arg5[%get3A_316] {strides = array<i32>} : memref<10000xf32, #tpu.memory_space<vmem>>, vector<16xf32>,
      %add3A_318 = arith.addf %scan3A_311, %get3A_317 : vector<16xf32>
      %scan3A_319 = arith.constant 625 : i32
      %eq3A_320 = arith.constant 7 : i32
      %eq3A_321 = vector.broadcast %eq3A_320 : i32 to vector<16xi32>
      %eq3A_322 = arith.cmpi eq, %iota3A, %eq3A_321 : vector<16xi32>
      %reduce_sum3A_323 = arith.constant true
      %reduce_sum3A_324 = vector.broadcast %reduce_sum3A_323 : i1 to vector<16xi1>
      %reduce_sum3A_325 = tpu.scan <sum>, %add3A_318 masked %reduce_sum3A_324 : vector<16xf32>, vector<16xi1> -> vector<16xf32>
      %reduce_sum3A_326 = vector.extract %reduce_sum3A_325[15] : f32 from vector<16xf32>
      %broadcast_in_dim3A_327 = vector.broadcast %reduce_sum3A_326 : f32 to vector<16xf32>
      %select_n3A_328 = arith.select %eq3A_322, %broadcast_in_dim3A_327, %select_n3A_288 : vector<16xi1>, vector<16xf32>
      %mul3A_329 = arith.constant 16 : i32
      %mul3A_330 = arith.muli %add3A_15, %mul3A_329 : i32
      %add3A_331 = arith.constant 8 : i32
      %add3A_332 = arith.addi %mul3A_330, %add3A_331 : i32
      %add3A_333 = arith.constant 1 : i32
      %add3A_334 = arith.addi %add3A_332, %add3A_333 : i32
      %lt3A_335 = arith.constant 320 : i32
      %lt3A_336 = arith.cmpi slt, %add3A_334, %lt3A_335 : i32
      %convert_element_type3A_337 = arith.extui %lt3A_336 : i1 to i32
      %cond3A_338 = arith.constant 0 : i32
      %cond3A_339 = arith.cmpi ne, %convert_element_type3A_337, %cond3A_338 : i32
      scf.if %cond3A_339 {
        %add3A_652 = arith.addi %min3A_3, %add3A_334 : i32
        %mul3A_653 = arith.constant 10000 : i32
        %mul3A_654 = arith.muli %add3A_652, %mul3A_653 : i32
        %dma_start3A_655 = tpu.memref_slice %arg2[%mul3A_654] : memref<100000000xf32, #tpu.memory_space<hbm>> -> memref<10000xf32, #tpu.memory_space<hbm>>
        %dma_start3A_656 = tpu.memref_slice %arg2[%mul3A_654] : memref<100000000xf32, #tpu.memory_space<hbm>> -> memref<10000xf32, #tpu.memory_space<hbm>>
        tpu.enqueue_dma source(%dma_start3A_656 : memref<10000xf32, #tpu.memory_space<hbm>>) target(%arg5 : memref<10000xf32, #tpu.memory_space<vmem>>) target_semaphore(%arg8 : memref<!tpu.dma_semaphore, #tpu.memory_space<semaphore_mem>>)
      } else {
      }
      %add3A_340 = arith.addi %min3A_3, %add3A_332 : i32
      %mul3A_341 = arith.constant 10000 : i32
      %mul3A_342 = arith.muli %add3A_340, %mul3A_341 : i32
      %dma_wait3A_343 = tpu.memref_slice %arg2[%mul3A_342] : memref<100000000xf32, #tpu.memory_space<hbm>> -> memref<10000xf32, #tpu.memory_space<hbm>>
      %dma_wait3A_344 = tpu.memref_slice %arg2[%mul3A_342] : memref<100000000xf32, #tpu.memory_space<hbm>> -> memref<10000xf32, #tpu.memory_space<hbm>>
      tpu.wait_dma2 semaphore(%arg7 : memref<!tpu.dma_semaphore, #tpu.memory_space<semaphore_mem>>) src(%dma_wait3A_344 : memref<10000xf32, #tpu.memory_space<hbm>>) dst(%arg4 : memref<10000xf32, #tpu.memory_space<vmem>>)
      %broadcast_in_dim3A_345 = arith.constant 0.000000e+00 : f32
      %broadcast_in_dim3A_346 = vector.broadcast %broadcast_in_dim3A_345 : f32 to vector<16xf32>
      %scan3A_347 = arith.constant 0 : i32
      %scan3A_348 = arith.constant 624 : i32
      %scan3A_349 = arith.addi %scan3A_347, %scan3A_348 : i32
      %scan3A_350 = arith.constant 8 : i32
      %scan3A_351 = scf.for %scan3A_652 = %scan3A_347 to %scan3A_349 step %scan3A_350 iter_args(%scan3A_653 = %broadcast_in_dim3A_346) -> (vector<16xf32>)  : i32 {
        %mul3A_654 = arith.constant 16 : i32
        %mul3A_655 = arith.muli %scan3A_652, %mul3A_654 : i32
        %get3A_656 = arith.index_cast %mul3A_655 : i32 to index
        %get3A_657 = tpu.vector_load %arg4[%get3A_656] {strides = array<i32>} : memref<10000xf32, #tpu.memory_space<vmem>>, vector<16xf32>,
        %add3A_658 = arith.addf %scan3A_653, %get3A_657 : vector<16xf32>
        %scan3A_659 = arith.constant 1 : i32
        %scan3A_660 = arith.addi %scan3A_652, %scan3A_659 : i32
        %mul3A_661 = arith.constant 16 : i32
        %mul3A_662 = arith.muli %scan3A_660, %mul3A_661 : i32
        %get3A_663 = arith.index_cast %mul3A_662 : i32 to index
        %get3A_664 = tpu.vector_load %arg4[%get3A_663] {strides = array<i32>} : memref<10000xf32, #tpu.memory_space<vmem>>, vector<16xf32>,
        %add3A_665 = arith.addf %add3A_658, %get3A_664 : vector<16xf32>
        %scan3A_666 = arith.constant 2 : i32
        %scan3A_667 = arith.addi %scan3A_652, %scan3A_666 : i32
        %mul3A_668 = arith.constant 16 : i32
        %mul3A_669 = arith.muli %scan3A_667, %mul3A_668 : i32
        %get3A_670 = arith.index_cast %mul3A_669 : i32 to index
        %get3A_671 = tpu.vector_load %arg4[%get3A_670] {strides = array<i32>} : memref<10000xf32, #tpu.memory_space<vmem>>, vector<16xf32>,
        %add3A_672 = arith.addf %add3A_665, %get3A_671 : vector<16xf32>
        %scan3A_673 = arith.constant 3 : i32
        %scan3A_674 = arith.addi %scan3A_652, %scan3A_673 : i32
        %mul3A_675 = arith.constant 16 : i32
        %mul3A_676 = arith.muli %scan3A_674, %mul3A_675 : i32
        %get3A_677 = arith.index_cast %mul3A_676 : i32 to index
        %get3A_678 = tpu.vector_load %arg4[%get3A_677] {strides = array<i32>} : memref<10000xf32, #tpu.memory_space<vmem>>, vector<16xf32>,
        %add3A_679 = arith.addf %add3A_672, %get3A_678 : vector<16xf32>
        %scan3A_680 = arith.constant 4 : i32
        %scan3A_681 = arith.addi %scan3A_652, %scan3A_680 : i32
        %mul3A_682 = arith.constant 16 : i32
        %mul3A_683 = arith.muli %scan3A_681, %mul3A_682 : i32
        %get3A_684 = arith.index_cast %mul3A_683 : i32 to index
        %get3A_685 = tpu.vector_load %arg4[%get3A_684] {strides = array<i32>} : memref<10000xf32, #tpu.memory_space<vmem>>, vector<16xf32>,
        %add3A_686 = arith.addf %add3A_679, %get3A_685 : vector<16xf32>
        %scan3A_687 = arith.constant 5 : i32
        %scan3A_688 = arith.addi %scan3A_652, %scan3A_687 : i32
        %mul3A_689 = arith.constant 16 : i32
        %mul3A_690 = arith.muli %scan3A_688, %mul3A_689 : i32
        %get3A_691 = arith.index_cast %mul3A_690 : i32 to index
        %get3A_692 = tpu.vector_load %arg4[%get3A_691] {strides = array<i32>} : memref<10000xf32, #tpu.memory_space<vmem>>, vector<16xf32>,
        %add3A_693 = arith.addf %add3A_686, %get3A_692 : vector<16xf32>
        %scan3A_694 = arith.constant 6 : i32
        %scan3A_695 = arith.addi %scan3A_652, %scan3A_694 : i32
        %mul3A_696 = arith.constant 16 : i32
        %mul3A_697 = arith.muli %scan3A_695, %mul3A_696 : i32
        %get3A_698 = arith.index_cast %mul3A_697 : i32 to index
        %get3A_699 = tpu.vector_load %arg4[%get3A_698] {strides = array<i32>} : memref<10000xf32, #tpu.memory_space<vmem>>, vector<16xf32>,
        %add3A_700 = arith.addf %add3A_693, %get3A_699 : vector<16xf32>
        %scan3A_701 = arith.constant 7 : i32
        %scan3A_702 = arith.addi %scan3A_652, %scan3A_701 : i32
        %mul3A_703 = arith.constant 16 : i32
        %mul3A_704 = arith.muli %scan3A_702, %mul3A_703 : i32
        %get3A_705 = arith.index_cast %mul3A_704 : i32 to index
        %get3A_706 = tpu.vector_load %arg4[%get3A_705] {strides = array<i32>} : memref<10000xf32, #tpu.memory_space<vmem>>, vector<16xf32>,
        %add3A_707 = arith.addf %add3A_700, %get3A_706 : vector<16xf32>
        scf.yield %add3A_707 : vector<16xf32>
      }
      %scan3A_352 = arith.constant 624 : i32
      %scan3A_353 = arith.addi %scan3A_347, %scan3A_352 : i32
      %mul3A_354 = arith.constant 16 : i32
      %mul3A_355 = arith.muli %scan3A_353, %mul3A_354 : i32
      %get3A_356 = arith.index_cast %mul3A_355 : i32 to index
      %get3A_357 = tpu.vector_load %arg4[%get3A_356] {strides = array<i32>} : memref<10000xf32, #tpu.memory_space<vmem>>, vector<16xf32>,
      %add3A_358 = arith.addf %scan3A_351, %get3A_357 : vector<16xf32>
      %scan3A_359 = arith.constant 625 : i32
      %eq3A_360 = arith.constant 8 : i32
      %eq3A_361 = vector.broadcast %eq3A_360 : i32 to vector<16xi32>
      %eq3A_362 = arith.cmpi eq, %iota3A, %eq3A_361 : vector<16xi32>
      %reduce_sum3A_363 = arith.constant true
      %reduce_sum3A_364 = vector.broadcast %reduce_sum3A_363 : i1 to vector<16xi1>
      %reduce_sum3A_365 = tpu.scan <sum>, %add3A_358 masked %reduce_sum3A_364 : vector<16xf32>, vector<16xi1> -> vector<16xf32>
      %reduce_sum3A_366 = vector.extract %reduce_sum3A_365[15] : f32 from vector<16xf32>
      %broadcast_in_dim3A_367 = vector.broadcast %reduce_sum3A_366 : f32 to vector<16xf32>
      %select_n3A_368 = arith.select %eq3A_362, %broadcast_in_dim3A_367, %select_n3A_328 : vector<16xi1>, vector<16xf32>
      %mul3A_369 = arith.constant 16 : i32
      %mul3A_370 = arith.muli %add3A_15, %mul3A_369 : i32
      %add3A_371 = arith.constant 9 : i32
      %add3A_372 = arith.addi %mul3A_370, %add3A_371 : i32
      %add3A_373 = arith.constant 1 : i32
      %add3A_374 = arith.addi %add3A_372, %add3A_373 : i32
      %lt3A_375 = arith.constant 320 : i32
      %lt3A_376 = arith.cmpi slt, %add3A_374, %lt3A_375 : i32
      %convert_element_type3A_377 = arith.extui %lt3A_376 : i1 to i32
      %cond3A_378 = arith.constant 0 : i32
      %cond3A_379 = arith.cmpi ne, %convert_element_type3A_377, %cond3A_378 : i32
      scf.if %cond3A_379 {
        %add3A_652 = arith.addi %min3A_3, %add3A_374 : i32
        %mul3A_653 = arith.constant 10000 : i32
        %mul3A_654 = arith.muli %add3A_652, %mul3A_653 : i32
        %dma_start3A_655 = tpu.memref_slice %arg2[%mul3A_654] : memref<100000000xf32, #tpu.memory_space<hbm>> -> memref<10000xf32, #tpu.memory_space<hbm>>
        %dma_start3A_656 = tpu.memref_slice %arg2[%mul3A_654] : memref<100000000xf32, #tpu.memory_space<hbm>> -> memref<10000xf32, #tpu.memory_space<hbm>>
        tpu.enqueue_dma source(%dma_start3A_656 : memref<10000xf32, #tpu.memory_space<hbm>>) target(%arg4 : memref<10000xf32, #tpu.memory_space<vmem>>) target_semaphore(%arg7 : memref<!tpu.dma_semaphore, #tpu.memory_space<semaphore_mem>>)
      } else {
      }
      %add3A_380 = arith.addi %min3A_3, %add3A_372 : i32
      %mul3A_381 = arith.constant 10000 : i32
      %mul3A_382 = arith.muli %add3A_380, %mul3A_381 : i32
      %dma_wait3A_383 = tpu.memref_slice %arg2[%mul3A_382] : memref<100000000xf32, #tpu.memory_space<hbm>> -> memref<10000xf32, #tpu.memory_space<hbm>>
      %dma_wait3A_384 = tpu.memref_slice %arg2[%mul3A_382] : memref<100000000xf32, #tpu.memory_space<hbm>> -> memref<10000xf32, #tpu.memory_space<hbm>>
      tpu.wait_dma2 semaphore(%arg8 : memref<!tpu.dma_semaphore, #tpu.memory_space<semaphore_mem>>) src(%dma_wait3A_384 : memref<10000xf32, #tpu.memory_space<hbm>>) dst(%arg5 : memref<10000xf32, #tpu.memory_space<vmem>>)
      %broadcast_in_dim3A_385 = arith.constant 0.000000e+00 : f32
      %broadcast_in_dim3A_386 = vector.broadcast %broadcast_in_dim3A_385 : f32 to vector<16xf32>
      %scan3A_387 = arith.constant 0 : i32
      %scan3A_388 = arith.constant 624 : i32
      %scan3A_389 = arith.addi %scan3A_387, %scan3A_388 : i32
      %scan3A_390 = arith.constant 8 : i32
      %scan3A_391 = scf.for %scan3A_652 = %scan3A_387 to %scan3A_389 step %scan3A_390 iter_args(%scan3A_653 = %broadcast_in_dim3A_386) -> (vector<16xf32>)  : i32 {
        %mul3A_654 = arith.constant 16 : i32
        %mul3A_655 = arith.muli %scan3A_652, %mul3A_654 : i32
        %get3A_656 = arith.index_cast %mul3A_655 : i32 to index
        %get3A_657 = tpu.vector_load %arg5[%get3A_656] {strides = array<i32>} : memref<10000xf32, #tpu.memory_space<vmem>>, vector<16xf32>,
        %add3A_658 = arith.addf %scan3A_653, %get3A_657 : vector<16xf32>
        %scan3A_659 = arith.constant 1 : i32
        %scan3A_660 = arith.addi %scan3A_652, %scan3A_659 : i32
        %mul3A_661 = arith.constant 16 : i32
        %mul3A_662 = arith.muli %scan3A_660, %mul3A_661 : i32
        %get3A_663 = arith.index_cast %mul3A_662 : i32 to index
        %get3A_664 = tpu.vector_load %arg5[%get3A_663] {strides = array<i32>} : memref<10000xf32, #tpu.memory_space<vmem>>, vector<16xf32>,
        %add3A_665 = arith.addf %add3A_658, %get3A_664 : vector<16xf32>
        %scan3A_666 = arith.constant 2 : i32
        %scan3A_667 = arith.addi %scan3A_652, %scan3A_666 : i32
        %mul3A_668 = arith.constant 16 : i32
        %mul3A_669 = arith.muli %scan3A_667, %mul3A_668 : i32
        %get3A_670 = arith.index_cast %mul3A_669 : i32 to index
        %get3A_671 = tpu.vector_load %arg5[%get3A_670] {strides = array<i32>} : memref<10000xf32, #tpu.memory_space<vmem>>, vector<16xf32>,
        %add3A_672 = arith.addf %add3A_665, %get3A_671 : vector<16xf32>
        %scan3A_673 = arith.constant 3 : i32
        %scan3A_674 = arith.addi %scan3A_652, %scan3A_673 : i32
        %mul3A_675 = arith.constant 16 : i32
        %mul3A_676 = arith.muli %scan3A_674, %mul3A_675 : i32
        %get3A_677 = arith.index_cast %mul3A_676 : i32 to index
        %get3A_678 = tpu.vector_load %arg5[%get3A_677] {strides = array<i32>} : memref<10000xf32, #tpu.memory_space<vmem>>, vector<16xf32>,
        %add3A_679 = arith.addf %add3A_672, %get3A_678 : vector<16xf32>
        %scan3A_680 = arith.constant 4 : i32
        %scan3A_681 = arith.addi %scan3A_652, %scan3A_680 : i32
        %mul3A_682 = arith.constant 16 : i32
        %mul3A_683 = arith.muli %scan3A_681, %mul3A_682 : i32
        %get3A_684 = arith.index_cast %mul3A_683 : i32 to index
        %get3A_685 = tpu.vector_load %arg5[%get3A_684] {strides = array<i32>} : memref<10000xf32, #tpu.memory_space<vmem>>, vector<16xf32>,
        %add3A_686 = arith.addf %add3A_679, %get3A_685 : vector<16xf32>
        %scan3A_687 = arith.constant 5 : i32
        %scan3A_688 = arith.addi %scan3A_652, %scan3A_687 : i32
        %mul3A_689 = arith.constant 16 : i32
        %mul3A_690 = arith.muli %scan3A_688, %mul3A_689 : i32
        %get3A_691 = arith.index_cast %mul3A_690 : i32 to index
        %get3A_692 = tpu.vector_load %arg5[%get3A_691] {strides = array<i32>} : memref<10000xf32, #tpu.memory_space<vmem>>, vector<16xf32>,
        %add3A_693 = arith.addf %add3A_686, %get3A_692 : vector<16xf32>
        %scan3A_694 = arith.constant 6 : i32
        %scan3A_695 = arith.addi %scan3A_652, %scan3A_694 : i32
        %mul3A_696 = arith.constant 16 : i32
        %mul3A_697 = arith.muli %scan3A_695, %mul3A_696 : i32
        %get3A_698 = arith.index_cast %mul3A_697 : i32 to index
        %get3A_699 = tpu.vector_load %arg5[%get3A_698] {strides = array<i32>} : memref<10000xf32, #tpu.memory_space<vmem>>, vector<16xf32>,
        %add3A_700 = arith.addf %add3A_693, %get3A_699 : vector<16xf32>
        %scan3A_701 = arith.constant 7 : i32
        %scan3A_702 = arith.addi %scan3A_652, %scan3A_701 : i32
        %mul3A_703 = arith.constant 16 : i32
        %mul3A_704 = arith.muli %scan3A_702, %mul3A_703 : i32
        %get3A_705 = arith.index_cast %mul3A_704 : i32 to index
        %get3A_706 = tpu.vector_load %arg5[%get3A_705] {strides = array<i32>} : memref<10000xf32, #tpu.memory_space<vmem>>, vector<16xf32>,
        %add3A_707 = arith.addf %add3A_700, %get3A_706 : vector<16xf32>
        scf.yield %add3A_707 : vector<16xf32>
      }
      %scan3A_392 = arith.constant 624 : i32
      %scan3A_393 = arith.addi %scan3A_387, %scan3A_392 : i32
      %mul3A_394 = arith.constant 16 : i32
      %mul3A_395 = arith.muli %scan3A_393, %mul3A_394 : i32
      %get3A_396 = arith.index_cast %mul3A_395 : i32 to index
      %get3A_397 = tpu.vector_load %arg5[%get3A_396] {strides = array<i32>} : memref<10000xf32, #tpu.memory_space<vmem>>, vector<16xf32>,
      %add3A_398 = arith.addf %scan3A_391, %get3A_397 : vector<16xf32>
      %scan3A_399 = arith.constant 625 : i32
      %eq3A_400 = arith.constant 9 : i32
      %eq3A_401 = vector.broadcast %eq3A_400 : i32 to vector<16xi32>
      %eq3A_402 = arith.cmpi eq, %iota3A, %eq3A_401 : vector<16xi32>
      %reduce_sum3A_403 = arith.constant true
      %reduce_sum3A_404 = vector.broadcast %reduce_sum3A_403 : i1 to vector<16xi1>
      %reduce_sum3A_405 = tpu.scan <sum>, %add3A_398 masked %reduce_sum3A_404 : vector<16xf32>, vector<16xi1> -> vector<16xf32>
      %reduce_sum3A_406 = vector.extract %reduce_sum3A_405[15] : f32 from vector<16xf32>
      %broadcast_in_dim3A_407 = vector.broadcast %reduce_sum3A_406 : f32 to vector<16xf32>
      %select_n3A_408 = arith.select %eq3A_402, %broadcast_in_dim3A_407, %select_n3A_368 : vector<16xi1>, vector<16xf32>
      %mul3A_409 = arith.constant 16 : i32
      %mul3A_410 = arith.muli %add3A_15, %mul3A_409 : i32
      %add3A_411 = arith.constant 10 : i32
      %add3A_412 = arith.addi %mul3A_410, %add3A_411 : i32
      %add3A_413 = arith.constant 1 : i32
      %add3A_414 = arith.addi %add3A_412, %add3A_413 : i32
      %lt3A_415 = arith.constant 320 : i32
      %lt3A_416 = arith.cmpi slt, %add3A_414, %lt3A_415 : i32
      %convert_element_type3A_417 = arith.extui %lt3A_416 : i1 to i32
      %cond3A_418 = arith.constant 0 : i32
      %cond3A_419 = arith.cmpi ne, %convert_element_type3A_417, %cond3A_418 : i32
      scf.if %cond3A_419 {
        %add3A_652 = arith.addi %min3A_3, %add3A_414 : i32
        %mul3A_653 = arith.constant 10000 : i32
        %mul3A_654 = arith.muli %add3A_652, %mul3A_653 : i32
        %dma_start3A_655 = tpu.memref_slice %arg2[%mul3A_654] : memref<100000000xf32, #tpu.memory_space<hbm>> -> memref<10000xf32, #tpu.memory_space<hbm>>
        %dma_start3A_656 = tpu.memref_slice %arg2[%mul3A_654] : memref<100000000xf32, #tpu.memory_space<hbm>> -> memref<10000xf32, #tpu.memory_space<hbm>>
        tpu.enqueue_dma source(%dma_start3A_656 : memref<10000xf32, #tpu.memory_space<hbm>>) target(%arg5 : memref<10000xf32, #tpu.memory_space<vmem>>) target_semaphore(%arg8 : memref<!tpu.dma_semaphore, #tpu.memory_space<semaphore_mem>>)
      } else {
      }
      %add3A_420 = arith.addi %min3A_3, %add3A_412 : i32
      %mul3A_421 = arith.constant 10000 : i32
      %mul3A_422 = arith.muli %add3A_420, %mul3A_421 : i32
      %dma_wait3A_423 = tpu.memref_slice %arg2[%mul3A_422] : memref<100000000xf32, #tpu.memory_space<hbm>> -> memref<10000xf32, #tpu.memory_space<hbm>>
      %dma_wait3A_424 = tpu.memref_slice %arg2[%mul3A_422] : memref<100000000xf32, #tpu.memory_space<hbm>> -> memref<10000xf32, #tpu.memory_space<hbm>>
      tpu.wait_dma2 semaphore(%arg7 : memref<!tpu.dma_semaphore, #tpu.memory_space<semaphore_mem>>) src(%dma_wait3A_424 : memref<10000xf32, #tpu.memory_space<hbm>>) dst(%arg4 : memref<10000xf32, #tpu.memory_space<vmem>>)
      %broadcast_in_dim3A_425 = arith.constant 0.000000e+00 : f32
      %broadcast_in_dim3A_426 = vector.broadcast %broadcast_in_dim3A_425 : f32 to vector<16xf32>
      %scan3A_427 = arith.constant 0 : i32
      %scan3A_428 = arith.constant 624 : i32
      %scan3A_429 = arith.addi %scan3A_427, %scan3A_428 : i32
      %scan3A_430 = arith.constant 8 : i32
      %scan3A_431 = scf.for %scan3A_652 = %scan3A_427 to %scan3A_429 step %scan3A_430 iter_args(%scan3A_653 = %broadcast_in_dim3A_426) -> (vector<16xf32>)  : i32 {
        %mul3A_654 = arith.constant 16 : i32
        %mul3A_655 = arith.muli %scan3A_652, %mul3A_654 : i32
        %get3A_656 = arith.index_cast %mul3A_655 : i32 to index
        %get3A_657 = tpu.vector_load %arg4[%get3A_656] {strides = array<i32>} : memref<10000xf32, #tpu.memory_space<vmem>>, vector<16xf32>,
        %add3A_658 = arith.addf %scan3A_653, %get3A_657 : vector<16xf32>
        %scan3A_659 = arith.constant 1 : i32
        %scan3A_660 = arith.addi %scan3A_652, %scan3A_659 : i32
        %mul3A_661 = arith.constant 16 : i32
        %mul3A_662 = arith.muli %scan3A_660, %mul3A_661 : i32
        %get3A_663 = arith.index_cast %mul3A_662 : i32 to index
        %get3A_664 = tpu.vector_load %arg4[%get3A_663] {strides = array<i32>} : memref<10000xf32, #tpu.memory_space<vmem>>, vector<16xf32>,
        %add3A_665 = arith.addf %add3A_658, %get3A_664 : vector<16xf32>
        %scan3A_666 = arith.constant 2 : i32
        %scan3A_667 = arith.addi %scan3A_652, %scan3A_666 : i32
        %mul3A_668 = arith.constant 16 : i32
        %mul3A_669 = arith.muli %scan3A_667, %mul3A_668 : i32
        %get3A_670 = arith.index_cast %mul3A_669 : i32 to index
        %get3A_671 = tpu.vector_load %arg4[%get3A_670] {strides = array<i32>} : memref<10000xf32, #tpu.memory_space<vmem>>, vector<16xf32>,
        %add3A_672 = arith.addf %add3A_665, %get3A_671 : vector<16xf32>
        %scan3A_673 = arith.constant 3 : i32
        %scan3A_674 = arith.addi %scan3A_652, %scan3A_673 : i32
        %mul3A_675 = arith.constant 16 : i32
        %mul3A_676 = arith.muli %scan3A_674, %mul3A_675 : i32
        %get3A_677 = arith.index_cast %mul3A_676 : i32 to index
        %get3A_678 = tpu.vector_load %arg4[%get3A_677] {strides = array<i32>} : memref<10000xf32, #tpu.memory_space<vmem>>, vector<16xf32>,
        %add3A_679 = arith.addf %add3A_672, %get3A_678 : vector<16xf32>
        %scan3A_680 = arith.constant 4 : i32
        %scan3A_681 = arith.addi %scan3A_652, %scan3A_680 : i32
        %mul3A_682 = arith.constant 16 : i32
        %mul3A_683 = arith.muli %scan3A_681, %mul3A_682 : i32
        %get3A_684 = arith.index_cast %mul3A_683 : i32 to index
        %get3A_685 = tpu.vector_load %arg4[%get3A_684] {strides = array<i32>} : memref<10000xf32, #tpu.memory_space<vmem>>, vector<16xf32>,
        %add3A_686 = arith.addf %add3A_679, %get3A_685 : vector<16xf32>
        %scan3A_687 = arith.constant 5 : i32
        %scan3A_688 = arith.addi %scan3A_652, %scan3A_687 : i32
        %mul3A_689 = arith.constant 16 : i32
        %mul3A_690 = arith.muli %scan3A_688, %mul3A_689 : i32
        %get3A_691 = arith.index_cast %mul3A_690 : i32 to index
        %get3A_692 = tpu.vector_load %arg4[%get3A_691] {strides = array<i32>} : memref<10000xf32, #tpu.memory_space<vmem>>, vector<16xf32>,
        %add3A_693 = arith.addf %add3A_686, %get3A_692 : vector<16xf32>
        %scan3A_694 = arith.constant 6 : i32
        %scan3A_695 = arith.addi %scan3A_652, %scan3A_694 : i32
        %mul3A_696 = arith.constant 16 : i32
        %mul3A_697 = arith.muli %scan3A_695, %mul3A_696 : i32
        %get3A_698 = arith.index_cast %mul3A_697 : i32 to index
        %get3A_699 = tpu.vector_load %arg4[%get3A_698] {strides = array<i32>} : memref<10000xf32, #tpu.memory_space<vmem>>, vector<16xf32>,
        %add3A_700 = arith.addf %add3A_693, %get3A_699 : vector<16xf32>
        %scan3A_701 = arith.constant 7 : i32
        %scan3A_702 = arith.addi %scan3A_652, %scan3A_701 : i32
        %mul3A_703 = arith.constant 16 : i32
        %mul3A_704 = arith.muli %scan3A_702, %mul3A_703 : i32
        %get3A_705 = arith.index_cast %mul3A_704 : i32 to index
        %get3A_706 = tpu.vector_load %arg4[%get3A_705] {strides = array<i32>} : memref<10000xf32, #tpu.memory_space<vmem>>, vector<16xf32>,
        %add3A_707 = arith.addf %add3A_700, %get3A_706 : vector<16xf32>
        scf.yield %add3A_707 : vector<16xf32>
      }
      %scan3A_432 = arith.constant 624 : i32
      %scan3A_433 = arith.addi %scan3A_427, %scan3A_432 : i32
      %mul3A_434 = arith.constant 16 : i32
      %mul3A_435 = arith.muli %scan3A_433, %mul3A_434 : i32
      %get3A_436 = arith.index_cast %mul3A_435 : i32 to index
      %get3A_437 = tpu.vector_load %arg4[%get3A_436] {strides = array<i32>} : memref<10000xf32, #tpu.memory_space<vmem>>, vector<16xf32>,
      %add3A_438 = arith.addf %scan3A_431, %get3A_437 : vector<16xf32>
      %scan3A_439 = arith.constant 625 : i32
      %eq3A_440 = arith.constant 10 : i32
      %eq3A_441 = vector.broadcast %eq3A_440 : i32 to vector<16xi32>
      %eq3A_442 = arith.cmpi eq, %iota3A, %eq3A_441 : vector<16xi32>
      %reduce_sum3A_443 = arith.constant true
      %reduce_sum3A_444 = vector.broadcast %reduce_sum3A_443 : i1 to vector<16xi1>
      %reduce_sum3A_445 = tpu.scan <sum>, %add3A_438 masked %reduce_sum3A_444 : vector<16xf32>, vector<16xi1> -> vector<16xf32>
      %reduce_sum3A_446 = vector.extract %reduce_sum3A_445[15] : f32 from vector<16xf32>
      %broadcast_in_dim3A_447 = vector.broadcast %reduce_sum3A_446 : f32 to vector<16xf32>
      %select_n3A_448 = arith.select %eq3A_442, %broadcast_in_dim3A_447, %select_n3A_408 : vector<16xi1>, vector<16xf32>
      %mul3A_449 = arith.constant 16 : i32
      %mul3A_450 = arith.muli %add3A_15, %mul3A_449 : i32
      %add3A_451 = arith.constant 11 : i32
      %add3A_452 = arith.addi %mul3A_450, %add3A_451 : i32
      %add3A_453 = arith.constant 1 : i32
      %add3A_454 = arith.addi %add3A_452, %add3A_453 : i32
      %lt3A_455 = arith.constant 320 : i32
      %lt3A_456 = arith.cmpi slt, %add3A_454, %lt3A_455 : i32
      %convert_element_type3A_457 = arith.extui %lt3A_456 : i1 to i32
      %cond3A_458 = arith.constant 0 : i32
      %cond3A_459 = arith.cmpi ne, %convert_element_type3A_457, %cond3A_458 : i32
      scf.if %cond3A_459 {
        %add3A_652 = arith.addi %min3A_3, %add3A_454 : i32
        %mul3A_653 = arith.constant 10000 : i32
        %mul3A_654 = arith.muli %add3A_652, %mul3A_653 : i32
        %dma_start3A_655 = tpu.memref_slice %arg2[%mul3A_654] : memref<100000000xf32, #tpu.memory_space<hbm>> -> memref<10000xf32, #tpu.memory_space<hbm>>
        %dma_start3A_656 = tpu.memref_slice %arg2[%mul3A_654] : memref<100000000xf32, #tpu.memory_space<hbm>> -> memref<10000xf32, #tpu.memory_space<hbm>>
        tpu.enqueue_dma source(%dma_start3A_656 : memref<10000xf32, #tpu.memory_space<hbm>>) target(%arg4 : memref<10000xf32, #tpu.memory_space<vmem>>) target_semaphore(%arg7 : memref<!tpu.dma_semaphore, #tpu.memory_space<semaphore_mem>>)
      } else {
      }
      %add3A_460 = arith.addi %min3A_3, %add3A_452 : i32
      %mul3A_461 = arith.constant 10000 : i32
      %mul3A_462 = arith.muli %add3A_460, %mul3A_461 : i32
      %dma_wait3A_463 = tpu.memref_slice %arg2[%mul3A_462] : memref<100000000xf32, #tpu.memory_space<hbm>> -> memref<10000xf32, #tpu.memory_space<hbm>>
      %dma_wait3A_464 = tpu.memref_slice %arg2[%mul3A_462] : memref<100000000xf32, #tpu.memory_space<hbm>> -> memref<10000xf32, #tpu.memory_space<hbm>>
      tpu.wait_dma2 semaphore(%arg8 : memref<!tpu.dma_semaphore, #tpu.memory_space<semaphore_mem>>) src(%dma_wait3A_464 : memref<10000xf32, #tpu.memory_space<hbm>>) dst(%arg5 : memref<10000xf32, #tpu.memory_space<vmem>>)
      %broadcast_in_dim3A_465 = arith.constant 0.000000e+00 : f32
      %broadcast_in_dim3A_466 = vector.broadcast %broadcast_in_dim3A_465 : f32 to vector<16xf32>
      %scan3A_467 = arith.constant 0 : i32
      %scan3A_468 = arith.constant 624 : i32
      %scan3A_469 = arith.addi %scan3A_467, %scan3A_468 : i32
      %scan3A_470 = arith.constant 8 : i32
      %scan3A_471 = scf.for %scan3A_652 = %scan3A_467 to %scan3A_469 step %scan3A_470 iter_args(%scan3A_653 = %broadcast_in_dim3A_466) -> (vector<16xf32>)  : i32 {
        %mul3A_654 = arith.constant 16 : i32
        %mul3A_655 = arith.muli %scan3A_652, %mul3A_654 : i32
        %get3A_656 = arith.index_cast %mul3A_655 : i32 to index
        %get3A_657 = tpu.vector_load %arg5[%get3A_656] {strides = array<i32>} : memref<10000xf32, #tpu.memory_space<vmem>>, vector<16xf32>,
        %add3A_658 = arith.addf %scan3A_653, %get3A_657 : vector<16xf32>
        %scan3A_659 = arith.constant 1 : i32
        %scan3A_660 = arith.addi %scan3A_652, %scan3A_659 : i32
        %mul3A_661 = arith.constant 16 : i32
        %mul3A_662 = arith.muli %scan3A_660, %mul3A_661 : i32
        %get3A_663 = arith.index_cast %mul3A_662 : i32 to index
        %get3A_664 = tpu.vector_load %arg5[%get3A_663] {strides = array<i32>} : memref<10000xf32, #tpu.memory_space<vmem>>, vector<16xf32>,
        %add3A_665 = arith.addf %add3A_658, %get3A_664 : vector<16xf32>
        %scan3A_666 = arith.constant 2 : i32
        %scan3A_667 = arith.addi %scan3A_652, %scan3A_666 : i32
        %mul3A_668 = arith.constant 16 : i32
        %mul3A_669 = arith.muli %scan3A_667, %mul3A_668 : i32
        %get3A_670 = arith.index_cast %mul3A_669 : i32 to index
        %get3A_671 = tpu.vector_load %arg5[%get3A_670] {strides = array<i32>} : memref<10000xf32, #tpu.memory_space<vmem>>, vector<16xf32>,
        %add3A_672 = arith.addf %add3A_665, %get3A_671 : vector<16xf32>
        %scan3A_673 = arith.constant 3 : i32
        %scan3A_674 = arith.addi %scan3A_652, %scan3A_673 : i32
        %mul3A_675 = arith.constant 16 : i32
        %mul3A_676 = arith.muli %scan3A_674, %mul3A_675 : i32
        %get3A_677 = arith.index_cast %mul3A_676 : i32 to index
        %get3A_678 = tpu.vector_load %arg5[%get3A_677] {strides = array<i32>} : memref<10000xf32, #tpu.memory_space<vmem>>, vector<16xf32>,
        %add3A_679 = arith.addf %add3A_672, %get3A_678 : vector<16xf32>
        %scan3A_680 = arith.constant 4 : i32
        %scan3A_681 = arith.addi %scan3A_652, %scan3A_680 : i32
        %mul3A_682 = arith.constant 16 : i32
        %mul3A_683 = arith.muli %scan3A_681, %mul3A_682 : i32
        %get3A_684 = arith.index_cast %mul3A_683 : i32 to index
        %get3A_685 = tpu.vector_load %arg5[%get3A_684] {strides = array<i32>} : memref<10000xf32, #tpu.memory_space<vmem>>, vector<16xf32>,
        %add3A_686 = arith.addf %add3A_679, %get3A_685 : vector<16xf32>
        %scan3A_687 = arith.constant 5 : i32
        %scan3A_688 = arith.addi %scan3A_652, %scan3A_687 : i32
        %mul3A_689 = arith.constant 16 : i32
        %mul3A_690 = arith.muli %scan3A_688, %mul3A_689 : i32
        %get3A_691 = arith.index_cast %mul3A_690 : i32 to index
        %get3A_692 = tpu.vector_load %arg5[%get3A_691] {strides = array<i32>} : memref<10000xf32, #tpu.memory_space<vmem>>, vector<16xf32>,
        %add3A_693 = arith.addf %add3A_686, %get3A_692 : vector<16xf32>
        %scan3A_694 = arith.constant 6 : i32
        %scan3A_695 = arith.addi %scan3A_652, %scan3A_694 : i32
        %mul3A_696 = arith.constant 16 : i32
        %mul3A_697 = arith.muli %scan3A_695, %mul3A_696 : i32
        %get3A_698 = arith.index_cast %mul3A_697 : i32 to index
        %get3A_699 = tpu.vector_load %arg5[%get3A_698] {strides = array<i32>} : memref<10000xf32, #tpu.memory_space<vmem>>, vector<16xf32>,
        %add3A_700 = arith.addf %add3A_693, %get3A_699 : vector<16xf32>
        %scan3A_701 = arith.constant 7 : i32
        %scan3A_702 = arith.addi %scan3A_652, %scan3A_701 : i32
        %mul3A_703 = arith.constant 16 : i32
        %mul3A_704 = arith.muli %scan3A_702, %mul3A_703 : i32
        %get3A_705 = arith.index_cast %mul3A_704 : i32 to index
        %get3A_706 = tpu.vector_load %arg5[%get3A_705] {strides = array<i32>} : memref<10000xf32, #tpu.memory_space<vmem>>, vector<16xf32>,
        %add3A_707 = arith.addf %add3A_700, %get3A_706 : vector<16xf32>
        scf.yield %add3A_707 : vector<16xf32>
      }
      %scan3A_472 = arith.constant 624 : i32
      %scan3A_473 = arith.addi %scan3A_467, %scan3A_472 : i32
      %mul3A_474 = arith.constant 16 : i32
      %mul3A_475 = arith.muli %scan3A_473, %mul3A_474 : i32
      %get3A_476 = arith.index_cast %mul3A_475 : i32 to index
      %get3A_477 = tpu.vector_load %arg5[%get3A_476] {strides = array<i32>} : memref<10000xf32, #tpu.memory_space<vmem>>, vector<16xf32>,
      %add3A_478 = arith.addf %scan3A_471, %get3A_477 : vector<16xf32>
      %scan3A_479 = arith.constant 625 : i32
      %eq3A_480 = arith.constant 11 : i32
      %eq3A_481 = vector.broadcast %eq3A_480 : i32 to vector<16xi32>
      %eq3A_482 = arith.cmpi eq, %iota3A, %eq3A_481 : vector<16xi32>
      %reduce_sum3A_483 = arith.constant true
      %reduce_sum3A_484 = vector.broadcast %reduce_sum3A_483 : i1 to vector<16xi1>
      %reduce_sum3A_485 = tpu.scan <sum>, %add3A_478 masked %reduce_sum3A_484 : vector<16xf32>, vector<16xi1> -> vector<16xf32>
      %reduce_sum3A_486 = vector.extract %reduce_sum3A_485[15] : f32 from vector<16xf32>
      %broadcast_in_dim3A_487 = vector.broadcast %reduce_sum3A_486 : f32 to vector<16xf32>
      %select_n3A_488 = arith.select %eq3A_482, %broadcast_in_dim3A_487, %select_n3A_448 : vector<16xi1>, vector<16xf32>
      %mul3A_489 = arith.constant 16 : i32
      %mul3A_490 = arith.muli %add3A_15, %mul3A_489 : i32
      %add3A_491 = arith.constant 12 : i32
      %add3A_492 = arith.addi %mul3A_490, %add3A_491 : i32
      %add3A_493 = arith.constant 1 : i32
      %add3A_494 = arith.addi %add3A_492, %add3A_493 : i32
      %lt3A_495 = arith.constant 320 : i32
      %lt3A_496 = arith.cmpi slt, %add3A_494, %lt3A_495 : i32
      %convert_element_type3A_497 = arith.extui %lt3A_496 : i1 to i32
      %cond3A_498 = arith.constant 0 : i32
      %cond3A_499 = arith.cmpi ne, %convert_element_type3A_497, %cond3A_498 : i32
      scf.if %cond3A_499 {
        %add3A_652 = arith.addi %min3A_3, %add3A_494 : i32
        %mul3A_653 = arith.constant 10000 : i32
        %mul3A_654 = arith.muli %add3A_652, %mul3A_653 : i32
        %dma_start3A_655 = tpu.memref_slice %arg2[%mul3A_654] : memref<100000000xf32, #tpu.memory_space<hbm>> -> memref<10000xf32, #tpu.memory_space<hbm>>
        %dma_start3A_656 = tpu.memref_slice %arg2[%mul3A_654] : memref<100000000xf32, #tpu.memory_space<hbm>> -> memref<10000xf32, #tpu.memory_space<hbm>>
        tpu.enqueue_dma source(%dma_start3A_656 : memref<10000xf32, #tpu.memory_space<hbm>>) target(%arg5 : memref<10000xf32, #tpu.memory_space<vmem>>) target_semaphore(%arg8 : memref<!tpu.dma_semaphore, #tpu.memory_space<semaphore_mem>>)
      } else {
      }
      %add3A_500 = arith.addi %min3A_3, %add3A_492 : i32
      %mul3A_501 = arith.constant 10000 : i32
      %mul3A_502 = arith.muli %add3A_500, %mul3A_501 : i32
      %dma_wait3A_503 = tpu.memref_slice %arg2[%mul3A_502] : memref<100000000xf32, #tpu.memory_space<hbm>> -> memref<10000xf32, #tpu.memory_space<hbm>>
      %dma_wait3A_504 = tpu.memref_slice %arg2[%mul3A_502] : memref<100000000xf32, #tpu.memory_space<hbm>> -> memref<10000xf32, #tpu.memory_space<hbm>>
      tpu.wait_dma2 semaphore(%arg7 : memref<!tpu.dma_semaphore, #tpu.memory_space<semaphore_mem>>) src(%dma_wait3A_504 : memref<10000xf32, #tpu.memory_space<hbm>>) dst(%arg4 : memref<10000xf32, #tpu.memory_space<vmem>>)
      %broadcast_in_dim3A_505 = arith.constant 0.000000e+00 : f32
      %broadcast_in_dim3A_506 = vector.broadcast %broadcast_in_dim3A_505 : f32 to vector<16xf32>
      %scan3A_507 = arith.constant 0 : i32
      %scan3A_508 = arith.constant 624 : i32
      %scan3A_509 = arith.addi %scan3A_507, %scan3A_508 : i32
      %scan3A_510 = arith.constant 8 : i32
      %scan3A_511 = scf.for %scan3A_652 = %scan3A_507 to %scan3A_509 step %scan3A_510 iter_args(%scan3A_653 = %broadcast_in_dim3A_506) -> (vector<16xf32>)  : i32 {
        %mul3A_654 = arith.constant 16 : i32
        %mul3A_655 = arith.muli %scan3A_652, %mul3A_654 : i32
        %get3A_656 = arith.index_cast %mul3A_655 : i32 to index
        %get3A_657 = tpu.vector_load %arg4[%get3A_656] {strides = array<i32>} : memref<10000xf32, #tpu.memory_space<vmem>>, vector<16xf32>,
        %add3A_658 = arith.addf %scan3A_653, %get3A_657 : vector<16xf32>
        %scan3A_659 = arith.constant 1 : i32
        %scan3A_660 = arith.addi %scan3A_652, %scan3A_659 : i32
        %mul3A_661 = arith.constant 16 : i32
        %mul3A_662 = arith.muli %scan3A_660, %mul3A_661 : i32
        %get3A_663 = arith.index_cast %mul3A_662 : i32 to index
        %get3A_664 = tpu.vector_load %arg4[%get3A_663] {strides = array<i32>} : memref<10000xf32, #tpu.memory_space<vmem>>, vector<16xf32>,
        %add3A_665 = arith.addf %add3A_658, %get3A_664 : vector<16xf32>
        %scan3A_666 = arith.constant 2 : i32
        %scan3A_667 = arith.addi %scan3A_652, %scan3A_666 : i32
        %mul3A_668 = arith.constant 16 : i32
        %mul3A_669 = arith.muli %scan3A_667, %mul3A_668 : i32
        %get3A_670 = arith.index_cast %mul3A_669 : i32 to index
        %get3A_671 = tpu.vector_load %arg4[%get3A_670] {strides = array<i32>} : memref<10000xf32, #tpu.memory_space<vmem>>, vector<16xf32>,
        %add3A_672 = arith.addf %add3A_665, %get3A_671 : vector<16xf32>
        %scan3A_673 = arith.constant 3 : i32
        %scan3A_674 = arith.addi %scan3A_652, %scan3A_673 : i32
        %mul3A_675 = arith.constant 16 : i32
        %mul3A_676 = arith.muli %scan3A_674, %mul3A_675 : i32
        %get3A_677 = arith.index_cast %mul3A_676 : i32 to index
        %get3A_678 = tpu.vector_load %arg4[%get3A_677] {strides = array<i32>} : memref<10000xf32, #tpu.memory_space<vmem>>, vector<16xf32>,
        %add3A_679 = arith.addf %add3A_672, %get3A_678 : vector<16xf32>
        %scan3A_680 = arith.constant 4 : i32
        %scan3A_681 = arith.addi %scan3A_652, %scan3A_680 : i32
        %mul3A_682 = arith.constant 16 : i32
        %mul3A_683 = arith.muli %scan3A_681, %mul3A_682 : i32
        %get3A_684 = arith.index_cast %mul3A_683 : i32 to index
        %get3A_685 = tpu.vector_load %arg4[%get3A_684] {strides = array<i32>} : memref<10000xf32, #tpu.memory_space<vmem>>, vector<16xf32>,
        %add3A_686 = arith.addf %add3A_679, %get3A_685 : vector<16xf32>
        %scan3A_687 = arith.constant 5 : i32
        %scan3A_688 = arith.addi %scan3A_652, %scan3A_687 : i32
        %mul3A_689 = arith.constant 16 : i32
        %mul3A_690 = arith.muli %scan3A_688, %mul3A_689 : i32
        %get3A_691 = arith.index_cast %mul3A_690 : i32 to index
        %get3A_692 = tpu.vector_load %arg4[%get3A_691] {strides = array<i32>} : memref<10000xf32, #tpu.memory_space<vmem>>, vector<16xf32>,
        %add3A_693 = arith.addf %add3A_686, %get3A_692 : vector<16xf32>
        %scan3A_694 = arith.constant 6 : i32
        %scan3A_695 = arith.addi %scan3A_652, %scan3A_694 : i32
        %mul3A_696 = arith.constant 16 : i32
        %mul3A_697 = arith.muli %scan3A_695, %mul3A_696 : i32
        %get3A_698 = arith.index_cast %mul3A_697 : i32 to index
        %get3A_699 = tpu.vector_load %arg4[%get3A_698] {strides = array<i32>} : memref<10000xf32, #tpu.memory_space<vmem>>, vector<16xf32>,
        %add3A_700 = arith.addf %add3A_693, %get3A_699 : vector<16xf32>
        %scan3A_701 = arith.constant 7 : i32
        %scan3A_702 = arith.addi %scan3A_652, %scan3A_701 : i32
        %mul3A_703 = arith.constant 16 : i32
        %mul3A_704 = arith.muli %scan3A_702, %mul3A_703 : i32
        %get3A_705 = arith.index_cast %mul3A_704 : i32 to index
        %get3A_706 = tpu.vector_load %arg4[%get3A_705] {strides = array<i32>} : memref<10000xf32, #tpu.memory_space<vmem>>, vector<16xf32>,
        %add3A_707 = arith.addf %add3A_700, %get3A_706 : vector<16xf32>
        scf.yield %add3A_707 : vector<16xf32>
      }
      %scan3A_512 = arith.constant 624 : i32
      %scan3A_513 = arith.addi %scan3A_507, %scan3A_512 : i32
      %mul3A_514 = arith.constant 16 : i32
      %mul3A_515 = arith.muli %scan3A_513, %mul3A_514 : i32
      %get3A_516 = arith.index_cast %mul3A_515 : i32 to index
      %get3A_517 = tpu.vector_load %arg4[%get3A_516] {strides = array<i32>} : memref<10000xf32, #tpu.memory_space<vmem>>, vector<16xf32>,
      %add3A_518 = arith.addf %scan3A_511, %get3A_517 : vector<16xf32>
      %scan3A_519 = arith.constant 625 : i32
      %eq3A_520 = arith.constant 12 : i32
      %eq3A_521 = vector.broadcast %eq3A_520 : i32 to vector<16xi32>
      %eq3A_522 = arith.cmpi eq, %iota3A, %eq3A_521 : vector<16xi32>
      %reduce_sum3A_523 = arith.constant true
      %reduce_sum3A_524 = vector.broadcast %reduce_sum3A_523 : i1 to vector<16xi1>
      %reduce_sum3A_525 = tpu.scan <sum>, %add3A_518 masked %reduce_sum3A_524 : vector<16xf32>, vector<16xi1> -> vector<16xf32>
      %reduce_sum3A_526 = vector.extract %reduce_sum3A_525[15] : f32 from vector<16xf32>
      %broadcast_in_dim3A_527 = vector.broadcast %reduce_sum3A_526 : f32 to vector<16xf32>
      %select_n3A_528 = arith.select %eq3A_522, %broadcast_in_dim3A_527, %select_n3A_488 : vector<16xi1>, vector<16xf32>
      %mul3A_529 = arith.constant 16 : i32
      %mul3A_530 = arith.muli %add3A_15, %mul3A_529 : i32
      %add3A_531 = arith.constant 13 : i32
      %add3A_532 = arith.addi %mul3A_530, %add3A_531 : i32
      %add3A_533 = arith.constant 1 : i32
      %add3A_534 = arith.addi %add3A_532, %add3A_533 : i32
      %lt3A_535 = arith.constant 320 : i32
      %lt3A_536 = arith.cmpi slt, %add3A_534, %lt3A_535 : i32
      %convert_element_type3A_537 = arith.extui %lt3A_536 : i1 to i32
      %cond3A_538 = arith.constant 0 : i32
      %cond3A_539 = arith.cmpi ne, %convert_element_type3A_537, %cond3A_538 : i32
      scf.if %cond3A_539 {
        %add3A_652 = arith.addi %min3A_3, %add3A_534 : i32
        %mul3A_653 = arith.constant 10000 : i32
        %mul3A_654 = arith.muli %add3A_652, %mul3A_653 : i32
        %dma_start3A_655 = tpu.memref_slice %arg2[%mul3A_654] : memref<100000000xf32, #tpu.memory_space<hbm>> -> memref<10000xf32, #tpu.memory_space<hbm>>
        %dma_start3A_656 = tpu.memref_slice %arg2[%mul3A_654] : memref<100000000xf32, #tpu.memory_space<hbm>> -> memref<10000xf32, #tpu.memory_space<hbm>>
        tpu.enqueue_dma source(%dma_start3A_656 : memref<10000xf32, #tpu.memory_space<hbm>>) target(%arg4 : memref<10000xf32, #tpu.memory_space<vmem>>) target_semaphore(%arg7 : memref<!tpu.dma_semaphore, #tpu.memory_space<semaphore_mem>>)
      } else {
      }
      %add3A_540 = arith.addi %min3A_3, %add3A_532 : i32
      %mul3A_541 = arith.constant 10000 : i32
      %mul3A_542 = arith.muli %add3A_540, %mul3A_541 : i32
      %dma_wait3A_543 = tpu.memref_slice %arg2[%mul3A_542] : memref<100000000xf32, #tpu.memory_space<hbm>> -> memref<10000xf32, #tpu.memory_space<hbm>>
      %dma_wait3A_544 = tpu.memref_slice %arg2[%mul3A_542] : memref<100000000xf32, #tpu.memory_space<hbm>> -> memref<10000xf32, #tpu.memory_space<hbm>>
      tpu.wait_dma2 semaphore(%arg8 : memref<!tpu.dma_semaphore, #tpu.memory_space<semaphore_mem>>) src(%dma_wait3A_544 : memref<10000xf32, #tpu.memory_space<hbm>>) dst(%arg5 : memref<10000xf32, #tpu.memory_space<vmem>>)
      %broadcast_in_dim3A_545 = arith.constant 0.000000e+00 : f32
      %broadcast_in_dim3A_546 = vector.broadcast %broadcast_in_dim3A_545 : f32 to vector<16xf32>
      %scan3A_547 = arith.constant 0 : i32
      %scan3A_548 = arith.constant 624 : i32
      %scan3A_549 = arith.addi %scan3A_547, %scan3A_548 : i32
      %scan3A_550 = arith.constant 8 : i32
      %scan3A_551 = scf.for %scan3A_652 = %scan3A_547 to %scan3A_549 step %scan3A_550 iter_args(%scan3A_653 = %broadcast_in_dim3A_546) -> (vector<16xf32>)  : i32 {
        %mul3A_654 = arith.constant 16 : i32
        %mul3A_655 = arith.muli %scan3A_652, %mul3A_654 : i32
        %get3A_656 = arith.index_cast %mul3A_655 : i32 to index
        %get3A_657 = tpu.vector_load %arg5[%get3A_656] {strides = array<i32>} : memref<10000xf32, #tpu.memory_space<vmem>>, vector<16xf32>,
        %add3A_658 = arith.addf %scan3A_653, %get3A_657 : vector<16xf32>
        %scan3A_659 = arith.constant 1 : i32
        %scan3A_660 = arith.addi %scan3A_652, %scan3A_659 : i32
        %mul3A_661 = arith.constant 16 : i32
        %mul3A_662 = arith.muli %scan3A_660, %mul3A_661 : i32
        %get3A_663 = arith.index_cast %mul3A_662 : i32 to index
        %get3A_664 = tpu.vector_load %arg5[%get3A_663] {strides = array<i32>} : memref<10000xf32, #tpu.memory_space<vmem>>, vector<16xf32>,
        %add3A_665 = arith.addf %add3A_658, %get3A_664 : vector<16xf32>
        %scan3A_666 = arith.constant 2 : i32
        %scan3A_667 = arith.addi %scan3A_652, %scan3A_666 : i32
        %mul3A_668 = arith.constant 16 : i32
        %mul3A_669 = arith.muli %scan3A_667, %mul3A_668 : i32
        %get3A_670 = arith.index_cast %mul3A_669 : i32 to index
        %get3A_671 = tpu.vector_load %arg5[%get3A_670] {strides = array<i32>} : memref<10000xf32, #tpu.memory_space<vmem>>, vector<16xf32>,
        %add3A_672 = arith.addf %add3A_665, %get3A_671 : vector<16xf32>
        %scan3A_673 = arith.constant 3 : i32
        %scan3A_674 = arith.addi %scan3A_652, %scan3A_673 : i32
        %mul3A_675 = arith.constant 16 : i32
        %mul3A_676 = arith.muli %scan3A_674, %mul3A_675 : i32
        %get3A_677 = arith.index_cast %mul3A_676 : i32 to index
        %get3A_678 = tpu.vector_load %arg5[%get3A_677] {strides = array<i32>} : memref<10000xf32, #tpu.memory_space<vmem>>, vector<16xf32>,
        %add3A_679 = arith.addf %add3A_672, %get3A_678 : vector<16xf32>
        %scan3A_680 = arith.constant 4 : i32
        %scan3A_681 = arith.addi %scan3A_652, %scan3A_680 : i32
        %mul3A_682 = arith.constant 16 : i32
        %mul3A_683 = arith.muli %scan3A_681, %mul3A_682 : i32
        %get3A_684 = arith.index_cast %mul3A_683 : i32 to index
        %get3A_685 = tpu.vector_load %arg5[%get3A_684] {strides = array<i32>} : memref<10000xf32, #tpu.memory_space<vmem>>, vector<16xf32>,
        %add3A_686 = arith.addf %add3A_679, %get3A_685 : vector<16xf32>
        %scan3A_687 = arith.constant 5 : i32
        %scan3A_688 = arith.addi %scan3A_652, %scan3A_687 : i32
        %mul3A_689 = arith.constant 16 : i32
        %mul3A_690 = arith.muli %scan3A_688, %mul3A_689 : i32
        %get3A_691 = arith.index_cast %mul3A_690 : i32 to index
        %get3A_692 = tpu.vector_load %arg5[%get3A_691] {strides = array<i32>} : memref<10000xf32, #tpu.memory_space<vmem>>, vector<16xf32>,
        %add3A_693 = arith.addf %add3A_686, %get3A_692 : vector<16xf32>
        %scan3A_694 = arith.constant 6 : i32
        %scan3A_695 = arith.addi %scan3A_652, %scan3A_694 : i32
        %mul3A_696 = arith.constant 16 : i32
        %mul3A_697 = arith.muli %scan3A_695, %mul3A_696 : i32
        %get3A_698 = arith.index_cast %mul3A_697 : i32 to index
        %get3A_699 = tpu.vector_load %arg5[%get3A_698] {strides = array<i32>} : memref<10000xf32, #tpu.memory_space<vmem>>, vector<16xf32>,
        %add3A_700 = arith.addf %add3A_693, %get3A_699 : vector<16xf32>
        %scan3A_701 = arith.constant 7 : i32
        %scan3A_702 = arith.addi %scan3A_652, %scan3A_701 : i32
        %mul3A_703 = arith.constant 16 : i32
        %mul3A_704 = arith.muli %scan3A_702, %mul3A_703 : i32
        %get3A_705 = arith.index_cast %mul3A_704 : i32 to index
        %get3A_706 = tpu.vector_load %arg5[%get3A_705] {strides = array<i32>} : memref<10000xf32, #tpu.memory_space<vmem>>, vector<16xf32>,
        %add3A_707 = arith.addf %add3A_700, %get3A_706 : vector<16xf32>
        scf.yield %add3A_707 : vector<16xf32>
      }
      %scan3A_552 = arith.constant 624 : i32
      %scan3A_553 = arith.addi %scan3A_547, %scan3A_552 : i32
      %mul3A_554 = arith.constant 16 : i32
      %mul3A_555 = arith.muli %scan3A_553, %mul3A_554 : i32
      %get3A_556 = arith.index_cast %mul3A_555 : i32 to index
      %get3A_557 = tpu.vector_load %arg5[%get3A_556] {strides = array<i32>} : memref<10000xf32, #tpu.memory_space<vmem>>, vector<16xf32>,
      %add3A_558 = arith.addf %scan3A_551, %get3A_557 : vector<16xf32>
      %scan3A_559 = arith.constant 625 : i32
      %eq3A_560 = arith.constant 13 : i32
      %eq3A_561 = vector.broadcast %eq3A_560 : i32 to vector<16xi32>
      %eq3A_562 = arith.cmpi eq, %iota3A, %eq3A_561 : vector<16xi32>
      %reduce_sum3A_563 = arith.constant true
      %reduce_sum3A_564 = vector.broadcast %reduce_sum3A_563 : i1 to vector<16xi1>
      %reduce_sum3A_565 = tpu.scan <sum>, %add3A_558 masked %reduce_sum3A_564 : vector<16xf32>, vector<16xi1> -> vector<16xf32>
      %reduce_sum3A_566 = vector.extract %reduce_sum3A_565[15] : f32 from vector<16xf32>
      %broadcast_in_dim3A_567 = vector.broadcast %reduce_sum3A_566 : f32 to vector<16xf32>
      %select_n3A_568 = arith.select %eq3A_562, %broadcast_in_dim3A_567, %select_n3A_528 : vector<16xi1>, vector<16xf32>
      %mul3A_569 = arith.constant 16 : i32
      %mul3A_570 = arith.muli %add3A_15, %mul3A_569 : i32
      %add3A_571 = arith.constant 14 : i32
      %add3A_572 = arith.addi %mul3A_570, %add3A_571 : i32
      %add3A_573 = arith.constant 1 : i32
      %add3A_574 = arith.addi %add3A_572, %add3A_573 : i32
      %lt3A_575 = arith.constant 320 : i32
      %lt3A_576 = arith.cmpi slt, %add3A_574, %lt3A_575 : i32
      %convert_element_type3A_577 = arith.extui %lt3A_576 : i1 to i32
      %cond3A_578 = arith.constant 0 : i32
      %cond3A_579 = arith.cmpi ne, %convert_element_type3A_577, %cond3A_578 : i32
      scf.if %cond3A_579 {
        %add3A_652 = arith.addi %min3A_3, %add3A_574 : i32
        %mul3A_653 = arith.constant 10000 : i32
        %mul3A_654 = arith.muli %add3A_652, %mul3A_653 : i32
        %dma_start3A_655 = tpu.memref_slice %arg2[%mul3A_654] : memref<100000000xf32, #tpu.memory_space<hbm>> -> memref<10000xf32, #tpu.memory_space<hbm>>
        %dma_start3A_656 = tpu.memref_slice %arg2[%mul3A_654] : memref<100000000xf32, #tpu.memory_space<hbm>> -> memref<10000xf32, #tpu.memory_space<hbm>>
        tpu.enqueue_dma source(%dma_start3A_656 : memref<10000xf32, #tpu.memory_space<hbm>>) target(%arg5 : memref<10000xf32, #tpu.memory_space<vmem>>) target_semaphore(%arg8 : memref<!tpu.dma_semaphore, #tpu.memory_space<semaphore_mem>>)
      } else {
      }
      %add3A_580 = arith.addi %min3A_3, %add3A_572 : i32
      %mul3A_581 = arith.constant 10000 : i32
      %mul3A_582 = arith.muli %add3A_580, %mul3A_581 : i32
      %dma_wait3A_583 = tpu.memref_slice %arg2[%mul3A_582] : memref<100000000xf32, #tpu.memory_space<hbm>> -> memref<10000xf32, #tpu.memory_space<hbm>>
      %dma_wait3A_584 = tpu.memref_slice %arg2[%mul3A_582] : memref<100000000xf32, #tpu.memory_space<hbm>> -> memref<10000xf32, #tpu.memory_space<hbm>>
      tpu.wait_dma2 semaphore(%arg7 : memref<!tpu.dma_semaphore, #tpu.memory_space<semaphore_mem>>) src(%dma_wait3A_584 : memref<10000xf32, #tpu.memory_space<hbm>>) dst(%arg4 : memref<10000xf32, #tpu.memory_space<vmem>>)
      %broadcast_in_dim3A_585 = arith.constant 0.000000e+00 : f32
      %broadcast_in_dim3A_586 = vector.broadcast %broadcast_in_dim3A_585 : f32 to vector<16xf32>
      %scan3A_587 = arith.constant 0 : i32
      %scan3A_588 = arith.constant 624 : i32
      %scan3A_589 = arith.addi %scan3A_587, %scan3A_588 : i32
      %scan3A_590 = arith.constant 8 : i32
      %scan3A_591 = scf.for %scan3A_652 = %scan3A_587 to %scan3A_589 step %scan3A_590 iter_args(%scan3A_653 = %broadcast_in_dim3A_586) -> (vector<16xf32>)  : i32 {
        %mul3A_654 = arith.constant 16 : i32
        %mul3A_655 = arith.muli %scan3A_652, %mul3A_654 : i32
        %get3A_656 = arith.index_cast %mul3A_655 : i32 to index
        %get3A_657 = tpu.vector_load %arg4[%get3A_656] {strides = array<i32>} : memref<10000xf32, #tpu.memory_space<vmem>>, vector<16xf32>,
        %add3A_658 = arith.addf %scan3A_653, %get3A_657 : vector<16xf32>
        %scan3A_659 = arith.constant 1 : i32
        %scan3A_660 = arith.addi %scan3A_652, %scan3A_659 : i32
        %mul3A_661 = arith.constant 16 : i32
        %mul3A_662 = arith.muli %scan3A_660, %mul3A_661 : i32
        %get3A_663 = arith.index_cast %mul3A_662 : i32 to index
        %get3A_664 = tpu.vector_load %arg4[%get3A_663] {strides = array<i32>} : memref<10000xf32, #tpu.memory_space<vmem>>, vector<16xf32>,
        %add3A_665 = arith.addf %add3A_658, %get3A_664 : vector<16xf32>
        %scan3A_666 = arith.constant 2 : i32
        %scan3A_667 = arith.addi %scan3A_652, %scan3A_666 : i32
        %mul3A_668 = arith.constant 16 : i32
        %mul3A_669 = arith.muli %scan3A_667, %mul3A_668 : i32
        %get3A_670 = arith.index_cast %mul3A_669 : i32 to index
        %get3A_671 = tpu.vector_load %arg4[%get3A_670] {strides = array<i32>} : memref<10000xf32, #tpu.memory_space<vmem>>, vector<16xf32>,
        %add3A_672 = arith.addf %add3A_665, %get3A_671 : vector<16xf32>
        %scan3A_673 = arith.constant 3 : i32
        %scan3A_674 = arith.addi %scan3A_652, %scan3A_673 : i32
        %mul3A_675 = arith.constant 16 : i32
        %mul3A_676 = arith.muli %scan3A_674, %mul3A_675 : i32
        %get3A_677 = arith.index_cast %mul3A_676 : i32 to index
        %get3A_678 = tpu.vector_load %arg4[%get3A_677] {strides = array<i32>} : memref<10000xf32, #tpu.memory_space<vmem>>, vector<16xf32>,
        %add3A_679 = arith.addf %add3A_672, %get3A_678 : vector<16xf32>
        %scan3A_680 = arith.constant 4 : i32
        %scan3A_681 = arith.addi %scan3A_652, %scan3A_680 : i32
        %mul3A_682 = arith.constant 16 : i32
        %mul3A_683 = arith.muli %scan3A_681, %mul3A_682 : i32
        %get3A_684 = arith.index_cast %mul3A_683 : i32 to index
        %get3A_685 = tpu.vector_load %arg4[%get3A_684] {strides = array<i32>} : memref<10000xf32, #tpu.memory_space<vmem>>, vector<16xf32>,
        %add3A_686 = arith.addf %add3A_679, %get3A_685 : vector<16xf32>
        %scan3A_687 = arith.constant 5 : i32
        %scan3A_688 = arith.addi %scan3A_652, %scan3A_687 : i32
        %mul3A_689 = arith.constant 16 : i32
        %mul3A_690 = arith.muli %scan3A_688, %mul3A_689 : i32
        %get3A_691 = arith.index_cast %mul3A_690 : i32 to index
        %get3A_692 = tpu.vector_load %arg4[%get3A_691] {strides = array<i32>} : memref<10000xf32, #tpu.memory_space<vmem>>, vector<16xf32>,
        %add3A_693 = arith.addf %add3A_686, %get3A_692 : vector<16xf32>
        %scan3A_694 = arith.constant 6 : i32
        %scan3A_695 = arith.addi %scan3A_652, %scan3A_694 : i32
        %mul3A_696 = arith.constant 16 : i32
        %mul3A_697 = arith.muli %scan3A_695, %mul3A_696 : i32
        %get3A_698 = arith.index_cast %mul3A_697 : i32 to index
        %get3A_699 = tpu.vector_load %arg4[%get3A_698] {strides = array<i32>} : memref<10000xf32, #tpu.memory_space<vmem>>, vector<16xf32>,
        %add3A_700 = arith.addf %add3A_693, %get3A_699 : vector<16xf32>
        %scan3A_701 = arith.constant 7 : i32
        %scan3A_702 = arith.addi %scan3A_652, %scan3A_701 : i32
        %mul3A_703 = arith.constant 16 : i32
        %mul3A_704 = arith.muli %scan3A_702, %mul3A_703 : i32
        %get3A_705 = arith.index_cast %mul3A_704 : i32 to index
        %get3A_706 = tpu.vector_load %arg4[%get3A_705] {strides = array<i32>} : memref<10000xf32, #tpu.memory_space<vmem>>, vector<16xf32>,
        %add3A_707 = arith.addf %add3A_700, %get3A_706 : vector<16xf32>
        scf.yield %add3A_707 : vector<16xf32>
      }
      %scan3A_592 = arith.constant 624 : i32
      %scan3A_593 = arith.addi %scan3A_587, %scan3A_592 : i32
      %mul3A_594 = arith.constant 16 : i32
      %mul3A_595 = arith.muli %scan3A_593, %mul3A_594 : i32
      %get3A_596 = arith.index_cast %mul3A_595 : i32 to index
      %get3A_597 = tpu.vector_load %arg4[%get3A_596] {strides = array<i32>} : memref<10000xf32, #tpu.memory_space<vmem>>, vector<16xf32>,
      %add3A_598 = arith.addf %scan3A_591, %get3A_597 : vector<16xf32>
      %scan3A_599 = arith.constant 625 : i32
      %eq3A_600 = arith.constant 14 : i32
      %eq3A_601 = vector.broadcast %eq3A_600 : i32 to vector<16xi32>
      %eq3A_602 = arith.cmpi eq, %iota3A, %eq3A_601 : vector<16xi32>
      %reduce_sum3A_603 = arith.constant true
      %reduce_sum3A_604 = vector.broadcast %reduce_sum3A_603 : i1 to vector<16xi1>
      %reduce_sum3A_605 = tpu.scan <sum>, %add3A_598 masked %reduce_sum3A_604 : vector<16xf32>, vector<16xi1> -> vector<16xf32>
      %reduce_sum3A_606 = vector.extract %reduce_sum3A_605[15] : f32 from vector<16xf32>
      %broadcast_in_dim3A_607 = vector.broadcast %reduce_sum3A_606 : f32 to vector<16xf32>
      %select_n3A_608 = arith.select %eq3A_602, %broadcast_in_dim3A_607, %select_n3A_568 : vector<16xi1>, vector<16xf32>
      %mul3A_609 = arith.constant 16 : i32
      %mul3A_610 = arith.muli %add3A_15, %mul3A_609 : i32
      %add3A_611 = arith.constant 15 : i32
      %add3A_612 = arith.addi %mul3A_610, %add3A_611 : i32
      %add3A_613 = arith.constant 1 : i32
      %add3A_614 = arith.addi %add3A_612, %add3A_613 : i32
      %lt3A_615 = arith.constant 320 : i32
      %lt3A_616 = arith.cmpi slt, %add3A_614, %lt3A_615 : i32
      %convert_element_type3A_617 = arith.extui %lt3A_616 : i1 to i32
      %cond3A_618 = arith.constant 0 : i32
      %cond3A_619 = arith.cmpi ne, %convert_element_type3A_617, %cond3A_618 : i32
      scf.if %cond3A_619 {
        %add3A_652 = arith.addi %min3A_3, %add3A_614 : i32
        %mul3A_653 = arith.constant 10000 : i32
        %mul3A_654 = arith.muli %add3A_652, %mul3A_653 : i32
        %dma_start3A_655 = tpu.memref_slice %arg2[%mul3A_654] : memref<100000000xf32, #tpu.memory_space<hbm>> -> memref<10000xf32, #tpu.memory_space<hbm>>
        %dma_start3A_656 = tpu.memref_slice %arg2[%mul3A_654] : memref<100000000xf32, #tpu.memory_space<hbm>> -> memref<10000xf32, #tpu.memory_space<hbm>>
        tpu.enqueue_dma source(%dma_start3A_656 : memref<10000xf32, #tpu.memory_space<hbm>>) target(%arg4 : memref<10000xf32, #tpu.memory_space<vmem>>) target_semaphore(%arg7 : memref<!tpu.dma_semaphore, #tpu.memory_space<semaphore_mem>>)
      } else {
      }
      %add3A_620 = arith.addi %min3A_3, %add3A_612 : i32
      %mul3A_621 = arith.constant 10000 : i32
      %mul3A_622 = arith.muli %add3A_620, %mul3A_621 : i32
      %dma_wait3A_623 = tpu.memref_slice %arg2[%mul3A_622] : memref<100000000xf32, #tpu.memory_space<hbm>> -> memref<10000xf32, #tpu.memory_space<hbm>>
      %dma_wait3A_624 = tpu.memref_slice %arg2[%mul3A_622] : memref<100000000xf32, #tpu.memory_space<hbm>> -> memref<10000xf32, #tpu.memory_space<hbm>>
      tpu.wait_dma2 semaphore(%arg8 : memref<!tpu.dma_semaphore, #tpu.memory_space<semaphore_mem>>) src(%dma_wait3A_624 : memref<10000xf32, #tpu.memory_space<hbm>>) dst(%arg5 : memref<10000xf32, #tpu.memory_space<vmem>>)
      %broadcast_in_dim3A_625 = arith.constant 0.000000e+00 : f32
      %broadcast_in_dim3A_626 = vector.broadcast %broadcast_in_dim3A_625 : f32 to vector<16xf32>
      %scan3A_627 = arith.constant 0 : i32
      %scan3A_628 = arith.constant 624 : i32
      %scan3A_629 = arith.addi %scan3A_627, %scan3A_628 : i32
      %scan3A_630 = arith.constant 8 : i32
      %scan3A_631 = scf.for %scan3A_652 = %scan3A_627 to %scan3A_629 step %scan3A_630 iter_args(%scan3A_653 = %broadcast_in_dim3A_626) -> (vector<16xf32>)  : i32 {
        %mul3A_654 = arith.constant 16 : i32
        %mul3A_655 = arith.muli %scan3A_652, %mul3A_654 : i32
        %get3A_656 = arith.index_cast %mul3A_655 : i32 to index
        %get3A_657 = tpu.vector_load %arg5[%get3A_656] {strides = array<i32>} : memref<10000xf32, #tpu.memory_space<vmem>>, vector<16xf32>,
        %add3A_658 = arith.addf %scan3A_653, %get3A_657 : vector<16xf32>
        %scan3A_659 = arith.constant 1 : i32
        %scan3A_660 = arith.addi %scan3A_652, %scan3A_659 : i32
        %mul3A_661 = arith.constant 16 : i32
        %mul3A_662 = arith.muli %scan3A_660, %mul3A_661 : i32
        %get3A_663 = arith.index_cast %mul3A_662 : i32 to index
        %get3A_664 = tpu.vector_load %arg5[%get3A_663] {strides = array<i32>} : memref<10000xf32, #tpu.memory_space<vmem>>, vector<16xf32>,
        %add3A_665 = arith.addf %add3A_658, %get3A_664 : vector<16xf32>
        %scan3A_666 = arith.constant 2 : i32
        %scan3A_667 = arith.addi %scan3A_652, %scan3A_666 : i32
        %mul3A_668 = arith.constant 16 : i32
        %mul3A_669 = arith.muli %scan3A_667, %mul3A_668 : i32
        %get3A_670 = arith.index_cast %mul3A_669 : i32 to index
        %get3A_671 = tpu.vector_load %arg5[%get3A_670] {strides = array<i32>} : memref<10000xf32, #tpu.memory_space<vmem>>, vector<16xf32>,
        %add3A_672 = arith.addf %add3A_665, %get3A_671 : vector<16xf32>
        %scan3A_673 = arith.constant 3 : i32
        %scan3A_674 = arith.addi %scan3A_652, %scan3A_673 : i32
        %mul3A_675 = arith.constant 16 : i32
        %mul3A_676 = arith.muli %scan3A_674, %mul3A_675 : i32
        %get3A_677 = arith.index_cast %mul3A_676 : i32 to index
        %get3A_678 = tpu.vector_load %arg5[%get3A_677] {strides = array<i32>} : memref<10000xf32, #tpu.memory_space<vmem>>, vector<16xf32>,
        %add3A_679 = arith.addf %add3A_672, %get3A_678 : vector<16xf32>
        %scan3A_680 = arith.constant 4 : i32
        %scan3A_681 = arith.addi %scan3A_652, %scan3A_680 : i32
        %mul3A_682 = arith.constant 16 : i32
        %mul3A_683 = arith.muli %scan3A_681, %mul3A_682 : i32
        %get3A_684 = arith.index_cast %mul3A_683 : i32 to index
        %get3A_685 = tpu.vector_load %arg5[%get3A_684] {strides = array<i32>} : memref<10000xf32, #tpu.memory_space<vmem>>, vector<16xf32>,
        %add3A_686 = arith.addf %add3A_679, %get3A_685 : vector<16xf32>
        %scan3A_687 = arith.constant 5 : i32
        %scan3A_688 = arith.addi %scan3A_652, %scan3A_687 : i32
        %mul3A_689 = arith.constant 16 : i32
        %mul3A_690 = arith.muli %scan3A_688, %mul3A_689 : i32
        %get3A_691 = arith.index_cast %mul3A_690 : i32 to index
        %get3A_692 = tpu.vector_load %arg5[%get3A_691] {strides = array<i32>} : memref<10000xf32, #tpu.memory_space<vmem>>, vector<16xf32>,
        %add3A_693 = arith.addf %add3A_686, %get3A_692 : vector<16xf32>
        %scan3A_694 = arith.constant 6 : i32
        %scan3A_695 = arith.addi %scan3A_652, %scan3A_694 : i32
        %mul3A_696 = arith.constant 16 : i32
        %mul3A_697 = arith.muli %scan3A_695, %mul3A_696 : i32
        %get3A_698 = arith.index_cast %mul3A_697 : i32 to index
        %get3A_699 = tpu.vector_load %arg5[%get3A_698] {strides = array<i32>} : memref<10000xf32, #tpu.memory_space<vmem>>, vector<16xf32>,
        %add3A_700 = arith.addf %add3A_693, %get3A_699 : vector<16xf32>
        %scan3A_701 = arith.constant 7 : i32
        %scan3A_702 = arith.addi %scan3A_652, %scan3A_701 : i32
        %mul3A_703 = arith.constant 16 : i32
        %mul3A_704 = arith.muli %scan3A_702, %mul3A_703 : i32
        %get3A_705 = arith.index_cast %mul3A_704 : i32 to index
        %get3A_706 = tpu.vector_load %arg5[%get3A_705] {strides = array<i32>} : memref<10000xf32, #tpu.memory_space<vmem>>, vector<16xf32>,
        %add3A_707 = arith.addf %add3A_700, %get3A_706 : vector<16xf32>
        scf.yield %add3A_707 : vector<16xf32>
      }
      %scan3A_632 = arith.constant 624 : i32
      %scan3A_633 = arith.addi %scan3A_627, %scan3A_632 : i32
      %mul3A_634 = arith.constant 16 : i32
      %mul3A_635 = arith.muli %scan3A_633, %mul3A_634 : i32
      %get3A_636 = arith.index_cast %mul3A_635 : i32 to index
      %get3A_637 = tpu.vector_load %arg5[%get3A_636] {strides = array<i32>} : memref<10000xf32, #tpu.memory_space<vmem>>, vector<16xf32>,
      %add3A_638 = arith.addf %scan3A_631, %get3A_637 : vector<16xf32>
      %scan3A_639 = arith.constant 625 : i32
      %eq3A_640 = arith.constant 15 : i32
      %eq3A_641 = vector.broadcast %eq3A_640 : i32 to vector<16xi32>
      %eq3A_642 = arith.cmpi eq, %iota3A, %eq3A_641 : vector<16xi32>
      %reduce_sum3A_643 = arith.constant true
      %reduce_sum3A_644 = vector.broadcast %reduce_sum3A_643 : i1 to vector<16xi1>
      %reduce_sum3A_645 = tpu.scan <sum>, %add3A_638 masked %reduce_sum3A_644 : vector<16xf32>, vector<16xi1> -> vector<16xf32>
      %reduce_sum3A_646 = vector.extract %reduce_sum3A_645[15] : f32 from vector<16xf32>
      %broadcast_in_dim3A_647 = vector.broadcast %reduce_sum3A_646 : f32 to vector<16xf32>
      %select_n3A_648 = arith.select %eq3A_642, %broadcast_in_dim3A_647, %select_n3A_608 : vector<16xi1>, vector<16xf32>
      %mul3A_649 = arith.constant 16 : i32
      %mul3A_650 = arith.muli %add3A_15, %mul3A_649 : i32
      %swap3A = arith.index_cast %mul3A_650 : i32 to index
      %swap3A_651 = tpu.vector_load %arg6[%swap3A] {strides = array<i32>} : memref<320xf32, #tpu.memory_space<vmem>>, vector<16xf32>,
      tpu.vector_store %arg6[%swap3A], %select_n3A_648 {strides = array<i32>} : memref<320xf32, #tpu.memory_space<vmem>>, vector<16xf32>,
    }
    %scan3A_10 = arith.constant 20 : i32
    "tpu.region"() ({
      %run_scoped3A = tpu.sem_alloc : memref<!tpu.dma_semaphore, #tpu.memory_space<semaphore_mem>>
      %dma_start3A_11 = tpu.memref_slice %arg3[%min3A_3] : memref<10000xf32, #tpu.memory_space<hbm>> -> memref<320xf32, #tpu.memory_space<hbm>>
      %dma_start3A_12 = tpu.memref_slice %arg3[%min3A_3] : memref<10000xf32, #tpu.memory_space<hbm>> -> memref<320xf32, #tpu.memory_space<hbm>>
      tpu.enqueue_dma source(%arg6 : memref<320xf32, #tpu.memory_space<vmem>>) target(%dma_start3A_12 : memref<320xf32, #tpu.memory_space<hbm>>) target_semaphore(%run_scoped3A : memref<!tpu.dma_semaphore, #tpu.memory_space<semaphore_mem>>)
      %dma_wait3A = tpu.memref_slice %arg3[%min3A_3] : memref<10000xf32, #tpu.memory_space<hbm>> -> memref<320xf32, #tpu.memory_space<hbm>>
      %dma_wait3A_13 = tpu.memref_slice %arg3[%min3A_3] : memref<10000xf32, #tpu.memory_space<hbm>> -> memref<320xf32, #tpu.memory_space<hbm>>
      tpu.wait_dma2 semaphore(%run_scoped3A : memref<!tpu.dma_semaphore, #tpu.memory_space<semaphore_mem>>) src(%arg6 : memref<320xf32, #tpu.memory_space<vmem>>) dst(%dma_wait3A_13 : memref<320xf32, #tpu.memory_space<hbm>>)
      tpu.yield
    }) : () -> ()
    return
  }
}

#map = affine_map<(d0, d1) -> (0)>
module attributes {stable_mosaic.version = 14 : i64} {
  func.func @new_body(%arg0: i32, %arg1: i32, %arg2: memref<320000xi32, #tpu.memory_space<hbm>>, %arg3: memref<320000xi32, #tpu.memory_space<hbm>>, %arg4: memref<10000xf32, #tpu.memory_space<hbm>>, %arg5: memref<10000xf32, #tpu.memory_space<hbm>>, %arg6: memref<10000xf32, #tpu.memory_space<hbm>>, %arg7: memref<100000000xf32, #tpu.memory_space<hbm>>, %arg8: memref<100000000xf32, #tpu.memory_space<hbm>>, %arg9: memref<10000xi32, #tpu.memory_space<vmem>>, %arg10: memref<10000xi32, #tpu.memory_space<vmem>>, %arg11: memref<10000xf32, #tpu.memory_space<vmem>>, %arg12: memref<10000xf32, #tpu.memory_space<vmem>>, %arg13: memref<10000xf32, #tpu.memory_space<vmem>>, %arg14: memref<79x128xi32, #tpu.memory_space<vmem>>, %arg15: memref<79x128xf32, #tpu.memory_space<vmem>>, %arg16: memref<!tpu.dma_semaphore, #tpu.memory_space<semaphore_mem>>) attributes {dimension_semantics = [#tpu.dimension_semantics<core_parallel>, #tpu.dimension_semantics<subcore_parallel>], iteration_bounds = array<i64: 2, 16>, scalar_prefetch = 0 : i64, scratch_operands = 8 : i64, tpu.core_type = #tpu.core_type<sc_vector_subcore>, window_params = [{transform_indices = #map}, {transform_indices = #map}, {transform_indices = #map}, {transform_indices = #map}, {transform_indices = #map}, {transform_indices = #map}, {transform_indices = #map}]} {
    %mul3A = arith.constant 2 : i32
    %mul3A_0 = arith.muli %arg1, %mul3A : i32
    %add3A = arith.addi %mul3A_0, %arg0 : i32
    %mul3A_1 = arith.constant 10000 : i32
    %mul3A_2 = arith.muli %add3A, %mul3A_1 : i32
    "tpu.region"() ({
      %run_scoped3A = tpu.sem_alloc : memref<!tpu.dma_semaphore, #tpu.memory_space<semaphore_mem>>
      %dma_start3A = tpu.memref_slice %arg2[%mul3A_2] : memref<320000xi32, #tpu.memory_space<hbm>> -> memref<10000xi32, #tpu.memory_space<hbm>>
      %dma_start3A_17 = tpu.memref_slice %arg2[%mul3A_2] : memref<320000xi32, #tpu.memory_space<hbm>> -> memref<10000xi32, #tpu.memory_space<hbm>>
      tpu.enqueue_dma source(%dma_start3A_17 : memref<10000xi32, #tpu.memory_space<hbm>>) target(%arg9 : memref<10000xi32, #tpu.memory_space<vmem>>) target_semaphore(%run_scoped3A : memref<!tpu.dma_semaphore, #tpu.memory_space<semaphore_mem>>)
      %dma_wait3A = tpu.memref_slice %arg2[%mul3A_2] : memref<320000xi32, #tpu.memory_space<hbm>> -> memref<10000xi32, #tpu.memory_space<hbm>>
      %dma_wait3A_18 = tpu.memref_slice %arg2[%mul3A_2] : memref<320000xi32, #tpu.memory_space<hbm>> -> memref<10000xi32, #tpu.memory_space<hbm>>
      tpu.wait_dma2 semaphore(%run_scoped3A : memref<!tpu.dma_semaphore, #tpu.memory_space<semaphore_mem>>) src(%dma_wait3A_18 : memref<10000xi32, #tpu.memory_space<hbm>>) dst(%arg9 : memref<10000xi32, #tpu.memory_space<vmem>>)
      tpu.yield
    }) : () -> ()
    "tpu.region"() ({
      %run_scoped3A = tpu.sem_alloc : memref<!tpu.dma_semaphore, #tpu.memory_space<semaphore_mem>>
      %dma_start3A = tpu.memref_slice %arg3[%mul3A_2] : memref<320000xi32, #tpu.memory_space<hbm>> -> memref<10000xi32, #tpu.memory_space<hbm>>
      %dma_start3A_17 = tpu.memref_slice %arg3[%mul3A_2] : memref<320000xi32, #tpu.memory_space<hbm>> -> memref<10000xi32, #tpu.memory_space<hbm>>
      tpu.enqueue_dma source(%dma_start3A_17 : memref<10000xi32, #tpu.memory_space<hbm>>) target(%arg10 : memref<10000xi32, #tpu.memory_space<vmem>>) target_semaphore(%run_scoped3A : memref<!tpu.dma_semaphore, #tpu.memory_space<semaphore_mem>>)
      %dma_wait3A = tpu.memref_slice %arg3[%mul3A_2] : memref<320000xi32, #tpu.memory_space<hbm>> -> memref<10000xi32, #tpu.memory_space<hbm>>
      %dma_wait3A_18 = tpu.memref_slice %arg3[%mul3A_2] : memref<320000xi32, #tpu.memory_space<hbm>> -> memref<10000xi32, #tpu.memory_space<hbm>>
      tpu.wait_dma2 semaphore(%run_scoped3A : memref<!tpu.dma_semaphore, #tpu.memory_space<semaphore_mem>>) src(%dma_wait3A_18 : memref<10000xi32, #tpu.memory_space<hbm>>) dst(%arg10 : memref<10000xi32, #tpu.memory_space<vmem>>)
      tpu.yield
    }) : () -> ()
    "tpu.region"() ({
      %run_scoped3A = tpu.sem_alloc : memref<!tpu.dma_semaphore, #tpu.memory_space<semaphore_mem>>
      tpu.enqueue_dma source(%arg4 : memref<10000xf32, #tpu.memory_space<hbm>>) target(%arg11 : memref<10000xf32, #tpu.memory_space<vmem>>) target_semaphore(%run_scoped3A : memref<!tpu.dma_semaphore, #tpu.memory_space<semaphore_mem>>)
      tpu.wait_dma2 semaphore(%run_scoped3A : memref<!tpu.dma_semaphore, #tpu.memory_space<semaphore_mem>>) src(%arg4 : memref<10000xf32, #tpu.memory_space<hbm>>) dst(%arg11 : memref<10000xf32, #tpu.memory_space<vmem>>)
      tpu.yield
    }) : () -> ()
    "tpu.region"() ({
      %run_scoped3A = tpu.sem_alloc : memref<!tpu.dma_semaphore, #tpu.memory_space<semaphore_mem>>
      tpu.enqueue_dma source(%arg5 : memref<10000xf32, #tpu.memory_space<hbm>>) target(%arg12 : memref<10000xf32, #tpu.memory_space<vmem>>) target_semaphore(%run_scoped3A : memref<!tpu.dma_semaphore, #tpu.memory_space<semaphore_mem>>)
      tpu.wait_dma2 semaphore(%run_scoped3A : memref<!tpu.dma_semaphore, #tpu.memory_space<semaphore_mem>>) src(%arg5 : memref<10000xf32, #tpu.memory_space<hbm>>) dst(%arg12 : memref<10000xf32, #tpu.memory_space<vmem>>)
      tpu.yield
    }) : () -> ()
    "tpu.region"() ({
      %run_scoped3A = tpu.sem_alloc : memref<!tpu.dma_semaphore, #tpu.memory_space<semaphore_mem>>
      tpu.enqueue_dma source(%arg6 : memref<10000xf32, #tpu.memory_space<hbm>>) target(%arg13 : memref<10000xf32, #tpu.memory_space<vmem>>) target_semaphore(%run_scoped3A : memref<!tpu.dma_semaphore, #tpu.memory_space<semaphore_mem>>)
      tpu.wait_dma2 semaphore(%run_scoped3A : memref<!tpu.dma_semaphore, #tpu.memory_space<semaphore_mem>>) src(%arg6 : memref<10000xf32, #tpu.memory_space<hbm>>) dst(%arg13 : memref<10000xf32, #tpu.memory_space<vmem>>)
      tpu.yield
    }) : () -> ()
    %scan3A = arith.constant 0 : i32
    %scan3A_3 = arith.constant 79 : i32
    %scan3A_4 = arith.addi %scan3A, %scan3A_3 : i32
    %scan3A_5 = arith.constant 1 : i32
    scf.for %scan3A_17 = %scan3A to %scan3A_4 step %scan3A_5  : i32 {
      %mul3A_18 = arith.constant 1 : i32
      %mul3A_19 = arith.muli %scan3A_17, %mul3A_18 : i32
      %add3A_20 = arith.constant 0 : i32
      %add3A_21 = arith.addi %add3A_20, %mul3A_19 : i32
      %mul3A_22 = arith.constant 8 : i32
      %mul3A_23 = arith.muli %add3A_21, %mul3A_22 : i32
      %add3A_24 = arith.constant 0 : i32
      %add3A_25 = arith.addi %mul3A_23, %add3A_24 : i32
      %min3A = arith.constant 624 : i32
      %min3A_26 = arith.minsi %add3A_25, %min3A : i32
      %mul3A_27 = arith.constant 16 : i32
      %mul3A_28 = arith.muli %min3A_26, %mul3A_27 : i32
      %get3A = arith.index_cast %mul3A_28 : i32 to index
      %get3A_29 = tpu.vector_load %arg9[%get3A] {strides = array<i32>} : memref<10000xi32, #tpu.memory_space<vmem>>, vector<16xi32>,
      %get3A_30 = arith.index_cast %mul3A_28 : i32 to index
      %get3A_31 = tpu.vector_load %arg10[%get3A_30] {strides = array<i32>} : memref<10000xi32, #tpu.memory_space<vmem>>, vector<16xi32>,
      %gather3A = tpu.vector_load_idx %arg11[%get3A_31] : memref<10000xf32, #tpu.memory_space<vmem>>[vector<16xi32>], vector<16xf32>,
      %gather3A_32 = tpu.vector_load_idx %arg11[%get3A_29] : memref<10000xf32, #tpu.memory_space<vmem>>[vector<16xi32>], vector<16xf32>,
      %sub3A = arith.subf %gather3A, %gather3A_32 : vector<16xf32>
      %gather3A_33 = tpu.vector_load_idx %arg12[%get3A_31] : memref<10000xf32, #tpu.memory_space<vmem>>[vector<16xi32>], vector<16xf32>,
      %gather3A_34 = tpu.vector_load_idx %arg12[%get3A_29] : memref<10000xf32, #tpu.memory_space<vmem>>[vector<16xi32>], vector<16xf32>,
      %sub3A_35 = arith.subf %gather3A_33, %gather3A_34 : vector<16xf32>
      %gather3A_36 = tpu.vector_load_idx %arg13[%get3A_31] : memref<10000xf32, #tpu.memory_space<vmem>>[vector<16xi32>], vector<16xf32>,
      %gather3A_37 = tpu.vector_load_idx %arg13[%get3A_29] : memref<10000xf32, #tpu.memory_space<vmem>>[vector<16xi32>], vector<16xf32>,
      %sub3A_38 = arith.subf %gather3A_36, %gather3A_37 : vector<16xf32>
      %mul3A_39 = arith.mulf %sub3A, %sub3A : vector<16xf32>
      %add3A_40 = arith.constant 1.000000e+00 : f32
      %add3A_41 = vector.broadcast %add3A_40 : f32 to vector<16xf32>
      %add3A_42 = arith.addf %add3A_41, %mul3A_39 : vector<16xf32>
      %mul3A_43 = arith.mulf %sub3A_35, %sub3A_35 : vector<16xf32>
      %add3A_44 = arith.addf %add3A_42, %mul3A_43 : vector<16xf32>
      %mul3A_45 = arith.mulf %sub3A_38, %sub3A_38 : vector<16xf32>
      %add3A_46 = arith.addf %add3A_44, %mul3A_45 : vector<16xf32>
      %div3A = arith.constant 1.000000e+00 : f32
      %div3A_47 = vector.broadcast %div3A : f32 to vector<16xf32>
      %div3A_48 = arith.divf %div3A_47, %add3A_46 : vector<16xf32>
      %mul3A_49 = arith.constant 10000 : i32
      %mul3A_50 = vector.broadcast %mul3A_49 : i32 to vector<16xi32>
      %mul3A_51 = arith.muli %get3A_29, %mul3A_50 : vector<16xi32>
      %add3A_52 = arith.addi %mul3A_51, %get3A_31 : vector<16xi32>
      %swap3A = arith.index_cast %add3A_21 : i32 to index
      %swap3A_53 = arith.constant 0 : index
      %swap3A_54 = tpu.vector_load %arg14[%swap3A, %swap3A_53] {strides = array<i32>} : memref<79x128xi32, #tpu.memory_space<vmem>>, vector<16xi32>,
      tpu.vector_store %arg14[%swap3A, %swap3A_53], %add3A_52 {strides = array<i32>} : memref<79x128xi32, #tpu.memory_space<vmem>>, vector<16xi32>,
      %swap3A_55 = arith.index_cast %add3A_21 : i32 to index
      %swap3A_56 = arith.constant 0 : index
      %swap3A_57 = tpu.vector_load %arg15[%swap3A_55, %swap3A_56] {strides = array<i32>} : memref<79x128xf32, #tpu.memory_space<vmem>>, vector<16xf32>,
      tpu.vector_store %arg15[%swap3A_55, %swap3A_56], %div3A_48 {strides = array<i32>} : memref<79x128xf32, #tpu.memory_space<vmem>>, vector<16xf32>,
      %mul3A_58 = arith.constant 8 : i32
      %mul3A_59 = arith.muli %add3A_21, %mul3A_58 : i32
      %add3A_60 = arith.constant 1 : i32
      %add3A_61 = arith.addi %mul3A_59, %add3A_60 : i32
      %min3A_62 = arith.constant 624 : i32
      %min3A_63 = arith.minsi %add3A_61, %min3A_62 : i32
      %mul3A_64 = arith.constant 16 : i32
      %mul3A_65 = arith.muli %min3A_63, %mul3A_64 : i32
      %get3A_66 = arith.index_cast %mul3A_65 : i32 to index
      %get3A_67 = tpu.vector_load %arg9[%get3A_66] {strides = array<i32>} : memref<10000xi32, #tpu.memory_space<vmem>>, vector<16xi32>,
      %get3A_68 = arith.index_cast %mul3A_65 : i32 to index
      %get3A_69 = tpu.vector_load %arg10[%get3A_68] {strides = array<i32>} : memref<10000xi32, #tpu.memory_space<vmem>>, vector<16xi32>,
      %gather3A_70 = tpu.vector_load_idx %arg11[%get3A_69] : memref<10000xf32, #tpu.memory_space<vmem>>[vector<16xi32>], vector<16xf32>,
      %gather3A_71 = tpu.vector_load_idx %arg11[%get3A_67] : memref<10000xf32, #tpu.memory_space<vmem>>[vector<16xi32>], vector<16xf32>,
      %sub3A_72 = arith.subf %gather3A_70, %gather3A_71 : vector<16xf32>
      %gather3A_73 = tpu.vector_load_idx %arg12[%get3A_69] : memref<10000xf32, #tpu.memory_space<vmem>>[vector<16xi32>], vector<16xf32>,
      %gather3A_74 = tpu.vector_load_idx %arg12[%get3A_67] : memref<10000xf32, #tpu.memory_space<vmem>>[vector<16xi32>], vector<16xf32>,
      %sub3A_75 = arith.subf %gather3A_73, %gather3A_74 : vector<16xf32>
      %gather3A_76 = tpu.vector_load_idx %arg13[%get3A_69] : memref<10000xf32, #tpu.memory_space<vmem>>[vector<16xi32>], vector<16xf32>,
      %gather3A_77 = tpu.vector_load_idx %arg13[%get3A_67] : memref<10000xf32, #tpu.memory_space<vmem>>[vector<16xi32>], vector<16xf32>,
      %sub3A_78 = arith.subf %gather3A_76, %gather3A_77 : vector<16xf32>
      %mul3A_79 = arith.mulf %sub3A_72, %sub3A_72 : vector<16xf32>
      %add3A_80 = arith.constant 1.000000e+00 : f32
      %add3A_81 = vector.broadcast %add3A_80 : f32 to vector<16xf32>
      %add3A_82 = arith.addf %add3A_81, %mul3A_79 : vector<16xf32>
      %mul3A_83 = arith.mulf %sub3A_75, %sub3A_75 : vector<16xf32>
      %add3A_84 = arith.addf %add3A_82, %mul3A_83 : vector<16xf32>
      %mul3A_85 = arith.mulf %sub3A_78, %sub3A_78 : vector<16xf32>
      %add3A_86 = arith.addf %add3A_84, %mul3A_85 : vector<16xf32>
      %div3A_87 = arith.constant 1.000000e+00 : f32
      %div3A_88 = vector.broadcast %div3A_87 : f32 to vector<16xf32>
      %div3A_89 = arith.divf %div3A_88, %add3A_86 : vector<16xf32>
      %mul3A_90 = arith.constant 10000 : i32
      %mul3A_91 = vector.broadcast %mul3A_90 : i32 to vector<16xi32>
      %mul3A_92 = arith.muli %get3A_67, %mul3A_91 : vector<16xi32>
      %add3A_93 = arith.addi %mul3A_92, %get3A_69 : vector<16xi32>
      %swap3A_94 = arith.index_cast %add3A_21 : i32 to index
      %swap3A_95 = arith.constant 16 : index
      %swap3A_96 = tpu.vector_load %arg14[%swap3A_94, %swap3A_95] {strides = array<i32>} : memref<79x128xi32, #tpu.memory_space<vmem>>, vector<16xi32>,
      tpu.vector_store %arg14[%swap3A_94, %swap3A_95], %add3A_93 {strides = array<i32>} : memref<79x128xi32, #tpu.memory_space<vmem>>, vector<16xi32>,
      %swap3A_97 = arith.index_cast %add3A_21 : i32 to index
      %swap3A_98 = arith.constant 16 : index
      %swap3A_99 = tpu.vector_load %arg15[%swap3A_97, %swap3A_98] {strides = array<i32>} : memref<79x128xf32, #tpu.memory_space<vmem>>, vector<16xf32>,
      tpu.vector_store %arg15[%swap3A_97, %swap3A_98], %div3A_89 {strides = array<i32>} : memref<79x128xf32, #tpu.memory_space<vmem>>, vector<16xf32>,
      %mul3A_100 = arith.constant 8 : i32
      %mul3A_101 = arith.muli %add3A_21, %mul3A_100 : i32
      %add3A_102 = arith.constant 2 : i32
      %add3A_103 = arith.addi %mul3A_101, %add3A_102 : i32
      %min3A_104 = arith.constant 624 : i32
      %min3A_105 = arith.minsi %add3A_103, %min3A_104 : i32
      %mul3A_106 = arith.constant 16 : i32
      %mul3A_107 = arith.muli %min3A_105, %mul3A_106 : i32
      %get3A_108 = arith.index_cast %mul3A_107 : i32 to index
      %get3A_109 = tpu.vector_load %arg9[%get3A_108] {strides = array<i32>} : memref<10000xi32, #tpu.memory_space<vmem>>, vector<16xi32>,
      %get3A_110 = arith.index_cast %mul3A_107 : i32 to index
      %get3A_111 = tpu.vector_load %arg10[%get3A_110] {strides = array<i32>} : memref<10000xi32, #tpu.memory_space<vmem>>, vector<16xi32>,
      %gather3A_112 = tpu.vector_load_idx %arg11[%get3A_111] : memref<10000xf32, #tpu.memory_space<vmem>>[vector<16xi32>], vector<16xf32>,
      %gather3A_113 = tpu.vector_load_idx %arg11[%get3A_109] : memref<10000xf32, #tpu.memory_space<vmem>>[vector<16xi32>], vector<16xf32>,
      %sub3A_114 = arith.subf %gather3A_112, %gather3A_113 : vector<16xf32>
      %gather3A_115 = tpu.vector_load_idx %arg12[%get3A_111] : memref<10000xf32, #tpu.memory_space<vmem>>[vector<16xi32>], vector<16xf32>,
      %gather3A_116 = tpu.vector_load_idx %arg12[%get3A_109] : memref<10000xf32, #tpu.memory_space<vmem>>[vector<16xi32>], vector<16xf32>,
      %sub3A_117 = arith.subf %gather3A_115, %gather3A_116 : vector<16xf32>
      %gather3A_118 = tpu.vector_load_idx %arg13[%get3A_111] : memref<10000xf32, #tpu.memory_space<vmem>>[vector<16xi32>], vector<16xf32>,
      %gather3A_119 = tpu.vector_load_idx %arg13[%get3A_109] : memref<10000xf32, #tpu.memory_space<vmem>>[vector<16xi32>], vector<16xf32>,
      %sub3A_120 = arith.subf %gather3A_118, %gather3A_119 : vector<16xf32>
      %mul3A_121 = arith.mulf %sub3A_114, %sub3A_114 : vector<16xf32>
      %add3A_122 = arith.constant 1.000000e+00 : f32
      %add3A_123 = vector.broadcast %add3A_122 : f32 to vector<16xf32>
      %add3A_124 = arith.addf %add3A_123, %mul3A_121 : vector<16xf32>
      %mul3A_125 = arith.mulf %sub3A_117, %sub3A_117 : vector<16xf32>
      %add3A_126 = arith.addf %add3A_124, %mul3A_125 : vector<16xf32>
      %mul3A_127 = arith.mulf %sub3A_120, %sub3A_120 : vector<16xf32>
      %add3A_128 = arith.addf %add3A_126, %mul3A_127 : vector<16xf32>
      %div3A_129 = arith.constant 1.000000e+00 : f32
      %div3A_130 = vector.broadcast %div3A_129 : f32 to vector<16xf32>
      %div3A_131 = arith.divf %div3A_130, %add3A_128 : vector<16xf32>
      %mul3A_132 = arith.constant 10000 : i32
      %mul3A_133 = vector.broadcast %mul3A_132 : i32 to vector<16xi32>
      %mul3A_134 = arith.muli %get3A_109, %mul3A_133 : vector<16xi32>
      %add3A_135 = arith.addi %mul3A_134, %get3A_111 : vector<16xi32>
      %swap3A_136 = arith.index_cast %add3A_21 : i32 to index
      %swap3A_137 = arith.constant 32 : index
      %swap3A_138 = tpu.vector_load %arg14[%swap3A_136, %swap3A_137] {strides = array<i32>} : memref<79x128xi32, #tpu.memory_space<vmem>>, vector<16xi32>,
      tpu.vector_store %arg14[%swap3A_136, %swap3A_137], %add3A_135 {strides = array<i32>} : memref<79x128xi32, #tpu.memory_space<vmem>>, vector<16xi32>,
      %swap3A_139 = arith.index_cast %add3A_21 : i32 to index
      %swap3A_140 = arith.constant 32 : index
      %swap3A_141 = tpu.vector_load %arg15[%swap3A_139, %swap3A_140] {strides = array<i32>} : memref<79x128xf32, #tpu.memory_space<vmem>>, vector<16xf32>,
      tpu.vector_store %arg15[%swap3A_139, %swap3A_140], %div3A_131 {strides = array<i32>} : memref<79x128xf32, #tpu.memory_space<vmem>>, vector<16xf32>,
      %mul3A_142 = arith.constant 8 : i32
      %mul3A_143 = arith.muli %add3A_21, %mul3A_142 : i32
      %add3A_144 = arith.constant 3 : i32
      %add3A_145 = arith.addi %mul3A_143, %add3A_144 : i32
      %min3A_146 = arith.constant 624 : i32
      %min3A_147 = arith.minsi %add3A_145, %min3A_146 : i32
      %mul3A_148 = arith.constant 16 : i32
      %mul3A_149 = arith.muli %min3A_147, %mul3A_148 : i32
      %get3A_150 = arith.index_cast %mul3A_149 : i32 to index
      %get3A_151 = tpu.vector_load %arg9[%get3A_150] {strides = array<i32>} : memref<10000xi32, #tpu.memory_space<vmem>>, vector<16xi32>,
      %get3A_152 = arith.index_cast %mul3A_149 : i32 to index
      %get3A_153 = tpu.vector_load %arg10[%get3A_152] {strides = array<i32>} : memref<10000xi32, #tpu.memory_space<vmem>>, vector<16xi32>,
      %gather3A_154 = tpu.vector_load_idx %arg11[%get3A_153] : memref<10000xf32, #tpu.memory_space<vmem>>[vector<16xi32>], vector<16xf32>,
      %gather3A_155 = tpu.vector_load_idx %arg11[%get3A_151] : memref<10000xf32, #tpu.memory_space<vmem>>[vector<16xi32>], vector<16xf32>,
      %sub3A_156 = arith.subf %gather3A_154, %gather3A_155 : vector<16xf32>
      %gather3A_157 = tpu.vector_load_idx %arg12[%get3A_153] : memref<10000xf32, #tpu.memory_space<vmem>>[vector<16xi32>], vector<16xf32>,
      %gather3A_158 = tpu.vector_load_idx %arg12[%get3A_151] : memref<10000xf32, #tpu.memory_space<vmem>>[vector<16xi32>], vector<16xf32>,
      %sub3A_159 = arith.subf %gather3A_157, %gather3A_158 : vector<16xf32>
      %gather3A_160 = tpu.vector_load_idx %arg13[%get3A_153] : memref<10000xf32, #tpu.memory_space<vmem>>[vector<16xi32>], vector<16xf32>,
      %gather3A_161 = tpu.vector_load_idx %arg13[%get3A_151] : memref<10000xf32, #tpu.memory_space<vmem>>[vector<16xi32>], vector<16xf32>,
      %sub3A_162 = arith.subf %gather3A_160, %gather3A_161 : vector<16xf32>
      %mul3A_163 = arith.mulf %sub3A_156, %sub3A_156 : vector<16xf32>
      %add3A_164 = arith.constant 1.000000e+00 : f32
      %add3A_165 = vector.broadcast %add3A_164 : f32 to vector<16xf32>
      %add3A_166 = arith.addf %add3A_165, %mul3A_163 : vector<16xf32>
      %mul3A_167 = arith.mulf %sub3A_159, %sub3A_159 : vector<16xf32>
      %add3A_168 = arith.addf %add3A_166, %mul3A_167 : vector<16xf32>
      %mul3A_169 = arith.mulf %sub3A_162, %sub3A_162 : vector<16xf32>
      %add3A_170 = arith.addf %add3A_168, %mul3A_169 : vector<16xf32>
      %div3A_171 = arith.constant 1.000000e+00 : f32
      %div3A_172 = vector.broadcast %div3A_171 : f32 to vector<16xf32>
      %div3A_173 = arith.divf %div3A_172, %add3A_170 : vector<16xf32>
      %mul3A_174 = arith.constant 10000 : i32
      %mul3A_175 = vector.broadcast %mul3A_174 : i32 to vector<16xi32>
      %mul3A_176 = arith.muli %get3A_151, %mul3A_175 : vector<16xi32>
      %add3A_177 = arith.addi %mul3A_176, %get3A_153 : vector<16xi32>
      %swap3A_178 = arith.index_cast %add3A_21 : i32 to index
      %swap3A_179 = arith.constant 48 : index
      %swap3A_180 = tpu.vector_load %arg14[%swap3A_178, %swap3A_179] {strides = array<i32>} : memref<79x128xi32, #tpu.memory_space<vmem>>, vector<16xi32>,
      tpu.vector_store %arg14[%swap3A_178, %swap3A_179], %add3A_177 {strides = array<i32>} : memref<79x128xi32, #tpu.memory_space<vmem>>, vector<16xi32>,
      %swap3A_181 = arith.index_cast %add3A_21 : i32 to index
      %swap3A_182 = arith.constant 48 : index
      %swap3A_183 = tpu.vector_load %arg15[%swap3A_181, %swap3A_182] {strides = array<i32>} : memref<79x128xf32, #tpu.memory_space<vmem>>, vector<16xf32>,
      tpu.vector_store %arg15[%swap3A_181, %swap3A_182], %div3A_173 {strides = array<i32>} : memref<79x128xf32, #tpu.memory_space<vmem>>, vector<16xf32>,
      %mul3A_184 = arith.constant 8 : i32
      %mul3A_185 = arith.muli %add3A_21, %mul3A_184 : i32
      %add3A_186 = arith.constant 4 : i32
      %add3A_187 = arith.addi %mul3A_185, %add3A_186 : i32
      %min3A_188 = arith.constant 624 : i32
      %min3A_189 = arith.minsi %add3A_187, %min3A_188 : i32
      %mul3A_190 = arith.constant 16 : i32
      %mul3A_191 = arith.muli %min3A_189, %mul3A_190 : i32
      %get3A_192 = arith.index_cast %mul3A_191 : i32 to index
      %get3A_193 = tpu.vector_load %arg9[%get3A_192] {strides = array<i32>} : memref<10000xi32, #tpu.memory_space<vmem>>, vector<16xi32>,
      %get3A_194 = arith.index_cast %mul3A_191 : i32 to index
      %get3A_195 = tpu.vector_load %arg10[%get3A_194] {strides = array<i32>} : memref<10000xi32, #tpu.memory_space<vmem>>, vector<16xi32>,
      %gather3A_196 = tpu.vector_load_idx %arg11[%get3A_195] : memref<10000xf32, #tpu.memory_space<vmem>>[vector<16xi32>], vector<16xf32>,
      %gather3A_197 = tpu.vector_load_idx %arg11[%get3A_193] : memref<10000xf32, #tpu.memory_space<vmem>>[vector<16xi32>], vector<16xf32>,
      %sub3A_198 = arith.subf %gather3A_196, %gather3A_197 : vector<16xf32>
      %gather3A_199 = tpu.vector_load_idx %arg12[%get3A_195] : memref<10000xf32, #tpu.memory_space<vmem>>[vector<16xi32>], vector<16xf32>,
      %gather3A_200 = tpu.vector_load_idx %arg12[%get3A_193] : memref<10000xf32, #tpu.memory_space<vmem>>[vector<16xi32>], vector<16xf32>,
      %sub3A_201 = arith.subf %gather3A_199, %gather3A_200 : vector<16xf32>
      %gather3A_202 = tpu.vector_load_idx %arg13[%get3A_195] : memref<10000xf32, #tpu.memory_space<vmem>>[vector<16xi32>], vector<16xf32>,
      %gather3A_203 = tpu.vector_load_idx %arg13[%get3A_193] : memref<10000xf32, #tpu.memory_space<vmem>>[vector<16xi32>], vector<16xf32>,
      %sub3A_204 = arith.subf %gather3A_202, %gather3A_203 : vector<16xf32>
      %mul3A_205 = arith.mulf %sub3A_198, %sub3A_198 : vector<16xf32>
      %add3A_206 = arith.constant 1.000000e+00 : f32
      %add3A_207 = vector.broadcast %add3A_206 : f32 to vector<16xf32>
      %add3A_208 = arith.addf %add3A_207, %mul3A_205 : vector<16xf32>
      %mul3A_209 = arith.mulf %sub3A_201, %sub3A_201 : vector<16xf32>
      %add3A_210 = arith.addf %add3A_208, %mul3A_209 : vector<16xf32>
      %mul3A_211 = arith.mulf %sub3A_204, %sub3A_204 : vector<16xf32>
      %add3A_212 = arith.addf %add3A_210, %mul3A_211 : vector<16xf32>
      %div3A_213 = arith.constant 1.000000e+00 : f32
      %div3A_214 = vector.broadcast %div3A_213 : f32 to vector<16xf32>
      %div3A_215 = arith.divf %div3A_214, %add3A_212 : vector<16xf32>
      %mul3A_216 = arith.constant 10000 : i32
      %mul3A_217 = vector.broadcast %mul3A_216 : i32 to vector<16xi32>
      %mul3A_218 = arith.muli %get3A_193, %mul3A_217 : vector<16xi32>
      %add3A_219 = arith.addi %mul3A_218, %get3A_195 : vector<16xi32>
      %swap3A_220 = arith.index_cast %add3A_21 : i32 to index
      %swap3A_221 = arith.constant 64 : index
      %swap3A_222 = tpu.vector_load %arg14[%swap3A_220, %swap3A_221] {strides = array<i32>} : memref<79x128xi32, #tpu.memory_space<vmem>>, vector<16xi32>,
      tpu.vector_store %arg14[%swap3A_220, %swap3A_221], %add3A_219 {strides = array<i32>} : memref<79x128xi32, #tpu.memory_space<vmem>>, vector<16xi32>,
      %swap3A_223 = arith.index_cast %add3A_21 : i32 to index
      %swap3A_224 = arith.constant 64 : index
      %swap3A_225 = tpu.vector_load %arg15[%swap3A_223, %swap3A_224] {strides = array<i32>} : memref<79x128xf32, #tpu.memory_space<vmem>>, vector<16xf32>,
      tpu.vector_store %arg15[%swap3A_223, %swap3A_224], %div3A_215 {strides = array<i32>} : memref<79x128xf32, #tpu.memory_space<vmem>>, vector<16xf32>,
      %mul3A_226 = arith.constant 8 : i32
      %mul3A_227 = arith.muli %add3A_21, %mul3A_226 : i32
      %add3A_228 = arith.constant 5 : i32
      %add3A_229 = arith.addi %mul3A_227, %add3A_228 : i32
      %min3A_230 = arith.constant 624 : i32
      %min3A_231 = arith.minsi %add3A_229, %min3A_230 : i32
      %mul3A_232 = arith.constant 16 : i32
      %mul3A_233 = arith.muli %min3A_231, %mul3A_232 : i32
      %get3A_234 = arith.index_cast %mul3A_233 : i32 to index
      %get3A_235 = tpu.vector_load %arg9[%get3A_234] {strides = array<i32>} : memref<10000xi32, #tpu.memory_space<vmem>>, vector<16xi32>,
      %get3A_236 = arith.index_cast %mul3A_233 : i32 to index
      %get3A_237 = tpu.vector_load %arg10[%get3A_236] {strides = array<i32>} : memref<10000xi32, #tpu.memory_space<vmem>>, vector<16xi32>,
      %gather3A_238 = tpu.vector_load_idx %arg11[%get3A_237] : memref<10000xf32, #tpu.memory_space<vmem>>[vector<16xi32>], vector<16xf32>,
      %gather3A_239 = tpu.vector_load_idx %arg11[%get3A_235] : memref<10000xf32, #tpu.memory_space<vmem>>[vector<16xi32>], vector<16xf32>,
      %sub3A_240 = arith.subf %gather3A_238, %gather3A_239 : vector<16xf32>
      %gather3A_241 = tpu.vector_load_idx %arg12[%get3A_237] : memref<10000xf32, #tpu.memory_space<vmem>>[vector<16xi32>], vector<16xf32>,
      %gather3A_242 = tpu.vector_load_idx %arg12[%get3A_235] : memref<10000xf32, #tpu.memory_space<vmem>>[vector<16xi32>], vector<16xf32>,
      %sub3A_243 = arith.subf %gather3A_241, %gather3A_242 : vector<16xf32>
      %gather3A_244 = tpu.vector_load_idx %arg13[%get3A_237] : memref<10000xf32, #tpu.memory_space<vmem>>[vector<16xi32>], vector<16xf32>,
      %gather3A_245 = tpu.vector_load_idx %arg13[%get3A_235] : memref<10000xf32, #tpu.memory_space<vmem>>[vector<16xi32>], vector<16xf32>,
      %sub3A_246 = arith.subf %gather3A_244, %gather3A_245 : vector<16xf32>
      %mul3A_247 = arith.mulf %sub3A_240, %sub3A_240 : vector<16xf32>
      %add3A_248 = arith.constant 1.000000e+00 : f32
      %add3A_249 = vector.broadcast %add3A_248 : f32 to vector<16xf32>
      %add3A_250 = arith.addf %add3A_249, %mul3A_247 : vector<16xf32>
      %mul3A_251 = arith.mulf %sub3A_243, %sub3A_243 : vector<16xf32>
      %add3A_252 = arith.addf %add3A_250, %mul3A_251 : vector<16xf32>
      %mul3A_253 = arith.mulf %sub3A_246, %sub3A_246 : vector<16xf32>
      %add3A_254 = arith.addf %add3A_252, %mul3A_253 : vector<16xf32>
      %div3A_255 = arith.constant 1.000000e+00 : f32
      %div3A_256 = vector.broadcast %div3A_255 : f32 to vector<16xf32>
      %div3A_257 = arith.divf %div3A_256, %add3A_254 : vector<16xf32>
      %mul3A_258 = arith.constant 10000 : i32
      %mul3A_259 = vector.broadcast %mul3A_258 : i32 to vector<16xi32>
      %mul3A_260 = arith.muli %get3A_235, %mul3A_259 : vector<16xi32>
      %add3A_261 = arith.addi %mul3A_260, %get3A_237 : vector<16xi32>
      %swap3A_262 = arith.index_cast %add3A_21 : i32 to index
      %swap3A_263 = arith.constant 80 : index
      %swap3A_264 = tpu.vector_load %arg14[%swap3A_262, %swap3A_263] {strides = array<i32>} : memref<79x128xi32, #tpu.memory_space<vmem>>, vector<16xi32>,
      tpu.vector_store %arg14[%swap3A_262, %swap3A_263], %add3A_261 {strides = array<i32>} : memref<79x128xi32, #tpu.memory_space<vmem>>, vector<16xi32>,
      %swap3A_265 = arith.index_cast %add3A_21 : i32 to index
      %swap3A_266 = arith.constant 80 : index
      %swap3A_267 = tpu.vector_load %arg15[%swap3A_265, %swap3A_266] {strides = array<i32>} : memref<79x128xf32, #tpu.memory_space<vmem>>, vector<16xf32>,
      tpu.vector_store %arg15[%swap3A_265, %swap3A_266], %div3A_257 {strides = array<i32>} : memref<79x128xf32, #tpu.memory_space<vmem>>, vector<16xf32>,
      %mul3A_268 = arith.constant 8 : i32
      %mul3A_269 = arith.muli %add3A_21, %mul3A_268 : i32
      %add3A_270 = arith.constant 6 : i32
      %add3A_271 = arith.addi %mul3A_269, %add3A_270 : i32
      %min3A_272 = arith.constant 624 : i32
      %min3A_273 = arith.minsi %add3A_271, %min3A_272 : i32
      %mul3A_274 = arith.constant 16 : i32
      %mul3A_275 = arith.muli %min3A_273, %mul3A_274 : i32
      %get3A_276 = arith.index_cast %mul3A_275 : i32 to index
      %get3A_277 = tpu.vector_load %arg9[%get3A_276] {strides = array<i32>} : memref<10000xi32, #tpu.memory_space<vmem>>, vector<16xi32>,
      %get3A_278 = arith.index_cast %mul3A_275 : i32 to index
      %get3A_279 = tpu.vector_load %arg10[%get3A_278] {strides = array<i32>} : memref<10000xi32, #tpu.memory_space<vmem>>, vector<16xi32>,
      %gather3A_280 = tpu.vector_load_idx %arg11[%get3A_279] : memref<10000xf32, #tpu.memory_space<vmem>>[vector<16xi32>], vector<16xf32>,
      %gather3A_281 = tpu.vector_load_idx %arg11[%get3A_277] : memref<10000xf32, #tpu.memory_space<vmem>>[vector<16xi32>], vector<16xf32>,
      %sub3A_282 = arith.subf %gather3A_280, %gather3A_281 : vector<16xf32>
      %gather3A_283 = tpu.vector_load_idx %arg12[%get3A_279] : memref<10000xf32, #tpu.memory_space<vmem>>[vector<16xi32>], vector<16xf32>,
      %gather3A_284 = tpu.vector_load_idx %arg12[%get3A_277] : memref<10000xf32, #tpu.memory_space<vmem>>[vector<16xi32>], vector<16xf32>,
      %sub3A_285 = arith.subf %gather3A_283, %gather3A_284 : vector<16xf32>
      %gather3A_286 = tpu.vector_load_idx %arg13[%get3A_279] : memref<10000xf32, #tpu.memory_space<vmem>>[vector<16xi32>], vector<16xf32>,
      %gather3A_287 = tpu.vector_load_idx %arg13[%get3A_277] : memref<10000xf32, #tpu.memory_space<vmem>>[vector<16xi32>], vector<16xf32>,
      %sub3A_288 = arith.subf %gather3A_286, %gather3A_287 : vector<16xf32>
      %mul3A_289 = arith.mulf %sub3A_282, %sub3A_282 : vector<16xf32>
      %add3A_290 = arith.constant 1.000000e+00 : f32
      %add3A_291 = vector.broadcast %add3A_290 : f32 to vector<16xf32>
      %add3A_292 = arith.addf %add3A_291, %mul3A_289 : vector<16xf32>
      %mul3A_293 = arith.mulf %sub3A_285, %sub3A_285 : vector<16xf32>
      %add3A_294 = arith.addf %add3A_292, %mul3A_293 : vector<16xf32>
      %mul3A_295 = arith.mulf %sub3A_288, %sub3A_288 : vector<16xf32>
      %add3A_296 = arith.addf %add3A_294, %mul3A_295 : vector<16xf32>
      %div3A_297 = arith.constant 1.000000e+00 : f32
      %div3A_298 = vector.broadcast %div3A_297 : f32 to vector<16xf32>
      %div3A_299 = arith.divf %div3A_298, %add3A_296 : vector<16xf32>
      %mul3A_300 = arith.constant 10000 : i32
      %mul3A_301 = vector.broadcast %mul3A_300 : i32 to vector<16xi32>
      %mul3A_302 = arith.muli %get3A_277, %mul3A_301 : vector<16xi32>
      %add3A_303 = arith.addi %mul3A_302, %get3A_279 : vector<16xi32>
      %swap3A_304 = arith.index_cast %add3A_21 : i32 to index
      %swap3A_305 = arith.constant 96 : index
      %swap3A_306 = tpu.vector_load %arg14[%swap3A_304, %swap3A_305] {strides = array<i32>} : memref<79x128xi32, #tpu.memory_space<vmem>>, vector<16xi32>,
      tpu.vector_store %arg14[%swap3A_304, %swap3A_305], %add3A_303 {strides = array<i32>} : memref<79x128xi32, #tpu.memory_space<vmem>>, vector<16xi32>,
      %swap3A_307 = arith.index_cast %add3A_21 : i32 to index
      %swap3A_308 = arith.constant 96 : index
      %swap3A_309 = tpu.vector_load %arg15[%swap3A_307, %swap3A_308] {strides = array<i32>} : memref<79x128xf32, #tpu.memory_space<vmem>>, vector<16xf32>,
      tpu.vector_store %arg15[%swap3A_307, %swap3A_308], %div3A_299 {strides = array<i32>} : memref<79x128xf32, #tpu.memory_space<vmem>>, vector<16xf32>,
      %mul3A_310 = arith.constant 8 : i32
      %mul3A_311 = arith.muli %add3A_21, %mul3A_310 : i32
      %add3A_312 = arith.constant 7 : i32
      %add3A_313 = arith.addi %mul3A_311, %add3A_312 : i32
      %min3A_314 = arith.constant 624 : i32
      %min3A_315 = arith.minsi %add3A_313, %min3A_314 : i32
      %mul3A_316 = arith.constant 16 : i32
      %mul3A_317 = arith.muli %min3A_315, %mul3A_316 : i32
      %get3A_318 = arith.index_cast %mul3A_317 : i32 to index
      %get3A_319 = tpu.vector_load %arg9[%get3A_318] {strides = array<i32>} : memref<10000xi32, #tpu.memory_space<vmem>>, vector<16xi32>,
      %get3A_320 = arith.index_cast %mul3A_317 : i32 to index
      %get3A_321 = tpu.vector_load %arg10[%get3A_320] {strides = array<i32>} : memref<10000xi32, #tpu.memory_space<vmem>>, vector<16xi32>,
      %gather3A_322 = tpu.vector_load_idx %arg11[%get3A_321] : memref<10000xf32, #tpu.memory_space<vmem>>[vector<16xi32>], vector<16xf32>,
      %gather3A_323 = tpu.vector_load_idx %arg11[%get3A_319] : memref<10000xf32, #tpu.memory_space<vmem>>[vector<16xi32>], vector<16xf32>,
      %sub3A_324 = arith.subf %gather3A_322, %gather3A_323 : vector<16xf32>
      %gather3A_325 = tpu.vector_load_idx %arg12[%get3A_321] : memref<10000xf32, #tpu.memory_space<vmem>>[vector<16xi32>], vector<16xf32>,
      %gather3A_326 = tpu.vector_load_idx %arg12[%get3A_319] : memref<10000xf32, #tpu.memory_space<vmem>>[vector<16xi32>], vector<16xf32>,
      %sub3A_327 = arith.subf %gather3A_325, %gather3A_326 : vector<16xf32>
      %gather3A_328 = tpu.vector_load_idx %arg13[%get3A_321] : memref<10000xf32, #tpu.memory_space<vmem>>[vector<16xi32>], vector<16xf32>,
      %gather3A_329 = tpu.vector_load_idx %arg13[%get3A_319] : memref<10000xf32, #tpu.memory_space<vmem>>[vector<16xi32>], vector<16xf32>,
      %sub3A_330 = arith.subf %gather3A_328, %gather3A_329 : vector<16xf32>
      %mul3A_331 = arith.mulf %sub3A_324, %sub3A_324 : vector<16xf32>
      %add3A_332 = arith.constant 1.000000e+00 : f32
      %add3A_333 = vector.broadcast %add3A_332 : f32 to vector<16xf32>
      %add3A_334 = arith.addf %add3A_333, %mul3A_331 : vector<16xf32>
      %mul3A_335 = arith.mulf %sub3A_327, %sub3A_327 : vector<16xf32>
      %add3A_336 = arith.addf %add3A_334, %mul3A_335 : vector<16xf32>
      %mul3A_337 = arith.mulf %sub3A_330, %sub3A_330 : vector<16xf32>
      %add3A_338 = arith.addf %add3A_336, %mul3A_337 : vector<16xf32>
      %div3A_339 = arith.constant 1.000000e+00 : f32
      %div3A_340 = vector.broadcast %div3A_339 : f32 to vector<16xf32>
      %div3A_341 = arith.divf %div3A_340, %add3A_338 : vector<16xf32>
      %mul3A_342 = arith.constant 10000 : i32
      %mul3A_343 = vector.broadcast %mul3A_342 : i32 to vector<16xi32>
      %mul3A_344 = arith.muli %get3A_319, %mul3A_343 : vector<16xi32>
      %add3A_345 = arith.addi %mul3A_344, %get3A_321 : vector<16xi32>
      %swap3A_346 = arith.index_cast %add3A_21 : i32 to index
      %swap3A_347 = arith.constant 112 : index
      %swap3A_348 = tpu.vector_load %arg14[%swap3A_346, %swap3A_347] {strides = array<i32>} : memref<79x128xi32, #tpu.memory_space<vmem>>, vector<16xi32>,
      tpu.vector_store %arg14[%swap3A_346, %swap3A_347], %add3A_345 {strides = array<i32>} : memref<79x128xi32, #tpu.memory_space<vmem>>, vector<16xi32>,
      %swap3A_349 = arith.index_cast %add3A_21 : i32 to index
      %swap3A_350 = arith.constant 112 : index
      %swap3A_351 = tpu.vector_load %arg15[%swap3A_349, %swap3A_350] {strides = array<i32>} : memref<79x128xf32, #tpu.memory_space<vmem>>, vector<16xf32>,
      tpu.vector_store %arg15[%swap3A_349, %swap3A_350], %div3A_341 {strides = array<i32>} : memref<79x128xf32, #tpu.memory_space<vmem>>, vector<16xf32>,
    }
    %scan3A_6 = arith.constant 79 : i32
    %scan3A_7 = arith.constant 0 : i32
    %scan3A_8 = arith.constant 79 : i32
    %scan3A_9 = arith.addi %scan3A_7, %scan3A_8 : i32
    %scan3A_10 = arith.constant 1 : i32
    scf.for %scan3A_17 = %scan3A_7 to %scan3A_9 step %scan3A_10  : i32 {
      %mul3A_18 = arith.constant 1 : i32
      %mul3A_19 = arith.muli %scan3A_17, %mul3A_18 : i32
      %add3A_20 = arith.constant 0 : i32
      %add3A_21 = arith.addi %add3A_20, %mul3A_19 : i32
      %dma_start3A = arith.constant 0 : i32
      %dma_start3A_22 = tpu.memref_slice %arg15[%add3A_21, %dma_start3A] : memref<79x128xf32, #tpu.memory_space<vmem>> -> memref<1x128xf32, #tpu.memory_space<vmem>>
      %dma_start3A_23 = tpu.memref_squeeze %dma_start3A_22 : memref<1x128xf32, #tpu.memory_space<vmem>> -> memref<128xf32, #tpu.memory_space<vmem>>
      %dma_start3A_24 = arith.constant 0 : i32
      %dma_start3A_25 = tpu.memref_slice %arg14[%add3A_21, %dma_start3A_24] : memref<79x128xi32, #tpu.memory_space<vmem>> -> memref<1x128xi32, #tpu.memory_space<vmem>>
      %dma_start3A_26 = tpu.memref_squeeze %dma_start3A_25 : memref<1x128xi32, #tpu.memory_space<vmem>> -> memref<128xi32, #tpu.memory_space<vmem>>
      %dma_start3A_27 = arith.constant 0 : i32
      %dma_start3A_28 = tpu.memref_slice %arg7[%dma_start3A_27] : memref<100000000xf32, #tpu.memory_space<hbm>> -> memref<100000000xf32, #tpu.memory_space<hbm>>
      tpu.enqueue_indirect_dma source(%dma_start3A_23 : memref<128xf32, #tpu.memory_space<vmem>>) target(%dma_start3A_28 : memref<100000000xf32, #tpu.memory_space<hbm>>) offsets(%dma_start3A_26 : memref<128xi32, #tpu.memory_space<vmem>>) semaphore(%arg16 : memref<!tpu.dma_semaphore, #tpu.memory_space<semaphore_mem>>)
    }
    %scan3A_11 = arith.constant 79 : i32
    %scan3A_12 = arith.constant 0 : i32
    %scan3A_13 = arith.constant 79 : i32
    %scan3A_14 = arith.addi %scan3A_12, %scan3A_13 : i32
    %scan3A_15 = arith.constant 1 : i32
    scf.for %scan3A_17 = %scan3A_12 to %scan3A_14 step %scan3A_15  : i32 {
      %mul3A_18 = arith.constant 1 : i32
      %mul3A_19 = arith.muli %scan3A_17, %mul3A_18 : i32
      %add3A_20 = arith.constant 0 : i32
      %add3A_21 = arith.addi %add3A_20, %mul3A_19 : i32
      %dma_wait3A = arith.constant 0 : i32
      %dma_wait3A_22 = tpu.memref_slice %arg15[%add3A_21, %dma_wait3A] : memref<79x128xf32, #tpu.memory_space<vmem>> -> memref<1x128xf32, #tpu.memory_space<vmem>>
      %dma_wait3A_23 = tpu.memref_squeeze %dma_wait3A_22 : memref<1x128xf32, #tpu.memory_space<vmem>> -> memref<128xf32, #tpu.memory_space<vmem>>
      %dma_wait3A_24 = arith.constant 0 : i32
      %dma_wait3A_25 = tpu.memref_slice %arg14[%add3A_21, %dma_wait3A_24] : memref<79x128xi32, #tpu.memory_space<vmem>> -> memref<1x128xi32, #tpu.memory_space<vmem>>
      %dma_wait3A_26 = tpu.memref_squeeze %dma_wait3A_25 : memref<1x128xi32, #tpu.memory_space<vmem>> -> memref<128xi32, #tpu.memory_space<vmem>>
      %dma_wait3A_27 = arith.constant 0 : i32
      %dma_wait3A_28 = tpu.memref_slice %arg7[%dma_wait3A_27] : memref<100000000xf32, #tpu.memory_space<hbm>> -> memref<100000000xf32, #tpu.memory_space<hbm>>
      tpu.wait_indirect_dma semaphore(%arg16 : memref<!tpu.dma_semaphore, #tpu.memory_space<semaphore_mem>>) src(%dma_wait3A_23 : memref<128xf32, #tpu.memory_space<vmem>>) dst(%dma_wait3A_28 : memref<100000000xf32, #tpu.memory_space<hbm>>)
    }
    %scan3A_16 = arith.constant 79 : i32
    return
  }
}

module attributes {stable_mosaic.version = 14 : i64} {
  func.func @_body_fin(%arg0: i32, %arg1: memref<256x10000xf32, #tpu.memory_space<vmem>>, %arg2: memref<10000x256xf32, #tpu.memory_space<vmem>>, %arg3: memref<256x1xf32, #tpu.memory_space<vmem>>, %arg4: memref<1x10000xf32, #tpu.memory_space<vmem>>, %arg5: memref<256x10000xf32, #tpu.memory_space<vmem>>) attributes {dimension_semantics = [#tpu.dimension_semantics<arbitrary>], iteration_bounds = array<i64: 40>, scalar_prefetch = 0 : i64, scratch_operands = 0 : i64, tpu.core_type = #tpu.core_type<tc>, window_params = [{transform_indices = @transform_0, window_bounds = array<i64: 256, 10000>}, {transform_indices = @transform_1, window_bounds = array<i64: 10000, 256>}, {transform_indices = @transform_2, window_bounds = array<i64: 256, 1>}, {pipeline_mode = #tpu.pipeline_mode<synchronous>, transform_indices = @transform_3, window_bounds = array<i64: 1, 10000>}, {transform_indices = @transform_4, window_bounds = array<i64: 256, 10000>}]} {
    %get3A = arith.constant 0 : index
    %get3A_0 = arith.constant 0 : index
    %get3A_1 = vector.load %arg3[%get3A, %get3A_0] : memref<256x1xf32, #tpu.memory_space<vmem>>, vector<256x1xf32>
    %gt3A = arith.constant 0.000000e+00 : f32
    %gt3A_2 = vector.broadcast %gt3A : f32 to vector<256x1xf32>
    %gt3A_3 = arith.cmpf ogt, %get3A_1, %gt3A_2 : vector<256x1xf32>
    %get3A_4 = arith.constant 0 : index
    %get3A_5 = arith.constant 0 : index
    %get3A_6 = vector.load %arg3[%get3A_4, %get3A_5] : memref<256x1xf32, #tpu.memory_space<vmem>>, vector<256x1xf32>
    %jit3A = arith.constant 1.000000e+00 : f32
    %broadcast_in_dim3A = vector.broadcast %jit3A : f32 to vector<256x1xf32>
    %select_n3A = arith.select %gt3A_3, %get3A_6, %broadcast_in_dim3A : vector<256x1xi1>, vector<256x1xf32>
    %get3A_7 = arith.constant 0 : index
    %get3A_8 = arith.constant 0 : index
    %get3A_9 = vector.load %arg4[%get3A_7, %get3A_8] : memref<1x10000xf32, #tpu.memory_space<vmem>>, vector<1x10000xf32>
    %gt3A_10 = arith.constant 0.000000e+00 : f32
    %gt3A_11 = vector.broadcast %gt3A_10 : f32 to vector<1x10000xf32>
    %gt3A_12 = arith.cmpf ogt, %get3A_9, %gt3A_11 : vector<1x10000xf32>
    %get3A_13 = arith.constant 0 : index
    %get3A_14 = arith.constant 0 : index
    %get3A_15 = vector.load %arg4[%get3A_13, %get3A_14] : memref<1x10000xf32, #tpu.memory_space<vmem>>, vector<1x10000xf32>
    %jit3A_16 = arith.constant 1.000000e+00 : f32
    %broadcast_in_dim3A_17 = vector.broadcast %jit3A_16 : f32 to vector<1x10000xf32>
    %select_n3A_18 = arith.select %gt3A_12, %get3A_15, %broadcast_in_dim3A_17 : vector<1x10000xi1>, vector<1x10000xf32>
    %get3A_19 = arith.constant 0 : index
    %get3A_20 = arith.constant 0 : index
    %get3A_21 = vector.load %arg1[%get3A_19, %get3A_20] : memref<256x10000xf32, #tpu.memory_space<vmem>>, vector<256x10000xf32>
    %div3A = vector.broadcast %select_n3A : vector<256x1xf32> to vector<256x10000xf32>
    %div3A_22 = arith.divf %get3A_21, %div3A : vector<256x10000xf32>
    %get3A_23 = arith.constant 0 : index
    %get3A_24 = arith.constant 0 : index
    %get3A_25 = vector.load %arg2[%get3A_23, %get3A_24] : memref<10000x256xf32, #tpu.memory_space<vmem>>, vector<10000x256xf32>
    %transpose3A = tpu.transpose %get3A_25, [1, 0] : vector<10000x256xf32> -> vector<256x10000xf32>
    %div3A_26 = vector.broadcast %select_n3A_18 : vector<1x10000xf32> to vector<256x10000xf32>
    %div3A_27 = arith.divf %transpose3A, %div3A_26 : vector<256x10000xf32>
    %add3A = arith.addf %div3A_22, %div3A_27 : vector<256x10000xf32>
    %mul3A = arith.constant 5.000000e-01 : f32
    %mul3A_28 = vector.broadcast %mul3A : f32 to vector<256x10000xf32>
    %mul3A_29 = arith.mulf %mul3A_28, %add3A : vector<256x10000xf32>
    %swap3A = arith.constant 0 : index
    %swap3A_30 = arith.constant 0 : index
    %swap3A_31 = vector.load %arg5[%swap3A, %swap3A_30] : memref<256x10000xf32, #tpu.memory_space<vmem>>, vector<256x10000xf32>
    tpu.vector_store %arg5[%swap3A, %swap3A_30], %mul3A_29 {strides = array<i32>} : memref<256x10000xf32, #tpu.memory_space<vmem>>, vector<256x10000xf32>,
    return
  }
  func.func @transform_0(%arg0: i32) -> (i32, i32) {
    %c0_i32 = arith.constant 0 : i32
    %c0_i32_0 = arith.constant 0 : i32
    return %arg0, %c0_i32 : i32, i32
  }
  func.func @transform_1(%arg0: i32) -> (i32, i32) {
    %c0_i32 = arith.constant 0 : i32
    %c0_i32_0 = arith.constant 0 : i32
    return %c0_i32, %arg0 : i32, i32
  }
  func.func @transform_2(%arg0: i32) -> (i32, i32) {
    %c0_i32 = arith.constant 0 : i32
    %c0_i32_0 = arith.constant 0 : i32
    return %arg0, %c0_i32 : i32, i32
  }
  func.func @transform_3(%arg0: i32) -> (i32, i32) {
    %c0_i32 = arith.constant 0 : i32
    %c0_i32_0 = arith.constant 0 : i32
    %c0_i32_1 = arith.constant 0 : i32
    return %c0_i32, %c0_i32_0 : i32, i32
  }
  func.func @transform_4(%arg0: i32) -> (i32, i32) {
    %c0_i32 = arith.constant 0 : i32
    %c0_i32_0 = arith.constant 0 : i32
    return %arg0, %c0_i32 : i32, i32
  }
}

</mosaic_0001>

<sc_bundles>
// kernel: kernel.5.cloned.1.call-start
scs
__scs_entry_jumppad:
0x0: {  	(pc) =	sbr.rel $0x88, $3  }
0x1: {  	(tag) =	ssettag $0x0;
	lr =	simm.s32 $0x1  }
0x2: {  	[smem:$0x3F9F] =	sst lr;
	_ =	strace $0xD0000000  }
0x3: {  	_ = 	snop  }
0x4: {  	_ = 	snop  }
0x5: {  	_ = 	snop  }
0x6: {  	_ = 	snop  }
0x7: {  	_ = 	snop  }
__scs_overlays_trampoline_lowered:
0x8: {  	[smem:$0x3FAE] =	sst s0  }
0x9: {  	[smem:$0x3FAF] =	sst s1  }
0xa: {  	[smem:$0x3FB0] =	sst s2  }
0xb: {  	[smem:$0x3FB1] =	sst s3  }
0xc: {  	[smem:$0x3FB2] =	sst s4  }
0xd: {  	[smem:$0x3FB3] =	sst s5  }
0xe: {  	[smem:$0x3FB4] =	sst s6  }
0xf: {  	[smem:$0x3FB5] =	sst s7  }
0x10: {  	[smem:$0x3FB6] =	sst s8  }
0x11: {  	[smem:$0x3FB7] =	sst s9;
	s0 =	simm.s32 @!p0 $0x0  }
0x12: {  	s1 =	sld [smem:$0x3F9D];
	s0 =	simm.s32 @p0 $0x1  }
0x13: {  	[smem:$0x3FB8] =	sst s0;
	s0 =	simm.s32 @!p1 $0x0  }
0x14: {  	s2 =	sld [smem:$0x3F9C];
	s0 =	simm.s32 @p1 $0x1  }
0x15: {  	[smem:$0x3FB9] =	sst s0;
	s0 =	simm.s32 @!p2 $0x0  }
0x16: {  	s3 =	sld [smem:$0x3FDB];
	s0 =	simm.s32 @p2 $0x1  }
0x17: {  	s4 =	simm.s32 $0x1BF5;
	[smem:$0x3FBB] =	sst s0  }
0x18: {  	s0 =	sld [smem:$0x3F9E];
	_ =	swait.ge [sflag:s4], $0x0  }
0x19: {  	s7 =	sld [smem:$0x3F9F]  }
0x1a: {  	s8 =	sadd.s32 $0xFFFFE003, lr  }
0x1b: {  	s9 =	sadd.s32 $0xFFFFFEF7, lr;
	s5 =	simm.s32 $0xFFFFFFFF;
	p2 =	slt.u32 s8, $0xFFFFF086  }
0x1c: {  	p1 =	slt.u32 s9, $0xF7A;
	s5 =	simm.s32 @!p2 $0x0  }
0x1d: {  	s5 =	simm.s32 @p1 $0x1;
	p0 =	seq.s32 s7, s2  }
0x1e: {  	s7 =	smul.u32 @!p0 $0xF7A, s2;
	p2 =	seq.s32 @!p0 s5, $0x0  }
0x1f: {  	s9 =	smul.u32 $0xF7A, s1;
	s8 =	simm.s32 @!p0 $0x1BF5;
	p2 =	por !p2, p0  }
0x20: {  	[sflag:s8] =	ssyncset.s32 @!p0 $0xFFFFF086;
	s6 =	sadd.s32 @!p0 s3, s7;
	s7 =	simm.s32 @!p0 $0x108  }
0x21: {  	s3 =	sadd.s32 s3, s9;
	s6 =	sadd.s32 @!p0 $0x88, s6;
	s7 =	simm.s32 @p2 $0x1082  }
0x22: {  	[simem:s7], [sflag:s8] =	dma.local @!p0 [hbm:s6], $0xF7A  }
0x23: {  	s9 =	sor.u32 $0xD0000000, s2;
	s6 =	simm.s32 $0x108;
	_ =	swait.ge @!p0 [sflag:s8], $0x0  }
0x24: {  	s3 =	sadd.s32 $0x88, s3;
	s6 =	simm.s32 @!p1 $0x1082;
	[sflag:s4] =	ssyncset.s32 $0xFFFFF086  }
0x25: {  	[simem:s6], [sflag:s4] =	dma.local [hbm:s3], $0xF7A  }
0x26: {  	[smem:$0x3F9F] =	sst s1;
	(tag) =	ssettag s2;
	_ =	strace s9  }
0x27: {  	s1 =	sld [smem:$0x3FAF]  }
0x28: {  	s2 =	sld [smem:$0x3FB0]  }
0x29: {  	s4 =	sld [smem:$0x3FB2]  }
0x2a: {  	p0 =	seq.s32 s5, $0x0;
	s5 =	sld [smem:$0x3FB3]  }
0x2b: {  	s6 =	sld [smem:$0x3FB4]  }
0x2c: {  	s7 =	sld [smem:$0x3FB5]  }
0x2d: {  	s3 =	simm.s32 $0x108;
	s8 =	sld [smem:$0x3FB6]  }
0x2e: {  	s3 =	simm.s32 @!p0 $0x1082;
	s9 =	sld [smem:$0x3FB7]  }
0x2f: {  	lr =	sadd.s32 s0, s3;
	s0 =	sld [smem:$0x3FAE]  }
0x30: {  	s3 =	sld [smem:$0x3FB1]  }
0x31: {  	[smem:$0x3FBA] =	sst s10  }
0x32: {  	s10 =	sld [smem:$0x3FB8];
	_ =	sdelay $0x3  }
0x33: {  	p0 =	seq.s32 s10, $0x1;
	s10 =	sld [smem:$0x3FBA];
	_ =	sdelay $0x3  }
0x34: {  	[smem:$0x3FBA] =	sst s10  }
0x35: {  	s10 =	sld [smem:$0x3FB9];
	_ =	sdelay $0x3  }
0x36: {  	p1 =	seq.s32 s10, $0x1;
	s10 =	sld [smem:$0x3FBA];
	_ =	sdelay $0x3  }
0x37: {  	[smem:$0x3FBA] =	sst s10  }
0x38: {  	s10 =	sld [smem:$0x3FBB]  }
0x39: {  	_ = 	snop;
	(pc) =	sbr.ind lr, $3  }
0x3a: {  	_ = 	snop  }
0x3b: {  	_ = 	snop  }
0x3c: {  	p2 =	seq.s32 s10, $0x1;
	s10 =	sld [smem:$0x3FBA]  }
0x3d: {  	_ =	shalt  }
0x3e: {  	_ =	shalt  }
0x3f: {  	_ =	shalt  }
0x40: {  	_ =	shalt  }
0x41: {  	_ =	shalt  }
0x42: {  	_ =	shalt  }
0x43: {  	_ =	shalt  }
0x44: {  	_ =	shalt  }
0x45: {  	_ =	shalt  }
0x46: {  	_ =	shalt  }
0x47: {  	_ =	shalt  }
0x48: {  	_ =	shalt  }
0x49: {  	_ =	shalt  }
0x4a: {  	_ =	shalt  }
0x4b: {  	_ =	shalt  }
0x4c: {  	_ =	shalt  }
0x4d: {  	_ =	shalt  }
0x4e: {  	_ =	shalt  }
0x4f: {  	_ =	shalt  }
0x50: {  	_ =	shalt  }
0x51: {  	_ =	shalt  }
0x52: {  	_ =	shalt  }
0x53: {  	_ =	shalt  }
0x54: {  	_ =	shalt  }
0x55: {  	_ =	shalt  }
0x56: {  	_ =	shalt  }
0x57: {  	_ =	shalt  }
0x58: {  	_ =	shalt  }
0x59: {  	_ =	shalt  }
0x5a: {  	_ =	shalt  }
0x5b: {  	_ =	shalt  }
0x5c: {  	_ =	shalt  }
0x5d: {  	_ =	shalt  }
0x5e: {  	_ =	shalt  }
0x5f: {  	_ =	shalt  }
0x60: {  	_ =	shalt  }
0x61: {  	_ =	shalt  }
0x62: {  	_ =	shalt  }
0x63: {  	_ =	shalt  }
0x64: {  	_ =	shalt  }
0x65: {  	_ =	shalt  }
0x66: {  	_ =	shalt  }
0x67: {  	_ =	shalt  }
0x68: {  	_ =	shalt  }
0x69: {  	_ =	shalt  }
0x6a: {  	_ =	shalt  }
0x6b: {  	_ =	shalt  }
0x6c: {  	_ =	shalt  }
0x6d: {  	_ =	shalt  }
0x6e: {  	_ =	shalt  }
0x6f: {  	_ =	shalt  }
0x70: {  	_ =	shalt  }
0x71: {  	_ =	shalt  }
0x72: {  	_ =	shalt  }
0x73: {  	_ =	shalt  }
0x74: {  	_ =	shalt  }
0x75: {  	_ =	shalt  }
0x76: {  	_ =	shalt  }
0x77: {  	_ =	shalt  }
0x78: {  	_ =	shalt  }
0x79: {  	_ =	shalt  }
0x7a: {  	_ =	shalt  }
0x7b: {  	_ =	shalt  }
0x7c: {  	_ =	shalt  }
0x7d: {  	_ =	shalt  }
0x7e: {  	_ =	shalt  }
0x7f: {  	_ =	shalt  }
0x80: {  	_ =	shalt  }
0x81: {  	_ =	shalt  }
0x82: {  	_ =	shalt  }
0x83: {  	_ =	shalt  }
0x84: {  	_ =	shalt  }
0x85: {  	_ =	shalt  }
0x86: {  	_ =	shalt  }
0x87: {  	_ =	shalt  }
.Lfunc_end0:
.L_simem_size_0:
called_computation_lowered:
.L_overlay_start_0:
0x88: {  	s2 =	sld [smem:$0x3FD9]  }
0x89: {  	s3 =	sld [smem:$0x3FFE];
	_ =	sdelay $0x1  }
0x8a: {  	s1 =	srdreg.scid  }
0x8b: {  	s0 =	sand.u32 $0x1, s1  }
0x8c: {  	s17 =	sshll.u32 s0, $0xA;
	s2 =	sadd.s32 s3, s2  }
0x8d: {  	s2 =	sadd.s32 s2, s17  }
0x8e: {  	[smem:$0x3FC6] =	sst s2  }
0x8f: {  	_ = 	snop  }
0x90: {  	s2 =	sld [smem:$0x3FD0];
	(tm) =	ssettm $0x1  }
0x91: {  	s18 =	sld [smem:$0x3FFB];
	_ =	sdelay $0x3  }
0x92: {  	_ =	strace s18  }
0x93: {  	s3 =	sld [smem:$0x3FFC];
	_ =	sdelay $0x3  }
0x94: {  	_ =	strace s3  }
0x95: {  	s3 =	sld [smem:$0x3FFD];
	_ =	sdelay $0x3  }
0x96: {  	_ =	strace s3  }
0x97: {  	_ =	strace $0x8FFFFFFF  }
0x98: {  	s19 =	sld [smem:$0x3FDB];
	_ =	sdelay $0x1  }
0x99: {  	s4 =	simm.s32 $_scs_section_size  }
0x9a: {  	s5 =	simm.s32 $_size__tile_overlayer_lowered;
	s6 =	simm.s32 $_tile_overlayer_lowered  }
0x9b: {  	s22 =	simm.s32 $0x1BFF;
	s21 =	sshll.u32 s6, $0x1;
	s3 =	sadd.s32 s4, s19  }
0x9c: {  	s7 =	simm.s32 $0x0;
	s20 =	sshll.u32 s5, $0x1;
	s5 =	sadd.s32 s21, s3  }
0x9d: {  	[timem:s7], [sflag:s22] =	dma.local [hbm:s5], s20  }
0x9e: {  	_ =	swait.ge [sflag:s22], s20  }
0x9f: {  	s4 =	ssub.s32 $0x0, s20;
	[sflag:s22] =	ssyncset.done $0x0  }
0xa0: {  	[sflag:s22] =	ssyncadd.s32 s4;
	_ =	sdelay $0x1  }
0xa1: {  	s23 =	simm.s32 $0x1B8B  }
0xa2: {  	_ =	swait.ge [sflag:s23], $0x1  }
0xa3: {  	[sflag:s23] =	ssyncset.done $0x0  }
0xa4: {  	s25 =	simm.s32 $0x1B8E;
	s24 =	sld [smem:$0x3FFE];
	[sflag:s23] =	ssyncadd.s32 $0xFFFFFFFF  }
0xa5: {  	s26 =	simm.s32 $execute0_lowered;
	[smem:$0x3FD2] =	sst s25  }
0xa6: {  	s5 =	sshll.u32 s26, $0x1;
	_ =	strace $0x80000046;
	[dreg:$0x1] =	wrdreg $0xFFFFFFFF  }
0xa7: {  	s28 =	simm.s32 $_size_execute0_lowered;
	s3 =	sadd.s32 s3, s5;
	[dreg:$0x0] =	wrdreg $0x0  }
0xa8: {  	s5 =	sshll.u32 s28, $0x1;
	[dreg:$0x2] =	wrdreg s3  }
0xa9: {  	[dreg:$0x3] =	wrdreg s5  }
0xaa: {  	[dreg:$0x4] =	wrdreg $0xC0  }
0xab: {  	_ =	task [dreg:s7], $0x5FFFF  }
0xac: {  	[dreg:$0x1] =	wrdreg $0xFFFFFFFF  }
0xad: {  	[dreg:$0x0] =	wrdreg $0x60  }
0xae: {  	[dreg:$0x2] =	wrdreg s24  }
0xaf: {  	[dreg:$0x3] =	wrdreg s2  }
0xb0: {  	[dreg:$0x4] =	wrdreg $0x9  }
0xb1: {  	_ =	task.clear_ibuf [dreg:s7], $0x5FFFF;
	_ =	strace $0x90000046  }
0xb2: {  	s29 =	simm.s32 $0x9;
	_ =	strace $0x80000048  }
0xb3: {  	_ =	swait.ge [sflag:s29], $0x1  }
0xb4: {  	[sflag:s29] =	ssyncadd.s32 $0xFFFFFFFF  }
0xb5: {  	_ =	strace $0x90000048  }
0xb6: {  	_ =	sfence  }
0xb7: {  	s30 =	sld [smem:$0x0];
	_ =	sdelay $0x2  }
0xb8: {  	s31 =	sshll.u32 s1, $0xD;
	s1 =	sshrl.u32 s1, $0x2  }
0xb9: {  	s3 =	sand.u32 $0x4000, s31;
	s1 =	sadd.s32 s1, s30  }
0xba: {  	s0 =	sor.u32 s3, s0;
	s1 =	sshll.u32 s1, $0x11  }
0xbb: {  	s0 =	sor.u32 s1, s0  }
0xbc: {  	s0 =	sadd.s32 $0x8F2B, s0  }
0xbd: {  	[sflag:s0] =	ssyncadd.remote.s32 $0x1  }
0xbe: {  	_ =	sfence.sel $0xFFFF  }
0xbf: {  	[dreg:$0x0] =	wrdreg $0xFFFFFFFF;
	(pc) =	sbr.abs _section_cstart, $3  }
0xc0: {  	[dreg:$0x1] =	wrdreg $0xFFFFFFFF  }
0xc1: {  	_ =	task.clear_ibuf [dreg:s7], $0x2FFFF;
	_ =	strace $0x9FFFFFFF  }
0xc2: {  	(tm) =	ssettm $0x7FFFFFFF  }
0xc3: {  	_ =	shalt  }
tec
execute0_lowered:
.L_overlay_start_1:
0x0: {  	(tag) =	ssettag $0x1  }
0x1: {  	s2 =	rddreg [dreg:$0x0];
	s1 =	srdreg.scid  }
0x2: {  	s0 =	stileid.u32;
	s3 =	rddreg [dreg:$0x1]  }
0x3: {  	s4 =	simm.s32 $0x0;
	s10 =	simm.s32 $0x2;
	s11 =	simm.s32 $0x4F00  }
0x4: {  	s12 =	simm.s32 $0x7680;
	s13 =	simm.s32 $0x9E00;
	s14 =	simm.s32 $0x80  }
0x5: {  	s15 =	simm.s32 $0x1;
	s5 =	sand.u32 $0x1, s1;
	s6 =	sshll.u32 s0, $0x1  }
0x6: {  	s16 =	simm.s32 $0x0;
	s1 =	rddreg [dreg:$0x2];
	s6 =	sor.u32 s5, s6  }
0x7: {  	[smem:$0x7FF] =	sst s4;
	s7 =	ssub.s32 $0x2, s5;
	s6 =	smul.u32 $0x4E2, s6  }
0x8: {  	_ =	strace $0x80000047;
	s5 =	sadd.s32 $0xC00, s2;
	s9 =	sshrl.u32 s7, $0x1  }
0x9: {  	s9 =	ssub.s32 s7, s9;
	s8 =	sadd.s32 s6, s2;
	s6 =	sadd.s32 $0x600, s2  }
0xa: {  	s9 =	smax.u32 s9, $0x1;
	s7 =	sadd.s32 $0xB000, s8;
	s8 =	sadd.s32 $0x1200, s8  }
.LBB2_1:
0xb: {  	[tilespmem:s4], [sflag:$0x2] =	stream.linear.gather [hbm4b:s7+s4], $0x2710, $0x38;
	[tilespmem:$0x11580] =	vst v63  }
0xc: {  	_ =	swait.ge [sflag:s10], $0x2710  }
0xd: {  	[sflag:s10] =	ssyncset.done $0x0  }
0xe: {  	s17 =	simm.s32 $0x2780;
	[sflag:s10] =	ssyncadd.s32 $0xFFFFD8F0  }
0xf: {  	[tilespmem:s17], [sflag:$0x2] =	stream.linear.gather [hbm4b:s8+s4], $0x2710, $0x38;
	[tilespmem:$0x11580] =	vst v63  }
0x10: {  	_ =	swait.ge [sflag:s10], $0x2710  }
0x11: {  	[sflag:s10] =	ssyncset.done $0x0  }
0x12: {  	[sflag:s10] =	ssyncadd.s32 $0xFFFFD8F0  }
0x13: {  	[tilespmem:s11], [sflag:$0x2] =	stream.linear.gather [hbm4b:s5+s4], $0x2780, $0x38;
	[tilespmem:$0x11580] =	vst v63  }
0x14: {  	_ =	swait.ge [sflag:s10], $0x2780  }
0x15: {  	[sflag:s10] =	ssyncset.done $0x0  }
0x16: {  	[sflag:s10] =	ssyncadd.s32 $0xFFFFD880  }
0x17: {  	[tilespmem:s12], [sflag:$0x2] =	stream.linear.gather [hbm4b:s6+s4], $0x2780, $0x38;
	[tilespmem:$0x11580] =	vst v63  }
0x18: {  	_ =	swait.ge [sflag:s10], $0x2780  }
0x19: {  	[sflag:s10] =	ssyncset.done $0x0  }
0x1a: {  	[sflag:s10] =	ssyncadd.s32 $0xFFFFD880  }
0x1b: {  	[tilespmem:s13], [sflag:$0x2] =	stream.linear.gather [hbm4b:s2+s4], $0x2780, $0x38;
	[tilespmem:$0x11580] =	vst v63  }
0x1c: {  	_ =	swait.ge [sflag:s10], $0x2780  }
0x1d: {  	s18 =	simm.s32 $0x7;
	s19 =	simm.s32 $0xEDC0;
	[sflag:s10] =	ssyncset.done $0x0  }
0x1e: {  	s20 =	simm.s32 $0xC5C0;
	s21 =	simm.s32 $0x0;
	[sflag:s10] =	ssyncadd.s32 $0xFFFFD880  }
.LBB2_2:
0x1f: {  	v0 =	vld [tilespmem:s17+$0x0]  }
0x20: {  	v1 =	vld [tilespmem:s21+$0x0];
	_ =	sdelay $0x6  }
0x21: {  	v2 =	vld.idx.msk [tilespmem:v0+s11+$0x0], $0xffff  }
0x22: {  	v3 =	vld.idx.msk [tilespmem:v1+s11+$0x0], $0xffff  }
0x23: {  	v4 =	vld.idx.msk [tilespmem:v0+s12+$0x0], $0xffff  }
0x24: {  	v5 =	vld.idx.msk [tilespmem:v1+s12+$0x0], $0xffff  }
0x25: {  	v6 =	vld.idx.msk [tilespmem:v0+s13+$0x0], $0xffff  }
0x26: {  	v7 =	vld.idx.msk [tilespmem:v1+s13+$0x0], $0xffff  }
0x27: {  	v2 =	vsub.f32 v2, v3;
	_ =	sdelay $0x1  }
0x28: {  	v45 =	vsub.f32 v4, v5;
	v2 =	vmul.f32 v2, v2;
	_ =	sdelay $0x1  }
0x29: {  	v46 =	vsub.f32 v6, v7;
	v3 =	vmul.f32 v45, v45;
	v2 =	vadd.f32 $1.000000000e+00, v2;
	_ =	sdelay $0x1  }
0x2a: {  	v47 =	vmul.f32 v46, v46;
	v2 =	vadd.f32 v3, v2;
	_ =	sdelay $0x1  }
0x2b: {  	v2 =	vadd.f32 v47, v2;
	_ =	sdelay $0x1  }
0x2c: {  	(erf) = vrcp.f32 v2;
	_ =	sdelay $0x5  }
0x2d: {  	v1 =	vmul.u32 $0x2710, v1;
	_ =	sdelay $0x1  }
0x2e: {  	s22 =	sadd.s32 $0xFFFFFFFA, s18;
	v0 =	vadd.s32 v0, v1  }
0x2f: {  	s22 =	smin.u32 s22, $0x270;
	[tilespmem:s20+$0xFFFFFFC0] =	vst v0;
	v48 =	vpop (erf)  }
0x30: {  	s22 =	sshll.u32 s22, $0x4;
	[tilespmem:s19+$0xFFFFFFC0] =	vst v48  }
0x31: {  	v0 =	vld [tilespmem:s22+$0x2780]  }
0x32: {  	v1 =	vld [tilespmem:s22+$0x0];
	_ =	sdelay $0x6  }
0x33: {  	v49 =	vld.idx.msk [tilespmem:v0+s11+$0x0], $0xffff  }
0x34: {  	v50 =	vld.idx.msk [tilespmem:v1+s11+$0x0], $0xffff  }
0x35: {  	v51 =	vld.idx.msk [tilespmem:v0+s12+$0x0], $0xffff  }
0x36: {  	v52 =	vld.idx.msk [tilespmem:v1+s12+$0x0], $0xffff  }
0x37: {  	v53 =	vld.idx.msk [tilespmem:v0+s13+$0x0], $0xffff  }
0x38: {  	v54 =	vld.idx.msk [tilespmem:v1+s13+$0x0], $0xffff  }
0x39: {  	v2 =	vsub.f32 v49, v50;
	_ =	sdelay $0x1  }
0x3a: {  	v55 =	vsub.f32 v51, v52;
	v2 =	vmul.f32 v2, v2;
	_ =	sdelay $0x1  }
0x3b: {  	v56 =	vsub.f32 v53, v54;
	v3 =	vmul.f32 v55, v55;
	v2 =	vadd.f32 $1.000000000e+00, v2;
	_ =	sdelay $0x1  }
0x3c: {  	v57 =	vmul.f32 v56, v56;
	v2 =	vadd.f32 v3, v2;
	_ =	sdelay $0x1  }
0x3d: {  	v2 =	vadd.f32 v57, v2;
	_ =	sdelay $0x1  }
0x3e: {  	(erf) = vrcp.f32 v2;
	_ =	sdelay $0x5  }
0x3f: {  	v1 =	vmul.u32 $0x2710, v1;
	_ =	sdelay $0x1  }
0x40: {  	s25 =	sadd.s32 $0xFFFFFFFB, s18;
	v0 =	vadd.s32 v0, v1  }
0x41: {  	s22 =	smin.u32 s25, $0x270;
	[tilespmem:s20+$0xFFFFFFD0] =	vst v0;
	v58 =	vpop (erf)  }
0x42: {  	s22 =	sshll.u32 s22, $0x4;
	[tilespmem:s19+$0xFFFFFFD0] =	vst v58  }
0x43: {  	v0 =	vld [tilespmem:s22+$0x2780]  }
0x44: {  	v1 =	vld [tilespmem:s22+$0x0];
	_ =	sdelay $0x6  }
0x45: {  	v59 =	vld.idx.msk [tilespmem:v0+s11+$0x0], $0xffff  }
0x46: {  	v60 =	vld.idx.msk [tilespmem:v1+s11+$0x0], $0xffff  }
0x47: {  	v61 =	vld.idx.msk [tilespmem:v0+s12+$0x0], $0xffff  }
0x48: {  	v62 =	vld.idx.msk [tilespmem:v1+s12+$0x0], $0xffff  }
0x49: {  	v63 =	vld.idx.msk [tilespmem:v0+s13+$0x0], $0xffff  }
0x4a: {  	v9 =	vld.idx.msk [tilespmem:v1+s13+$0x0], $0xffff  }
0x4b: {  	v2 =	vsub.f32 v59, v60;
	_ =	sdelay $0x1  }
0x4c: {  	v10 =	vsub.f32 v61, v62;
	v2 =	vmul.f32 v2, v2;
	_ =	sdelay $0x1  }
0x4d: {  	v11 =	vsub.f32 v63, v9;
	v3 =	vmul.f32 v10, v10;
	v2 =	vadd.f32 $1.000000000e+00, v2;
	_ =	sdelay $0x1  }
0x4e: {  	v12 =	vmul.f32 v11, v11;
	v2 =	vadd.f32 v3, v2;
	_ =	sdelay $0x1  }
0x4f: {  	v2 =	vadd.f32 v12, v2;
	_ =	sdelay $0x1  }
0x50: {  	(erf) = vrcp.f32 v2;
	_ =	sdelay $0x5  }
0x51: {  	v1 =	vmul.u32 $0x2710, v1;
	_ =	sdelay $0x1  }
0x52: {  	s26 =	sadd.s32 $0xFFFFFFFC, s18;
	v0 =	vadd.s32 v0, v1  }
0x53: {  	s22 =	smin.u32 s26, $0x270;
	[tilespmem:s20+$0xFFFFFFE0] =	vst v0;
	v13 =	vpop (erf)  }
0x54: {  	s22 =	sshll.u32 s22, $0x4;
	[tilespmem:s19+$0xFFFFFFE0] =	vst v13  }
0x55: {  	v0 =	vld [tilespmem:s22+$0x2780]  }
0x56: {  	v1 =	vld [tilespmem:s22+$0x0];
	_ =	sdelay $0x6  }
0x57: {  	v14 =	vld.idx.msk [tilespmem:v0+s11+$0x0], $0xffff  }
0x58: {  	v15 =	vld.idx.msk [tilespmem:v1+s11+$0x0], $0xffff  }
0x59: {  	v16 =	vld.idx.msk [tilespmem:v0+s12+$0x0], $0xffff  }
0x5a: {  	v17 =	vld.idx.msk [tilespmem:v1+s12+$0x0], $0xffff  }
0x5b: {  	v18 =	vld.idx.msk [tilespmem:v0+s13+$0x0], $0xffff  }
0x5c: {  	v19 =	vld.idx.msk [tilespmem:v1+s13+$0x0], $0xffff  }
0x5d: {  	v2 =	vsub.f32 v14, v15;
	_ =	sdelay $0x1  }
0x5e: {  	v20 =	vsub.f32 v16, v17;
	v2 =	vmul.f32 v2, v2;
	_ =	sdelay $0x1  }
0x5f: {  	v21 =	vsub.f32 v18, v19;
	v3 =	vmul.f32 v20, v20;
	v2 =	vadd.f32 $1.000000000e+00, v2;
	_ =	sdelay $0x1  }
0x60: {  	v22 =	vmul.f32 v21, v21;
	v2 =	vadd.f32 v3, v2;
	_ =	sdelay $0x1  }
0x61: {  	v2 =	vadd.f32 v22, v2;
	_ =	sdelay $0x1  }
0x62: {  	(erf) = vrcp.f32 v2;
	_ =	sdelay $0x5  }
0x63: {  	v1 =	vmul.u32 $0x2710, v1;
	_ =	sdelay $0x1  }
0x64: {  	s28 =	sadd.s32 $0xFFFFFFFD, s18;
	v0 =	vadd.s32 v0, v1  }
0x65: {  	s22 =	smin.u32 s28, $0x270;
	[tilespmem:s20+$0xFFFFFFF0] =	vst v0;
	v23 =	vpop (erf)  }
0x66: {  	s22 =	sshll.u32 s22, $0x4;
	[tilespmem:s19+$0xFFFFFFF0] =	vst v23  }
0x67: {  	v0 =	vld [tilespmem:s22+$0x2780]  }
0x68: {  	v1 =	vld [tilespmem:s22+$0x0];
	_ =	sdelay $0x6  }
0x69: {  	v24 =	vld.idx.msk [tilespmem:v0+s11+$0x0], $0xffff  }
0x6a: {  	v25 =	vld.idx.msk [tilespmem:v1+s11+$0x0], $0xffff  }
0x6b: {  	v26 =	vld.idx.msk [tilespmem:v0+s12+$0x0], $0xffff  }
0x6c: {  	v27 =	vld.idx.msk [tilespmem:v1+s12+$0x0], $0xffff  }
0x6d: {  	v28 =	vld.idx.msk [tilespmem:v0+s13+$0x0], $0xffff  }
0x6e: {  	v29 =	vld.idx.msk [tilespmem:v1+s13+$0x0], $0xffff  }
0x6f: {  	v2 =	vsub.f32 v24, v25;
	_ =	sdelay $0x1  }
0x70: {  	v30 =	vsub.f32 v26, v27;
	v2 =	vmul.f32 v2, v2;
	_ =	sdelay $0x1  }
0x71: {  	v31 =	vsub.f32 v28, v29;
	v3 =	vmul.f32 v30, v30;
	v2 =	vadd.f32 $1.000000000e+00, v2;
	_ =	sdelay $0x1  }
0x72: {  	v32 =	vmul.f32 v31, v31;
	v2 =	vadd.f32 v3, v2;
	_ =	sdelay $0x1  }
0x73: {  	v2 =	vadd.f32 v32, v2;
	_ =	sdelay $0x1  }
0x74: {  	(erf) = vrcp.f32 v2;
	_ =	sdelay $0x5  }
0x75: {  	v1 =	vmul.u32 $0x2710, v1;
	_ =	sdelay $0x1  }
0x76: {  	s29 =	sadd.s32 $0xFFFFFFFE, s18;
	v0 =	vadd.s32 v0, v1  }
0x77: {  	s22 =	smin.u32 s29, $0x270;
	[tilespmem:s20+$0x0] =	vst v0;
	v33 =	vpop (erf)  }
0x78: {  	s22 =	sshll.u32 s22, $0x4;
	[tilespmem:s19+$0x0] =	vst v33  }
0x79: {  	v0 =	vld [tilespmem:s22+$0x2780]  }
0x7a: {  	v1 =	vld [tilespmem:s22+$0x0];
	_ =	sdelay $0x6  }
0x7b: {  	v34 =	vld.idx.msk [tilespmem:v0+s11+$0x0], $0xffff  }
0x7c: {  	v35 =	vld.idx.msk [tilespmem:v1+s11+$0x0], $0xffff  }
0x7d: {  	v36 =	vld.idx.msk [tilespmem:v0+s12+$0x0], $0xffff  }
0x7e: {  	v37 =	vld.idx.msk [tilespmem:v1+s12+$0x0], $0xffff  }
0x7f: {  	v38 =	vld.idx.msk [tilespmem:v0+s13+$0x0], $0xffff  }
0x80: {  	v39 =	vld.idx.msk [tilespmem:v1+s13+$0x0], $0xffff  }
0x81: {  	v2 =	vsub.f32 v34, v35;
	_ =	sdelay $0x1  }
0x82: {  	v40 =	vsub.f32 v36, v37;
	v2 =	vmul.f32 v2, v2;
	_ =	sdelay $0x1  }
0x83: {  	v41 =	vsub.f32 v38, v39;
	v3 =	vmul.f32 v40, v40;
	v2 =	vadd.f32 $1.000000000e+00, v2;
	_ =	sdelay $0x1  }
0x84: {  	v42 =	vmul.f32 v41, v41;
	v2 =	vadd.f32 v3, v2;
	_ =	sdelay $0x1  }
0x85: {  	v2 =	vadd.f32 v42, v2;
	_ =	sdelay $0x1  }
0x86: {  	(erf) = vrcp.f32 v2;
	_ =	sdelay $0x5  }
0x87: {  	v1 =	vmul.u32 $0x2710, v1;
	_ =	sdelay $0x1  }
0x88: {  	s30 =	sadd.s32 $0xFFFFFFFF, s18;
	v0 =	vadd.s32 v0, v1  }
0x89: {  	s22 =	smin.u32 s30, $0x270;
	[tilespmem:s20+$0x10] =	vst v0;
	v43 =	vpop (erf)  }
0x8a: {  	s22 =	sshll.u32 s22, $0x4;
	[tilespmem:s19+$0x10] =	vst v43  }
0x8b: {  	v0 =	vld [tilespmem:s22+$0x2780]  }
0x8c: {  	v1 =	vld [tilespmem:s22+$0x0];
	_ =	sdelay $0x6  }
0x8d: {  	v44 =	vld.idx.msk [tilespmem:v0+s11+$0x0], $0xffff  }
0x8e: {  	v45 =	vld.idx.msk [tilespmem:v1+s11+$0x0], $0xffff  }
0x8f: {  	v46 =	vld.idx.msk [tilespmem:v0+s12+$0x0], $0xffff  }
0x90: {  	v47 =	vld.idx.msk [tilespmem:v1+s12+$0x0], $0xffff  }
0x91: {  	v48 =	vld.idx.msk [tilespmem:v0+s13+$0x0], $0xffff  }
0x92: {  	v49 =	vld.idx.msk [tilespmem:v1+s13+$0x0], $0xffff  }
0x93: {  	v2 =	vsub.f32 v44, v45;
	_ =	sdelay $0x1  }
0x94: {  	v50 =	vsub.f32 v46, v47;
	v2 =	vmul.f32 v2, v2;
	_ =	sdelay $0x1  }
0x95: {  	v51 =	vsub.f32 v48, v49;
	v3 =	vmul.f32 v50, v50;
	v2 =	vadd.f32 $1.000000000e+00, v2;
	_ =	sdelay $0x1  }
0x96: {  	v52 =	vmul.f32 v51, v51;
	v2 =	vadd.f32 v3, v2;
	_ =	sdelay $0x1  }
0x97: {  	v2 =	vadd.f32 v52, v2;
	_ =	sdelay $0x1  }
0x98: {  	(erf) = vrcp.f32 v2;
	_ =	sdelay $0x5  }
0x99: {  	v1 =	vmul.u32 $0x2710, v1;
	_ =	sdelay $0x1  }
0x9a: {  	v0 =	vadd.s32 v0, v1  }
0x9b: {  	s31 =	smin.u32 s18, $0x270;
	[tilespmem:s20+$0x20] =	vst v0;
	v53 =	vpop (erf)  }
0x9c: {  	s22 =	sshll.u32 s31, $0x4;
	[tilespmem:s19+$0x20] =	vst v53  }
0x9d: {  	v0 =	vld [tilespmem:s22+$0x2780]  }
0x9e: {  	v1 =	vld [tilespmem:s22+$0x0];
	_ =	sdelay $0x6  }
0x9f: {  	v54 =	vld.idx.msk [tilespmem:v0+s11+$0x0], $0xffff  }
0xa0: {  	v55 =	vld.idx.msk [tilespmem:v1+s11+$0x0], $0xffff  }
0xa1: {  	v56 =	vld.idx.msk [tilespmem:v0+s12+$0x0], $0xffff  }
0xa2: {  	v57 =	vld.idx.msk [tilespmem:v1+s12+$0x0], $0xffff  }
0xa3: {  	v58 =	vld.idx.msk [tilespmem:v0+s13+$0x0], $0xffff  }
0xa4: {  	v59 =	vld.idx.msk [tilespmem:v1+s13+$0x0], $0xffff  }
0xa5: {  	v2 =	vsub.f32 v54, v55;
	_ =	sdelay $0x1  }
0xa6: {  	v60 =	vsub.f32 v56, v57;
	v2 =	vmul.f32 v2, v2;
	_ =	sdelay $0x1  }
0xa7: {  	v61 =	vsub.f32 v58, v59;
	v3 =	vmul.f32 v60, v60;
	v2 =	vadd.f32 $1.000000000e+00, v2;
	_ =	sdelay $0x1  }
0xa8: {  	v62 =	vmul.f32 v61, v61;
	v2 =	vadd.f32 v3, v2;
	_ =	sdelay $0x1  }
0xa9: {  	v2 =	vadd.f32 v62, v2;
	_ =	sdelay $0x1  }
0xaa: {  	(erf) = vrcp.f32 v2;
	_ =	sdelay $0x4  }
0xab: {  	p0 =	sne.s32 s18, $0x277  }
.Ltmp0:
0xac: {  	v1 =	vmul.u32 $0x2710, v1;
	(pc) =	sbr.rel @p0 .LBB2_2-.Ltmp0, $4  }
0xad: {  	_ = 	snop  }
0xae: {  	v0 =	vadd.s32 v0, v1  }
0xaf: {  	s21 =	sadd.s32 $0x80, s21;
	s17 =	sadd.s32 $0x80, s17;
	[tilespmem:s20+$0x30] =	vst v0;
	v63 =	vpop (erf)  }
0xb0: {  	s18 =	sadd.s32 $0x8, s18;
	s20 =	sadd.s32 $0x80, s20;
	[tilespmem:s19+$0x30] =	vst v63;
	s19 =	sadd.s32 $0x80, s19  }
0xb1: {  	s17 =	simm.s32 $0x0  }
.LBB2_4:
0xb2: {  	p0 =	sne.s32 s17, $0x9C00  }
.Ltmp1:
0xb3: {  	_ = 	snop;
	(pc) =	sbr.rel @p0 .LBB2_4-.Ltmp1, $4  }
0xb4: {  	_ = 	snop  }
0xb5: {  	s18 =	sshra.s32 s17, $0x2  }
0xb6: {  	s17 =	sadd.s32 $0x200, s17;
	s19 =	sadd.s32 $0xED80, s18;
	s18 =	sadd.s32 $0xC580, s18  }
0xb7: {  	[hbm4b:s3+s14] =	stream.indirect.scatter [tilespmem:s19], [sflag:$0x1], $0x1, s18, s14, $0xb8;
	[tilespmem:$0x11580] =	vst v63  }
0xb8: {  	_ =	swait.ge [sflag:s15], $0x80  }
0xb9: {  	s17 =	simm.s32 $0x4E;
	[sflag:s15] =	ssyncset.done $0x0  }
.LBB2_6:
0xba: {  	p0 =	sne.s32 s17, $0x1;
	s17 =	sadd.s32 $0xFFFFFFFF, s17;
	[sflag:s15] =	ssyncadd.s32 $0xFFFFFF80  }
.Ltmp2:
0xbb: {  	(pc) =	sbr.rel @p0 .LBB2_6-.Ltmp2, $3  }
0xbc: {  	_ =	sdelay $0x1  }
0xbd: {  	_ =	swait.ge [sflag:s15], $0x80  }
0xbe: {  	[sflag:s15] =	ssyncset.done $0x0  }
0xbf: {  	s16 =	sadd.s32 $0x1, s16  }
0xc0: {  	p0 =	sne.s32 s16, s9  }
.Ltmp3:
0xc1: {  	_ = 	snop;
	(pc) =	sbr.rel @p0 .LBB2_1-.Ltmp3, $2  }
0xc2: {  	_ =	sdelay $0x2  }
0xc3: {  	[sflag:s15] =	ssyncadd.s32 $0xFFFFFF80  }
0xc4: {  	_ =	sfence.sel $0x180000  }
0xc5: {  	[bflag:$0x0] =	sbarrier.arrive $0xFFFF  }
0xc6: {  	p0 =	sne.s32 s0, $0x0;
	_ =	strace $0x90000047  }
0xc7: {  	s0 =	sadd.s32 @!p0 $0x100000, s1;
	[bflag:$0x2] =	sbarrier.arrive $0xFFFF  }
0xc8: {  	[sflag:s0] =	ssyncadd.tile.s32 @!p0 $0x1;
	_ =	shalt  }
.Lfunc_end2:
_tile_overlayer_lowered:
.L_overlay_start_2:
0xc9: {  	(tag) =	ssettag $0x2  }
0xca: {  	s0 =	rddreg [dreg:$0x0];
	s2 =	stileid.u32  }
0xcb: {  	s1 =	rddreg [dreg:$0x1];
	p0 =	sne.s32 s2, $0x0  }
0xcc: {  	s3 =	rddreg [dreg:$0x2];
	[bflag:$0x3] =	sbarrier.arrive $0xFFFF;
	s2 =	simm.s32 @!p0 $0x1C02  }
0xcd: {  	[timem:s3], [sflag:s2] =	dma.local @!p0 [hbm:s0], s1  }
0xce: {  	s0 =	simm.s32 @!p0 $0x2  }
0xcf: {  	_ =	swait.ge @!p0 [sflag:s0], s1  }
0xd0: {  	s1 =	ssub.s32 @!p0 $0x0, s1;
	[sflag:s0] =	ssyncset.done @!p0 $0x0  }
0xd1: {  	[sflag:s0] =	ssyncadd.s32 @!p0 s1  }
0xd2: {  	[bflag:$0x3] =	sbarrier.arrive $0xFFFF  }
0xd3: {  	_ =	shalt  }

// kernel: kernel.8.cloned.1.call-start
scs
__scs_entry_jumppad:
0x0: {  	(pc) =	sbr.rel $0x88, $3  }
0x1: {  	(tag) =	ssettag $0x0;
	lr =	simm.s32 $0x1  }
0x2: {  	[smem:$0x3F9F] =	sst lr;
	_ =	strace $0xD0000000  }
0x3: {  	_ = 	snop  }
0x4: {  	_ = 	snop  }
0x5: {  	_ = 	snop  }
0x6: {  	_ = 	snop  }
0x7: {  	_ = 	snop  }
__scs_overlays_trampoline_lowered:
0x8: {  	[smem:$0x3FAE] =	sst s0  }
0x9: {  	[smem:$0x3FAF] =	sst s1  }
0xa: {  	[smem:$0x3FB0] =	sst s2  }
0xb: {  	[smem:$0x3FB1] =	sst s3  }
0xc: {  	[smem:$0x3FB2] =	sst s4  }
0xd: {  	[smem:$0x3FB3] =	sst s5  }
0xe: {  	[smem:$0x3FB4] =	sst s6  }
0xf: {  	[smem:$0x3FB5] =	sst s7  }
0x10: {  	[smem:$0x3FB6] =	sst s8  }
0x11: {  	[smem:$0x3FB7] =	sst s9;
	s0 =	simm.s32 @!p0 $0x0  }
0x12: {  	s1 =	sld [smem:$0x3F9D];
	s0 =	simm.s32 @p0 $0x1  }
0x13: {  	[smem:$0x3FB8] =	sst s0;
	s0 =	simm.s32 @!p1 $0x0  }
0x14: {  	s2 =	sld [smem:$0x3F9C];
	s0 =	simm.s32 @p1 $0x1  }
0x15: {  	[smem:$0x3FB9] =	sst s0;
	s0 =	simm.s32 @!p2 $0x0  }
0x16: {  	s3 =	sld [smem:$0x3FDB];
	s0 =	simm.s32 @p2 $0x1  }
0x17: {  	s4 =	simm.s32 $0x1BF5;
	[smem:$0x3FBB] =	sst s0  }
0x18: {  	s0 =	sld [smem:$0x3F9E];
	_ =	swait.ge [sflag:s4], $0x0  }
0x19: {  	s7 =	sld [smem:$0x3F9F]  }
0x1a: {  	s8 =	sadd.s32 $0xFFFFE003, lr  }
0x1b: {  	s9 =	sadd.s32 $0xFFFFFEF7, lr;
	s5 =	simm.s32 $0xFFFFFFFF;
	p2 =	slt.u32 s8, $0xFFFFF086  }
0x1c: {  	p1 =	slt.u32 s9, $0xF7A;
	s5 =	simm.s32 @!p2 $0x0  }
0x1d: {  	s5 =	simm.s32 @p1 $0x1;
	p0 =	seq.s32 s7, s2  }
0x1e: {  	s7 =	smul.u32 @!p0 $0xF7A, s2;
	p2 =	seq.s32 @!p0 s5, $0x0  }
0x1f: {  	s9 =	smul.u32 $0xF7A, s1;
	s8 =	simm.s32 @!p0 $0x1BF5;
	p2 =	por !p2, p0  }
0x20: {  	[sflag:s8] =	ssyncset.s32 @!p0 $0xFFFFF086;
	s6 =	sadd.s32 @!p0 s3, s7;
	s7 =	simm.s32 @!p0 $0x108  }
0x21: {  	s3 =	sadd.s32 s3, s9;
	s6 =	sadd.s32 @!p0 $0x88, s6;
	s7 =	simm.s32 @p2 $0x1082  }
0x22: {  	[simem:s7], [sflag:s8] =	dma.local @!p0 [hbm:s6], $0xF7A  }
0x23: {  	s9 =	sor.u32 $0xD0000000, s2;
	s6 =	simm.s32 $0x108;
	_ =	swait.ge @!p0 [sflag:s8], $0x0  }
0x24: {  	s3 =	sadd.s32 $0x88, s3;
	s6 =	simm.s32 @!p1 $0x1082;
	[sflag:s4] =	ssyncset.s32 $0xFFFFF086  }
0x25: {  	[simem:s6], [sflag:s4] =	dma.local [hbm:s3], $0xF7A  }
0x26: {  	[smem:$0x3F9F] =	sst s1;
	(tag) =	ssettag s2;
	_ =	strace s9  }
0x27: {  	s1 =	sld [smem:$0x3FAF]  }
0x28: {  	s2 =	sld [smem:$0x3FB0]  }
0x29: {  	s4 =	sld [smem:$0x3FB2]  }
0x2a: {  	p0 =	seq.s32 s5, $0x0;
	s5 =	sld [smem:$0x3FB3]  }
0x2b: {  	s6 =	sld [smem:$0x3FB4]  }
0x2c: {  	s7 =	sld [smem:$0x3FB5]  }
0x2d: {  	s3 =	simm.s32 $0x108;
	s8 =	sld [smem:$0x3FB6]  }
0x2e: {  	s3 =	simm.s32 @!p0 $0x1082;
	s9 =	sld [smem:$0x3FB7]  }
0x2f: {  	lr =	sadd.s32 s0, s3;
	s0 =	sld [smem:$0x3FAE]  }
0x30: {  	s3 =	sld [smem:$0x3FB1]  }
0x31: {  	[smem:$0x3FBA] =	sst s10  }
0x32: {  	s10 =	sld [smem:$0x3FB8];
	_ =	sdelay $0x3  }
0x33: {  	p0 =	seq.s32 s10, $0x1;
	s10 =	sld [smem:$0x3FBA];
	_ =	sdelay $0x3  }
0x34: {  	[smem:$0x3FBA] =	sst s10  }
0x35: {  	s10 =	sld [smem:$0x3FB9];
	_ =	sdelay $0x3  }
0x36: {  	p1 =	seq.s32 s10, $0x1;
	s10 =	sld [smem:$0x3FBA];
	_ =	sdelay $0x3  }
0x37: {  	[smem:$0x3FBA] =	sst s10  }
0x38: {  	s10 =	sld [smem:$0x3FBB]  }
0x39: {  	_ = 	snop;
	(pc) =	sbr.ind lr, $3  }
0x3a: {  	_ = 	snop  }
0x3b: {  	_ = 	snop  }
0x3c: {  	p2 =	seq.s32 s10, $0x1;
	s10 =	sld [smem:$0x3FBA]  }
0x3d: {  	_ =	shalt  }
0x3e: {  	_ =	shalt  }
0x3f: {  	_ =	shalt  }
0x40: {  	_ =	shalt  }
0x41: {  	_ =	shalt  }
0x42: {  	_ =	shalt  }
0x43: {  	_ =	shalt  }
0x44: {  	_ =	shalt  }
0x45: {  	_ =	shalt  }
0x46: {  	_ =	shalt  }
0x47: {  	_ =	shalt  }
0x48: {  	_ =	shalt  }
0x49: {  	_ =	shalt  }
0x4a: {  	_ =	shalt  }
0x4b: {  	_ =	shalt  }
0x4c: {  	_ =	shalt  }
0x4d: {  	_ =	shalt  }
0x4e: {  	_ =	shalt  }
0x4f: {  	_ =	shalt  }
0x50: {  	_ =	shalt  }
0x51: {  	_ =	shalt  }
0x52: {  	_ =	shalt  }
0x53: {  	_ =	shalt  }
0x54: {  	_ =	shalt  }
0x55: {  	_ =	shalt  }
0x56: {  	_ =	shalt  }
0x57: {  	_ =	shalt  }
0x58: {  	_ =	shalt  }
0x59: {  	_ =	shalt  }
0x5a: {  	_ =	shalt  }
0x5b: {  	_ =	shalt  }
0x5c: {  	_ =	shalt  }
0x5d: {  	_ =	shalt  }
0x5e: {  	_ =	shalt  }
0x5f: {  	_ =	shalt  }
0x60: {  	_ =	shalt  }
0x61: {  	_ =	shalt  }
0x62: {  	_ =	shalt  }
0x63: {  	_ =	shalt  }
0x64: {  	_ =	shalt  }
0x65: {  	_ =	shalt  }
0x66: {  	_ =	shalt  }
0x67: {  	_ =	shalt  }
0x68: {  	_ =	shalt  }
0x69: {  	_ =	shalt  }
0x6a: {  	_ =	shalt  }
0x6b: {  	_ =	shalt  }
0x6c: {  	_ =	shalt  }
0x6d: {  	_ =	shalt  }
0x6e: {  	_ =	shalt  }
0x6f: {  	_ =	shalt  }
0x70: {  	_ =	shalt  }
0x71: {  	_ =	shalt  }
0x72: {  	_ =	shalt  }
0x73: {  	_ =	shalt  }
0x74: {  	_ =	shalt  }
0x75: {  	_ =	shalt  }
0x76: {  	_ =	shalt  }
0x77: {  	_ =	shalt  }
0x78: {  	_ =	shalt  }
0x79: {  	_ =	shalt  }
0x7a: {  	_ =	shalt  }
0x7b: {  	_ =	shalt  }
0x7c: {  	_ =	shalt  }
0x7d: {  	_ =	shalt  }
0x7e: {  	_ =	shalt  }
0x7f: {  	_ =	shalt  }
0x80: {  	_ =	shalt  }
0x81: {  	_ =	shalt  }
0x82: {  	_ =	shalt  }
0x83: {  	_ =	shalt  }
0x84: {  	_ =	shalt  }
0x85: {  	_ =	shalt  }
0x86: {  	_ =	shalt  }
0x87: {  	_ =	shalt  }
.Lfunc_end0:
.L_simem_size_0:
called_computation.1_lowered:
.L_overlay_start_0:
0x88: {  	s2 =	sld [smem:$0x3FD9]  }
0x89: {  	s3 =	sld [smem:$0x3FFE];
	_ =	sdelay $0x1  }
0x8a: {  	s1 =	srdreg.scid  }
0x8b: {  	s0 =	sand.u32 $0x1, s1  }
0x8c: {  	s17 =	sshll.u32 s0, $0xA;
	s2 =	sadd.s32 s3, s2  }
0x8d: {  	s2 =	sadd.s32 s2, s17  }
0x8e: {  	[smem:$0x3FC6] =	sst s2  }
0x8f: {  	_ = 	snop  }
0x90: {  	s2 =	sld [smem:$0x3FD0];
	(tm) =	ssettm $0x1  }
0x91: {  	s18 =	sld [smem:$0x3FFB];
	_ =	sdelay $0x3  }
0x92: {  	_ =	strace s18  }
0x93: {  	s3 =	sld [smem:$0x3FFC];
	_ =	sdelay $0x3  }
0x94: {  	_ =	strace s3  }
0x95: {  	s3 =	sld [smem:$0x3FFD];
	_ =	sdelay $0x3  }
0x96: {  	_ =	strace s3  }
0x97: {  	_ =	strace $0x8FFFFFFF  }
0x98: {  	s19 =	sld [smem:$0x3FDB];
	_ =	sdelay $0x1  }
0x99: {  	s4 =	simm.s32 $_scs_section_size  }
0x9a: {  	s5 =	simm.s32 $_size__tile_overlayer_lowered;
	s6 =	simm.s32 $_tile_overlayer_lowered  }
0x9b: {  	s22 =	simm.s32 $0x1BFF;
	s21 =	sshll.u32 s6, $0x1;
	s3 =	sadd.s32 s4, s19  }
0x9c: {  	s7 =	simm.s32 $0x0;
	s20 =	sshll.u32 s5, $0x1;
	s5 =	sadd.s32 s21, s3  }
0x9d: {  	[timem:s7], [sflag:s22] =	dma.local [hbm:s5], s20  }
0x9e: {  	_ =	swait.ge [sflag:s22], s20  }
0x9f: {  	s4 =	ssub.s32 $0x0, s20;
	[sflag:s22] =	ssyncset.done $0x0  }
0xa0: {  	[sflag:s22] =	ssyncadd.s32 s4;
	_ =	sdelay $0x1  }
0xa1: {  	s23 =	simm.s32 $0x1B8B  }
0xa2: {  	_ =	swait.ge [sflag:s23], $0x1  }
0xa3: {  	[sflag:s23] =	ssyncset.done $0x0  }
0xa4: {  	s25 =	simm.s32 $0x1B8E;
	s24 =	sld [smem:$0x3FFE];
	[sflag:s23] =	ssyncadd.s32 $0xFFFFFFFF  }
0xa5: {  	s26 =	simm.s32 $execute0_lowered;
	[smem:$0x3FD2] =	sst s25  }
0xa6: {  	s5 =	sshll.u32 s26, $0x1;
	_ =	strace $0x80000049;
	[dreg:$0x1] =	wrdreg $0xFFFFFFFF  }
0xa7: {  	s28 =	simm.s32 $_size_execute0_lowered;
	s3 =	sadd.s32 s3, s5;
	[dreg:$0x0] =	wrdreg $0x0  }
0xa8: {  	s5 =	sshll.u32 s28, $0x1;
	[dreg:$0x2] =	wrdreg s3  }
0xa9: {  	[dreg:$0x3] =	wrdreg s5  }
0xaa: {  	[dreg:$0x4] =	wrdreg $0xC0  }
0xab: {  	_ =	task [dreg:s7], $0x5FFFF  }
0xac: {  	[dreg:$0x1] =	wrdreg $0xFFFFFFFF  }
0xad: {  	[dreg:$0x0] =	wrdreg $0x60  }
0xae: {  	[dreg:$0x2] =	wrdreg s2  }
0xaf: {  	[dreg:$0x3] =	wrdreg s24  }
0xb0: {  	[dreg:$0x4] =	wrdreg $0x9  }
0xb1: {  	_ =	task.clear_ibuf [dreg:s7], $0x5FFFF;
	_ =	strace $0x90000049  }
0xb2: {  	s29 =	simm.s32 $0x9;
	_ =	strace $0x8000004B  }
0xb3: {  	_ =	swait.ge [sflag:s29], $0x1  }
0xb4: {  	[sflag:s29] =	ssyncadd.s32 $0xFFFFFFFF  }
0xb5: {  	_ =	strace $0x9000004B  }
0xb6: {  	_ =	sfence  }
0xb7: {  	s30 =	sld [smem:$0x0];
	_ =	sdelay $0x2  }
0xb8: {  	s31 =	sshll.u32 s1, $0xD;
	s1 =	sshrl.u32 s1, $0x2  }
0xb9: {  	s3 =	sand.u32 $0x4000, s31;
	s1 =	sadd.s32 s1, s30  }
0xba: {  	s0 =	sor.u32 s3, s0;
	s1 =	sshll.u32 s1, $0x11  }
0xbb: {  	s0 =	sor.u32 s1, s0  }
0xbc: {  	s0 =	sadd.s32 $0x8F2B, s0  }
0xbd: {  	[sflag:s0] =	ssyncadd.remote.s32 $0x1  }
0xbe: {  	_ =	sfence.sel $0xFFFF  }
0xbf: {  	[dreg:$0x0] =	wrdreg $0xFFFFFFFF;
	(pc) =	sbr.abs _section_cstart, $3  }
0xc0: {  	[dreg:$0x1] =	wrdreg $0xFFFFFFFF  }
0xc1: {  	_ =	task.clear_ibuf [dreg:s7], $0x2FFFF;
	_ =	strace $0x9FFFFFFF  }
0xc2: {  	(tm) =	ssettm $0x7FFFFFFF  }
0xc3: {  	_ =	shalt  }
tec
execute0_lowered:
.L_overlay_start_1:
0x0: {  	(tag) =	ssettag $0x1  }
0x1: {  	s0 =	srdreg.scid  }
0x2: {  	s1 =	stileid.u32;
	s2 =	rddreg [dreg:$0x0]  }
0x3: {  	s21 =	rddreg [dreg:$0x1];
	s3 =	simm.s32 $0x0;
	s23 =	simm.s32 $0x2780  }
0x4: {  	s24 =	simm.s32 $0x1;
	s0 =	sand.u32 $0x1, s0;
	s1 =	sshll.u32 s1, $0x1  }
0x5: {  	s25 =	simm.s32 $0x2;
	s26 =	simm.s32 $0x4F00;
	s1 =	sor.u32 s0, s1  }
0x6: {  	s28 =	simm.s32 $0x3;
	s0 =	ssub.s32 $0x2, s0;
	s1 =	smul.u32 $0x140, s1  }
0x7: {  	s29 =	simm.s32 $0x0;
	[smem:$0x7FF] =	sst s3;
	s5 =	sshrl.u32 s0, $0x1  }
0x8: {  	_ =	strace $0x8000004A;
	s0 =	ssub.s32 s0, s5;
	s1 =	smin.u32 s1, $0x25D0  }
0x9: {  	s4 =	smul.u32 $0x4E2, s1;
	s5 =	sor.u32 $0x1, s1;
	s6 =	sor.u32 $0x2, s1  }
0xa: {  	s7 =	sor.u32 $0x3, s1;
	s8 =	sor.u32 $0x4, s1;
	s9 =	sor.u32 $0x5, s1  }
0xb: {  	vm0 =	vmmov $0x1;
	vm1 =	vmmov $0x3;
	vm2 =	vmmov $0x7;
	s10 =	sor.u32 $0x6, s1;
	s11 =	sor.u32 $0x7, s1;
	s12 =	sor.u32 $0x8, s1  }
0xc: {  	vm3 =	vmmov $0xf;
	vm4 =	vmmov $0x1f;
	vm5 =	vmmov $0x3f;
	s13 =	sor.u32 $0x9, s1;
	s14 =	sor.u32 $0xA, s1;
	s15 =	sor.u32 $0xB, s1  }
0xd: {  	vm6 =	vmmov $0x7f;
	vm7 =	vmmov $0xff;
	vm8 =	vmmov $0x1ff;
	s16 =	sor.u32 $0xC, s1;
	s17 =	sor.u32 $0xD, s1;
	s18 =	sor.u32 $0xE, s1  }
0xe: {  	vm9 =	vmmov $0x3ff;
	vm10 =	vmmov $0x7ff;
	vm11 =	vmmov $0xfff;
	s19 =	sor.u32 $0xF, s1;
	s22 =	sshrl.u32 s1, $0x3;
	s20 =	sadd.s32 $0x10, s1  }
0xf: {  	vm12 =	vmmov $0x1fff;
	vm13 =	vmmov $0x3fff;
	vm14 =	vmmov $0x7fff;
	s21 =	sadd.s32 s21, s22;
	s22 =	smax.u32 s0, $0x1;
	s4 =	sadd.s32 s2, s4  }
.LBB2_1:
0x10: {  	[tilespmem:s3], [sflag:$0x1] =	stream.linear.gather [hbm4b:s4+s3], $0x2710, $0x38;
	[tilespmem:$0x5080] =	vst v63  }
0x11: {  	s30 =	simm.s32 $0x0  }
.LBB2_2:
0x12: {  	s31 =	sshll.u32 s30, $0x4  }
0x13: {  	s0 =	sadd.s32 s31, s5  }
0x14: {  	s0 =	smul.u32 $0x4E2, s0;
	_ =	sdelay $0x1  }
0x15: {  	s0 =	sadd.s32 s2, s0  }
0x16: {  	[tilespmem:s23], [sflag:$0x2] =	stream.linear.gather [hbm4b:s0+s3], $0x2710, $0x38;
	[tilespmem:$0x5080] =	vst v63  }
0x17: {  	_ =	swait.ge [sflag:s24], $0x2710  }
0x18: {  	[sflag:s24] =	ssyncset.done $0x0  }
0x19: {  	s0 =	simm.s32 $0x40;
	[sflag:s24] =	ssyncadd.s32 $0xFFFFD8F0  }
0x1a: {  	v0 =	vld [tilespmem:s0+$0xFFFFFFC0];
	_ =	sdelay $0x1  }
0x1b: {  	v1 =	vld [tilespmem:s0+$0xFFFFFFD0];
	_ =	sdelay $0x1  }
0x1c: {  	v2 =	vimm.f32 $0.0e+00;
	v3 =	vld [tilespmem:s0+$0xFFFFFFE0]  }
0x1d: {  	v0 =	vadd.f32 v0, v2  }
0x1e: {  	v2 =	vld [tilespmem:s0+$0xFFFFFFF0]  }
0x1f: {  	v0 =	vadd.f32 v1, v0  }
0x20: {  	v1 =	vld [tilespmem:s0+$0x0]  }
0x21: {  	v0 =	vadd.f32 v3, v0  }
0x22: {  	v3 =	vld [tilespmem:s0+$0x10]  }
0x23: {  	v0 =	vadd.f32 v2, v0  }
0x24: {  	v2 =	vld [tilespmem:s0+$0x20]  }
0x25: {  	v0 =	vadd.f32 v1, v0  }
0x26: {  	v1 =	vld [tilespmem:s0+$0x30]  }
0x27: {  	s1 =	simm.s32 $0x0;
	s0 =	simm.s32 $0xC0;
	v3 =	vadd.f32 v3, v0  }
.LBB2_3:
0x28: {  	v0 =	vld [tilespmem:s0+$0xFFFFFFC0];
	s1 =	sadd.s32 $0x8, s1  }
0x29: {  	p0 =	slt.u32 s1, $0x268;
	v2 =	vadd.f32 v2, v3  }
0x2a: {  	v3 =	vld [tilespmem:s0+$0xFFFFFFD0]  }
0x2b: {  	v1 =	vadd.f32 v1, v2  }
0x2c: {  	v2 =	vld [tilespmem:s0+$0xFFFFFFE0]  }
0x2d: {  	v0 =	vadd.f32 v0, v1  }
0x2e: {  	v1 =	vld [tilespmem:s0+$0xFFFFFFF0]  }
0x2f: {  	v0 =	vadd.f32 v3, v0  }
0x30: {  	v3 =	vld [tilespmem:s0+$0x0]  }
0x31: {  	v0 =	vadd.f32 v2, v0  }
0x32: {  	v4 =	vld [tilespmem:s0+$0x10]  }
.Ltmp0:
0x33: {  	v0 =	vadd.f32 v1, v0;
	(pc) =	sbr.rel @p0 .LBB2_3-.Ltmp0, $4  }
0x34: {  	v2 =	vld [tilespmem:s0+$0x20]  }
0x35: {  	v0 =	vadd.f32 v3, v0  }
0x36: {  	v1 =	vld [tilespmem:s0+$0x30]  }
0x37: {  	s0 =	sadd.s32 $0x80, s0;
	v3 =	vadd.f32 v4, v0  }
0x38: {  	s0 =	sadd.s32 s31, s6  }
0x39: {  	s0 =	smul.u32 $0x4E2, s0;
	_ =	sdelay $0x1  }
0x3a: {  	s0 =	sadd.s32 s2, s0  }
0x3b: {  	v0 =	vld [tilespmem:$0x2700];
	[tilespmem:s3], [sflag:$0x1] =	stream.linear.gather [hbm4b:s0+s3], $0x2710, $0x38  }
0x3c: {  	_ =	swait.ge [sflag:s25], $0x2710  }
0x3d: {  	[sflag:s25] =	ssyncset.done $0x0  }
0x3e: {  	s0 =	simm.s32 $0x27C0;
	[sflag:s25] =	ssyncadd.s32 $0xFFFFD8F0  }
0x3f: {  	v4 =	vld [tilespmem:s0+$0xFFFFFFC0];
	_ =	sdelay $0x1  }
0x40: {  	v5 =	vld [tilespmem:s0+$0xFFFFFFD0];
	_ =	sdelay $0x1  }
0x41: {  	v6 =	vimm.f32 $0.0e+00;
	v7 =	vld [tilespmem:s0+$0xFFFFFFE0]  }
0x42: {  	v4 =	vadd.f32 v4, v6  }
0x43: {  	v6 =	vld [tilespmem:s0+$0xFFFFFFF0]  }
0x44: {  	v4 =	vadd.f32 v5, v4  }
0x45: {  	v5 =	vld [tilespmem:s0+$0x0]  }
0x46: {  	v4 =	vadd.f32 v7, v4  }
0x47: {  	v7 =	vld [tilespmem:s0+$0x10]  }
0x48: {  	v4 =	vadd.f32 v6, v4  }
0x49: {  	v2 =	vadd.f32 v2, v3;
	v3 =	vld [tilespmem:s0+$0x20]  }
0x4a: {  	v5 =	vadd.f32 v5, v4  }
0x4b: {  	v4 =	vld [tilespmem:s0+$0x30]  }
0x4c: {  	s1 =	simm.s32 $0x0;
	v1 =	vadd.f32 v1, v2;
	s0 =	simm.s32 $0x2840;
	v5 =	vadd.f32 v7, v5  }
.LBB2_5:
0x4d: {  	v2 =	vld [tilespmem:s0+$0xFFFFFFC0];
	s1 =	sadd.s32 $0x8, s1  }
0x4e: {  	p0 =	slt.u32 s1, $0x268;
	v3 =	vadd.f32 v3, v5  }
0x4f: {  	v5 =	vld [tilespmem:s0+$0xFFFFFFD0]  }
0x50: {  	v3 =	vadd.f32 v4, v3  }
0x51: {  	v4 =	vld [tilespmem:s0+$0xFFFFFFE0]  }
0x52: {  	v2 =	vadd.f32 v2, v3  }
0x53: {  	v3 =	vld [tilespmem:s0+$0xFFFFFFF0]  }
0x54: {  	v2 =	vadd.f32 v5, v2  }
0x55: {  	v5 =	vld [tilespmem:s0+$0x0]  }
0x56: {  	v2 =	vadd.f32 v4, v2  }
0x57: {  	v6 =	vld [tilespmem:s0+$0x10]  }
.Ltmp1:
0x58: {  	v2 =	vadd.f32 v3, v2;
	(pc) =	sbr.rel @p0 .LBB2_5-.Ltmp1, $4  }
0x59: {  	v3 =	vld [tilespmem:s0+$0x20]  }
0x5a: {  	v2 =	vadd.f32 v5, v2  }
0x5b: {  	v4 =	vld [tilespmem:s0+$0x30]  }
0x5c: {  	s0 =	sadd.s32 $0x80, s0;
	v5 =	vadd.f32 v6, v2  }
0x5d: {  	s0 =	sadd.s32 s31, s7  }
0x5e: {  	s0 =	smul.u32 $0x4E2, s0;
	_ =	sdelay $0x1  }
0x5f: {  	s0 =	sadd.s32 s2, s0  }
0x60: {  	v2 =	vld [tilespmem:$0x4E80];
	[tilespmem:s23], [sflag:$0x2] =	stream.linear.gather [hbm4b:s0+s3], $0x2710, $0x38  }
0x61: {  	_ =	swait.ge [sflag:s24], $0x2710  }
0x62: {  	[sflag:s24] =	ssyncset.done $0x0  }
0x63: {  	s0 =	simm.s32 $0x40;
	[sflag:s24] =	ssyncadd.s32 $0xFFFFD8F0  }
0x64: {  	v6 =	vld [tilespmem:s0+$0xFFFFFFC0];
	_ =	sdelay $0x1  }
0x65: {  	v7 =	vld [tilespmem:s0+$0xFFFFFFD0];
	_ =	sdelay $0x1  }
0x66: {  	v8 =	vimm.f32 $0.0e+00;
	v9 =	vld [tilespmem:s0+$0xFFFFFFE0]  }
0x67: {  	v6 =	vadd.f32 v6, v8  }
0x68: {  	v8 =	vld [tilespmem:s0+$0xFFFFFFF0]  }
0x69: {  	v6 =	vadd.f32 v7, v6  }
0x6a: {  	v7 =	vld [tilespmem:s0+$0x0]  }
0x6b: {  	v6 =	vadd.f32 v9, v6  }
0x6c: {  	v63 =	vld [tilespmem:s0+$0x10]  }
0x6d: {  	v6 =	vadd.f32 v8, v6  }
0x6e: {  	v3 =	vadd.f32 v3, v5;
	v5 =	vld [tilespmem:s0+$0x20]  }
0x6f: {  	v7 =	vadd.f32 v7, v6  }
0x70: {  	v6 =	vld [tilespmem:s0+$0x30]  }
0x71: {  	s1 =	simm.s32 $0x0;
	v3 =	vadd.f32 v4, v3;
	s0 =	simm.s32 $0xC0;
	v7 =	vadd.f32 v63, v7  }
.LBB2_7:
0x72: {  	v4 =	vld [tilespmem:s0+$0xFFFFFFC0];
	s1 =	sadd.s32 $0x8, s1  }
0x73: {  	p0 =	slt.u32 s1, $0x268;
	v5 =	vadd.f32 v5, v7  }
0x74: {  	v7 =	vld [tilespmem:s0+$0xFFFFFFD0]  }
0x75: {  	v5 =	vadd.f32 v6, v5  }
0x76: {  	v6 =	vld [tilespmem:s0+$0xFFFFFFE0]  }
0x77: {  	v4 =	vadd.f32 v4, v5  }
0x78: {  	v5 =	vld [tilespmem:s0+$0xFFFFFFF0]  }
0x79: {  	v4 =	vadd.f32 v7, v4  }
0x7a: {  	v7 =	vld [tilespmem:s0+$0x0]  }
0x7b: {  	v4 =	vadd.f32 v6, v4  }
0x7c: {  	v8 =	vld [tilespmem:s0+$0x10]  }
.Ltmp2:
0x7d: {  	v4 =	vadd.f32 v5, v4;
	(pc) =	sbr.rel @p0 .LBB2_7-.Ltmp2, $4  }
0x7e: {  	v5 =	vld [tilespmem:s0+$0x20]  }
0x7f: {  	v4 =	vadd.f32 v7, v4  }
0x80: {  	v6 =	vld [tilespmem:s0+$0x30]  }
0x81: {  	s0 =	sadd.s32 $0x80, s0;
	v7 =	vadd.f32 v8, v4  }
0x82: {  	s0 =	sadd.s32 s31, s8  }
0x83: {  	s0 =	smul.u32 $0x4E2, s0;
	_ =	sdelay $0x1  }
0x84: {  	s0 =	sadd.s32 s2, s0  }
0x85: {  	v4 =	vld [tilespmem:$0x2700];
	[tilespmem:s3], [sflag:$0x1] =	stream.linear.gather [hbm4b:s0+s3], $0x2710, $0x38  }
0x86: {  	_ =	swait.ge [sflag:s25], $0x2710  }
0x87: {  	[sflag:s25] =	ssyncset.done $0x0  }
0x88: {  	s0 =	simm.s32 $0x27C0;
	[sflag:s25] =	ssyncadd.s32 $0xFFFFD8F0  }
0x89: {  	v8 =	vld [tilespmem:s0+$0xFFFFFFC0];
	_ =	sdelay $0x1  }
0x8a: {  	v9 =	vld [tilespmem:s0+$0xFFFFFFD0];
	_ =	sdelay $0x1  }
0x8b: {  	v10 =	vimm.f32 $0.0e+00;
	v11 =	vld [tilespmem:s0+$0xFFFFFFE0]  }
0x8c: {  	v8 =	vadd.f32 v8, v10  }
0x8d: {  	v10 =	vld [tilespmem:s0+$0xFFFFFFF0]  }
0x8e: {  	v8 =	vadd.f32 v9, v8  }
0x8f: {  	v9 =	vld [tilespmem:s0+$0x0]  }
0x90: {  	v8 =	vadd.f32 v11, v8  }
0x91: {  	v11 =	vld [tilespmem:s0+$0x10]  }
0x92: {  	v8 =	vadd.f32 v10, v8  }
0x93: {  	v5 =	vadd.f32 v5, v7;
	v7 =	vld [tilespmem:s0+$0x20]  }
0x94: {  	v9 =	vadd.f32 v9, v8  }
0x95: {  	v8 =	vld [tilespmem:s0+$0x30]  }
0x96: {  	s1 =	simm.s32 $0x0;
	v5 =	vadd.f32 v6, v5;
	s0 =	simm.s32 $0x2840;
	v9 =	vadd.f32 v11, v9  }
.LBB2_9:
0x97: {  	v6 =	vld [tilespmem:s0+$0xFFFFFFC0];
	s1 =	sadd.s32 $0x8, s1  }
0x98: {  	p0 =	slt.u32 s1, $0x268;
	v7 =	vadd.f32 v7, v9  }
0x99: {  	v9 =	vld [tilespmem:s0+$0xFFFFFFD0]  }
0x9a: {  	v7 =	vadd.f32 v8, v7  }
0x9b: {  	v8 =	vld [tilespmem:s0+$0xFFFFFFE0]  }
0x9c: {  	v6 =	vadd.f32 v6, v7  }
0x9d: {  	v7 =	vld [tilespmem:s0+$0xFFFFFFF0]  }
0x9e: {  	v6 =	vadd.f32 v9, v6  }
0x9f: {  	v9 =	vld [tilespmem:s0+$0x0]  }
0xa0: {  	v6 =	vadd.f32 v8, v6  }
0xa1: {  	v10 =	vld [tilespmem:s0+$0x10]  }
.Ltmp3:
0xa2: {  	v6 =	vadd.f32 v7, v6;
	(pc) =	sbr.rel @p0 .LBB2_9-.Ltmp3, $4  }
0xa3: {  	v7 =	vld [tilespmem:s0+$0x20]  }
0xa4: {  	v6 =	vadd.f32 v9, v6  }
0xa5: {  	v8 =	vld [tilespmem:s0+$0x30]  }
0xa6: {  	s0 =	sadd.s32 $0x80, s0;
	v9 =	vadd.f32 v10, v6  }
0xa7: {  	s0 =	sadd.s32 s31, s9  }
0xa8: {  	s0 =	smul.u32 $0x4E2, s0;
	_ =	sdelay $0x1  }
0xa9: {  	s0 =	sadd.s32 s2, s0  }
0xaa: {  	v6 =	vld [tilespmem:$0x4E80];
	[tilespmem:s23], [sflag:$0x2] =	stream.linear.gather [hbm4b:s0+s3], $0x2710, $0x38  }
0xab: {  	_ =	swait.ge [sflag:s24], $0x2710  }
0xac: {  	[sflag:s24] =	ssyncset.done $0x0  }
0xad: {  	s0 =	simm.s32 $0x40;
	[sflag:s24] =	ssyncadd.s32 $0xFFFFD8F0  }
0xae: {  	v10 =	vld [tilespmem:s0+$0xFFFFFFC0];
	_ =	sdelay $0x1  }
0xaf: {  	v11 =	vld [tilespmem:s0+$0xFFFFFFD0];
	_ =	sdelay $0x1  }
0xb0: {  	v12 =	vimm.f32 $0.0e+00;
	v13 =	vld [tilespmem:s0+$0xFFFFFFE0]  }
0xb1: {  	v10 =	vadd.f32 v10, v12  }
0xb2: {  	v62 =	vld [tilespmem:s0+$0xFFFFFFF0]  }
0xb3: {  	v10 =	vadd.f32 v11, v10  }
0xb4: {  	v11 =	vld [tilespmem:s0+$0x0]  }
0xb5: {  	v10 =	vadd.f32 v13, v10  }
0xb6: {  	v63 =	vld [tilespmem:s0+$0x10]  }
0xb7: {  	v10 =	vadd.f32 v62, v10  }
0xb8: {  	v7 =	vadd.f32 v7, v9;
	v9 =	vld [tilespmem:s0+$0x20]  }
0xb9: {  	v11 =	vadd.f32 v11, v10  }
0xba: {  	v10 =	vld [tilespmem:s0+$0x30]  }
0xbb: {  	s1 =	simm.s32 $0x0;
	v7 =	vadd.f32 v8, v7;
	s0 =	simm.s32 $0xC0;
	v11 =	vadd.f32 v63, v11  }
.LBB2_11:
0xbc: {  	v8 =	vld [tilespmem:s0+$0xFFFFFFC0];
	s1 =	sadd.s32 $0x8, s1  }
0xbd: {  	p0 =	slt.u32 s1, $0x268;
	v9 =	vadd.f32 v9, v11  }
0xbe: {  	v11 =	vld [tilespmem:s0+$0xFFFFFFD0]  }
0xbf: {  	v9 =	vadd.f32 v10, v9  }
0xc0: {  	v10 =	vld [tilespmem:s0+$0xFFFFFFE0]  }
0xc1: {  	v8 =	vadd.f32 v8, v9  }
0xc2: {  	v9 =	vld [tilespmem:s0+$0xFFFFFFF0]  }
0xc3: {  	v8 =	vadd.f32 v11, v8  }
0xc4: {  	v11 =	vld [tilespmem:s0+$0x0]  }
0xc5: {  	v8 =	vadd.f32 v10, v8  }
0xc6: {  	v12 =	vld [tilespmem:s0+$0x10]  }
.Ltmp4:
0xc7: {  	v8 =	vadd.f32 v9, v8;
	(pc) =	sbr.rel @p0 .LBB2_11-.Ltmp4, $4  }
0xc8: {  	v9 =	vld [tilespmem:s0+$0x20]  }
0xc9: {  	v8 =	vadd.f32 v11, v8  }
0xca: {  	v10 =	vld [tilespmem:s0+$0x30]  }
0xcb: {  	s0 =	sadd.s32 $0x80, s0;
	v11 =	vadd.f32 v12, v8  }
0xcc: {  	s0 =	sadd.s32 s31, s10  }
0xcd: {  	s0 =	smul.u32 $0x4E2, s0;
	_ =	sdelay $0x1  }
0xce: {  	s0 =	sadd.s32 s2, s0  }
0xcf: {  	v8 =	vld [tilespmem:$0x2700];
	[tilespmem:s3], [sflag:$0x1] =	stream.linear.gather [hbm4b:s0+s3], $0x2710, $0x38  }
0xd0: {  	_ =	swait.ge [sflag:s25], $0x2710  }
0xd1: {  	[sflag:s25] =	ssyncset.done $0x0  }
0xd2: {  	s0 =	simm.s32 $0x27C0;
	[sflag:s25] =	ssyncadd.s32 $0xFFFFD8F0  }
0xd3: {  	v12 =	vld [tilespmem:s0+$0xFFFFFFC0];
	_ =	sdelay $0x1  }
0xd4: {  	v13 =	vld [tilespmem:s0+$0xFFFFFFD0];
	_ =	sdelay $0x1  }
0xd5: {  	v14 =	vimm.f32 $0.0e+00;
	v15 =	vld [tilespmem:s0+$0xFFFFFFE0]  }
0xd6: {  	v12 =	vadd.f32 v12, v14  }
0xd7: {  	v14 =	vld [tilespmem:s0+$0xFFFFFFF0]  }
0xd8: {  	v12 =	vadd.f32 v13, v12  }
0xd9: {  	v13 =	vld [tilespmem:s0+$0x0]  }
0xda: {  	v12 =	vadd.f32 v15, v12  }
0xdb: {  	v15 =	vld [tilespmem:s0+$0x10]  }
0xdc: {  	v12 =	vadd.f32 v14, v12  }
0xdd: {  	v9 =	vadd.f32 v9, v11;
	v11 =	vld [tilespmem:s0+$0x20]  }
0xde: {  	v13 =	vadd.f32 v13, v12  }
0xdf: {  	v12 =	vld [tilespmem:s0+$0x30]  }
0xe0: {  	s1 =	simm.s32 $0x0;
	v9 =	vadd.f32 v10, v9;
	s0 =	simm.s32 $0x2840;
	v13 =	vadd.f32 v15, v13  }
.LBB2_13:
0xe1: {  	v10 =	vld [tilespmem:s0+$0xFFFFFFC0];
	s1 =	sadd.s32 $0x8, s1  }
0xe2: {  	p0 =	slt.u32 s1, $0x268;
	v11 =	vadd.f32 v11, v13  }
0xe3: {  	v13 =	vld [tilespmem:s0+$0xFFFFFFD0]  }
0xe4: {  	v11 =	vadd.f32 v12, v11  }
0xe5: {  	v12 =	vld [tilespmem:s0+$0xFFFFFFE0]  }
0xe6: {  	v10 =	vadd.f32 v10, v11  }
0xe7: {  	v11 =	vld [tilespmem:s0+$0xFFFFFFF0]  }
0xe8: {  	v10 =	vadd.f32 v13, v10  }
0xe9: {  	v13 =	vld [tilespmem:s0+$0x0]  }
0xea: {  	v10 =	vadd.f32 v12, v10  }
0xeb: {  	v14 =	vld [tilespmem:s0+$0x10]  }
.Ltmp5:
0xec: {  	v10 =	vadd.f32 v11, v10;
	(pc) =	sbr.rel @p0 .LBB2_13-.Ltmp5, $4  }
0xed: {  	v11 =	vld [tilespmem:s0+$0x20]  }
0xee: {  	v10 =	vadd.f32 v13, v10  }
0xef: {  	v12 =	vld [tilespmem:s0+$0x30]  }
0xf0: {  	s0 =	sadd.s32 $0x80, s0;
	v13 =	vadd.f32 v14, v10  }
0xf1: {  	s0 =	sadd.s32 s31, s11  }
0xf2: {  	s0 =	smul.u32 $0x4E2, s0;
	_ =	sdelay $0x1  }
0xf3: {  	s0 =	sadd.s32 s2, s0  }
0xf4: {  	v10 =	vld [tilespmem:$0x4E80];
	[tilespmem:s23], [sflag:$0x2] =	stream.linear.gather [hbm4b:s0+s3], $0x2710, $0x38  }
0xf5: {  	_ =	swait.ge [sflag:s24], $0x2710  }
0xf6: {  	[sflag:s24] =	ssyncset.done $0x0  }
0xf7: {  	s0 =	simm.s32 $0x40;
	[sflag:s24] =	ssyncadd.s32 $0xFFFFD8F0  }
0xf8: {  	v14 =	vld [tilespmem:s0+$0xFFFFFFC0];
	_ =	sdelay $0x1  }
0xf9: {  	v15 =	vld [tilespmem:s0+$0xFFFFFFD0];
	_ =	sdelay $0x1  }
0xfa: {  	v16 =	vimm.f32 $0.0e+00;
	v17 =	vld [tilespmem:s0+$0xFFFFFFE0]  }
0xfb: {  	v14 =	vadd.f32 v14, v16  }
0xfc: {  	v16 =	vld [tilespmem:s0+$0xFFFFFFF0]  }
0xfd: {  	v14 =	vadd.f32 v15, v14  }
0xfe: {  	v15 =	vld [tilespmem:s0+$0x0]  }
0xff: {  	v14 =	vadd.f32 v17, v14  }
0x100: {  	v17 =	vld [tilespmem:s0+$0x10]  }
0x101: {  	v14 =	vadd.f32 v16, v14  }
0x102: {  	v11 =	vadd.f32 v11, v13;
	v13 =	vld [tilespmem:s0+$0x20]  }
0x103: {  	v15 =	vadd.f32 v15, v14  }
0x104: {  	v14 =	vld [tilespmem:s0+$0x30]  }
0x105: {  	s1 =	simm.s32 $0x0;
	v11 =	vadd.f32 v12, v11;
	s0 =	simm.s32 $0xC0;
	v15 =	vadd.f32 v17, v15  }
.LBB2_15:
0x106: {  	v12 =	vld [tilespmem:s0+$0xFFFFFFC0];
	s1 =	sadd.s32 $0x8, s1  }
0x107: {  	p0 =	slt.u32 s1, $0x268;
	v13 =	vadd.f32 v13, v15  }
0x108: {  	v15 =	vld [tilespmem:s0+$0xFFFFFFD0]  }
0x109: {  	v13 =	vadd.f32 v14, v13  }
0x10a: {  	v14 =	vld [tilespmem:s0+$0xFFFFFFE0]  }
0x10b: {  	v12 =	vadd.f32 v12, v13  }
0x10c: {  	v13 =	vld [tilespmem:s0+$0xFFFFFFF0]  }
0x10d: {  	v12 =	vadd.f32 v15, v12  }
0x10e: {  	v15 =	vld [tilespmem:s0+$0x0]  }
0x10f: {  	v12 =	vadd.f32 v14, v12  }
0x110: {  	v16 =	vld [tilespmem:s0+$0x10]  }
.Ltmp6:
0x111: {  	v12 =	vadd.f32 v13, v12;
	(pc) =	sbr.rel @p0 .LBB2_15-.Ltmp6, $4  }
0x112: {  	v13 =	vld [tilespmem:s0+$0x20]  }
0x113: {  	v12 =	vadd.f32 v15, v12  }
0x114: {  	v14 =	vld [tilespmem:s0+$0x30]  }
0x115: {  	s0 =	sadd.s32 $0x80, s0;
	v15 =	vadd.f32 v16, v12  }
0x116: {  	s0 =	sadd.s32 s31, s12  }
0x117: {  	s0 =	smul.u32 $0x4E2, s0;
	_ =	sdelay $0x1  }
0x118: {  	s0 =	sadd.s32 s2, s0  }
0x119: {  	v12 =	vld [tilespmem:$0x2700];
	[tilespmem:s3], [sflag:$0x1] =	stream.linear.gather [hbm4b:s0+s3], $0x2710, $0x38  }
0x11a: {  	_ =	swait.ge [sflag:s25], $0x2710  }
0x11b: {  	[sflag:s25] =	ssyncset.done $0x0  }
0x11c: {  	s0 =	simm.s32 $0x27C0;
	[sflag:s25] =	ssyncadd.s32 $0xFFFFD8F0  }
0x11d: {  	v16 =	vld [tilespmem:s0+$0xFFFFFFC0];
	_ =	sdelay $0x1  }
0x11e: {  	v17 =	vld [tilespmem:s0+$0xFFFFFFD0];
	_ =	sdelay $0x1  }
0x11f: {  	v18 =	vimm.f32 $0.0e+00;
	v19 =	vld [tilespmem:s0+$0xFFFFFFE0]  }
0x120: {  	v16 =	vadd.f32 v16, v18  }
0x121: {  	v18 =	vld [tilespmem:s0+$0xFFFFFFF0]  }
0x122: {  	v16 =	vadd.f32 v17, v16  }
0x123: {  	v17 =	vld [tilespmem:s0+$0x0]  }
0x124: {  	v16 =	vadd.f32 v19, v16  }
0x125: {  	v19 =	vld [tilespmem:s0+$0x10]  }
0x126: {  	v16 =	vadd.f32 v18, v16  }
0x127: {  	v13 =	vadd.f32 v13, v15;
	v15 =	vld [tilespmem:s0+$0x20]  }
0x128: {  	v17 =	vadd.f32 v17, v16  }
0x129: {  	v16 =	vld [tilespmem:s0+$0x30]  }
0x12a: {  	s1 =	simm.s32 $0x0;
	v13 =	vadd.f32 v14, v13;
	s0 =	simm.s32 $0x2840;
	v17 =	vadd.f32 v19, v17  }
.LBB2_17:
0x12b: {  	v14 =	vld [tilespmem:s0+$0xFFFFFFC0];
	s1 =	sadd.s32 $0x8, s1  }
0x12c: {  	p0 =	slt.u32 s1, $0x268;
	v15 =	vadd.f32 v15, v17  }
0x12d: {  	v17 =	vld [tilespmem:s0+$0xFFFFFFD0]  }
0x12e: {  	v15 =	vadd.f32 v16, v15  }
0x12f: {  	v16 =	vld [tilespmem:s0+$0xFFFFFFE0]  }
0x130: {  	v14 =	vadd.f32 v14, v15  }
0x131: {  	v15 =	vld [tilespmem:s0+$0xFFFFFFF0]  }
0x132: {  	v14 =	vadd.f32 v17, v14  }
0x133: {  	v17 =	vld [tilespmem:s0+$0x0]  }
0x134: {  	v14 =	vadd.f32 v16, v14  }
0x135: {  	v18 =	vld [tilespmem:s0+$0x10]  }
.Ltmp7:
0x136: {  	v14 =	vadd.f32 v15, v14;
	(pc) =	sbr.rel @p0 .LBB2_17-.Ltmp7, $4  }
0x137: {  	v15 =	vld [tilespmem:s0+$0x20]  }
0x138: {  	v14 =	vadd.f32 v17, v14  }
0x139: {  	v16 =	vld [tilespmem:s0+$0x30]  }
0x13a: {  	s0 =	sadd.s32 $0x80, s0;
	v17 =	vadd.f32 v18, v14  }
0x13b: {  	s0 =	sadd.s32 s31, s13  }
0x13c: {  	s0 =	smul.u32 $0x4E2, s0;
	_ =	sdelay $0x1  }
0x13d: {  	s0 =	sadd.s32 s2, s0  }
0x13e: {  	v14 =	vld [tilespmem:$0x4E80];
	[tilespmem:s23], [sflag:$0x2] =	stream.linear.gather [hbm4b:s0+s3], $0x2710, $0x38  }
0x13f: {  	_ =	swait.ge [sflag:s24], $0x2710  }
0x140: {  	[sflag:s24] =	ssyncset.done $0x0  }
0x141: {  	s0 =	simm.s32 $0x40;
	[sflag:s24] =	ssyncadd.s32 $0xFFFFD8F0  }
0x142: {  	v18 =	vld [tilespmem:s0+$0xFFFFFFC0];
	_ =	sdelay $0x1  }
0x143: {  	v19 =	vld [tilespmem:s0+$0xFFFFFFD0];
	_ =	sdelay $0x1  }
0x144: {  	v20 =	vimm.f32 $0.0e+00;
	v21 =	vld [tilespmem:s0+$0xFFFFFFE0]  }
0x145: {  	v18 =	vadd.f32 v18, v20  }
0x146: {  	v20 =	vld [tilespmem:s0+$0xFFFFFFF0]  }
0x147: {  	v18 =	vadd.f32 v19, v18  }
0x148: {  	v19 =	vld [tilespmem:s0+$0x0]  }
0x149: {  	v18 =	vadd.f32 v21, v18  }
0x14a: {  	v63 =	vld [tilespmem:s0+$0x10]  }
0x14b: {  	v18 =	vadd.f32 v20, v18  }
0x14c: {  	v15 =	vadd.f32 v15, v17;
	v17 =	vld [tilespmem:s0+$0x20]  }
0x14d: {  	v19 =	vadd.f32 v19, v18  }
0x14e: {  	v18 =	vld [tilespmem:s0+$0x30]  }
0x14f: {  	s1 =	simm.s32 $0x0;
	v15 =	vadd.f32 v16, v15;
	s0 =	simm.s32 $0xC0;
	v19 =	vadd.f32 v63, v19  }
.LBB2_19:
0x150: {  	v16 =	vld [tilespmem:s0+$0xFFFFFFC0];
	s1 =	sadd.s32 $0x8, s1  }
0x151: {  	p0 =	slt.u32 s1, $0x268;
	v17 =	vadd.f32 v17, v19  }
0x152: {  	v19 =	vld [tilespmem:s0+$0xFFFFFFD0]  }
0x153: {  	v17 =	vadd.f32 v18, v17  }
0x154: {  	v18 =	vld [tilespmem:s0+$0xFFFFFFE0]  }
0x155: {  	v16 =	vadd.f32 v16, v17  }
0x156: {  	v17 =	vld [tilespmem:s0+$0xFFFFFFF0]  }
0x157: {  	v16 =	vadd.f32 v19, v16  }
0x158: {  	v19 =	vld [tilespmem:s0+$0x0]  }
0x159: {  	v16 =	vadd.f32 v18, v16  }
0x15a: {  	v20 =	vld [tilespmem:s0+$0x10]  }
.Ltmp8:
0x15b: {  	v16 =	vadd.f32 v17, v16;
	(pc) =	sbr.rel @p0 .LBB2_19-.Ltmp8, $4  }
0x15c: {  	v17 =	vld [tilespmem:s0+$0x20]  }
0x15d: {  	v16 =	vadd.f32 v19, v16  }
0x15e: {  	v18 =	vld [tilespmem:s0+$0x30]  }
0x15f: {  	s0 =	sadd.s32 $0x80, s0;
	v19 =	vadd.f32 v20, v16  }
0x160: {  	s0 =	sadd.s32 s31, s14  }
0x161: {  	s0 =	smul.u32 $0x4E2, s0;
	_ =	sdelay $0x1  }
0x162: {  	s0 =	sadd.s32 s2, s0  }
0x163: {  	v16 =	vld [tilespmem:$0x2700];
	[tilespmem:s3], [sflag:$0x1] =	stream.linear.gather [hbm4b:s0+s3], $0x2710, $0x38  }
0x164: {  	_ =	swait.ge [sflag:s25], $0x2710  }
0x165: {  	[sflag:s25] =	ssyncset.done $0x0  }
0x166: {  	s0 =	simm.s32 $0x27C0;
	[sflag:s25] =	ssyncadd.s32 $0xFFFFD8F0  }
0x167: {  	v20 =	vld [tilespmem:s0+$0xFFFFFFC0];
	_ =	sdelay $0x1  }
0x168: {  	v21 =	vld [tilespmem:s0+$0xFFFFFFD0];
	_ =	sdelay $0x1  }
0x169: {  	v22 =	vimm.f32 $0.0e+00;
	v23 =	vld [tilespmem:s0+$0xFFFFFFE0]  }
0x16a: {  	v20 =	vadd.f32 v20, v22  }
0x16b: {  	v22 =	vld [tilespmem:s0+$0xFFFFFFF0]  }
0x16c: {  	v20 =	vadd.f32 v21, v20  }
0x16d: {  	v21 =	vld [tilespmem:s0+$0x0]  }
0x16e: {  	v20 =	vadd.f32 v23, v20  }
0x16f: {  	v23 =	vld [tilespmem:s0+$0x10]  }
0x170: {  	v20 =	vadd.f32 v22, v20  }
0x171: {  	v17 =	vadd.f32 v17, v19;
	v19 =	vld [tilespmem:s0+$0x20]  }
0x172: {  	v21 =	vadd.f32 v21, v20  }
0x173: {  	v20 =	vld [tilespmem:s0+$0x30]  }
0x174: {  	s1 =	simm.s32 $0x0;
	v17 =	vadd.f32 v18, v17;
	s0 =	simm.s32 $0x2840;
	v21 =	vadd.f32 v23, v21  }
.LBB2_21:
0x175: {  	v18 =	vld [tilespmem:s0+$0xFFFFFFC0];
	s1 =	sadd.s32 $0x8, s1  }
0x176: {  	p0 =	slt.u32 s1, $0x268;
	v19 =	vadd.f32 v19, v21  }
0x177: {  	v21 =	vld [tilespmem:s0+$0xFFFFFFD0]  }
0x178: {  	v19 =	vadd.f32 v20, v19  }
0x179: {  	v20 =	vld [tilespmem:s0+$0xFFFFFFE0]  }
0x17a: {  	v18 =	vadd.f32 v18, v19  }
0x17b: {  	v19 =	vld [tilespmem:s0+$0xFFFFFFF0]  }
0x17c: {  	v18 =	vadd.f32 v21, v18  }
0x17d: {  	v21 =	vld [tilespmem:s0+$0x0]  }
0x17e: {  	v18 =	vadd.f32 v20, v18  }
0x17f: {  	v22 =	vld [tilespmem:s0+$0x10]  }
.Ltmp9:
0x180: {  	v18 =	vadd.f32 v19, v18;
	(pc) =	sbr.rel @p0 .LBB2_21-.Ltmp9, $4  }
0x181: {  	v19 =	vld [tilespmem:s0+$0x20]  }
0x182: {  	v18 =	vadd.f32 v21, v18  }
0x183: {  	v20 =	vld [tilespmem:s0+$0x30]  }
0x184: {  	s0 =	sadd.s32 $0x80, s0;
	v21 =	vadd.f32 v22, v18  }
0x185: {  	s0 =	sadd.s32 s31, s15  }
0x186: {  	s0 =	smul.u32 $0x4E2, s0;
	_ =	sdelay $0x1  }
0x187: {  	s0 =	sadd.s32 s2, s0  }
0x188: {  	v18 =	vld [tilespmem:$0x4E80];
	[tilespmem:s23], [sflag:$0x2] =	stream.linear.gather [hbm4b:s0+s3], $0x2710, $0x38  }
0x189: {  	_ =	swait.ge [sflag:s24], $0x2710  }
0x18a: {  	[sflag:s24] =	ssyncset.done $0x0  }
0x18b: {  	s0 =	simm.s32 $0x40;
	[sflag:s24] =	ssyncadd.s32 $0xFFFFD8F0  }
0x18c: {  	v22 =	vld [tilespmem:s0+$0xFFFFFFC0];
	_ =	sdelay $0x1  }
0x18d: {  	v23 =	vld [tilespmem:s0+$0xFFFFFFD0];
	_ =	sdelay $0x1  }
0x18e: {  	v24 =	vimm.f32 $0.0e+00;
	v25 =	vld [tilespmem:s0+$0xFFFFFFE0]  }
0x18f: {  	v22 =	vadd.f32 v22, v24  }
0x190: {  	v62 =	vld [tilespmem:s0+$0xFFFFFFF0]  }
0x191: {  	v22 =	vadd.f32 v23, v22  }
0x192: {  	v23 =	vld [tilespmem:s0+$0x0]  }
0x193: {  	v22 =	vadd.f32 v25, v22  }
0x194: {  	v63 =	vld [tilespmem:s0+$0x10]  }
0x195: {  	v22 =	vadd.f32 v62, v22  }
0x196: {  	v19 =	vadd.f32 v19, v21;
	v21 =	vld [tilespmem:s0+$0x20]  }
0x197: {  	v23 =	vadd.f32 v23, v22  }
0x198: {  	v22 =	vld [tilespmem:s0+$0x30]  }
0x199: {  	s1 =	simm.s32 $0x0;
	v19 =	vadd.f32 v20, v19;
	s0 =	simm.s32 $0xC0;
	v23 =	vadd.f32 v63, v23  }
.LBB2_23:
0x19a: {  	v20 =	vld [tilespmem:s0+$0xFFFFFFC0];
	s1 =	sadd.s32 $0x8, s1  }
0x19b: {  	p0 =	slt.u32 s1, $0x268;
	v21 =	vadd.f32 v21, v23  }
0x19c: {  	v23 =	vld [tilespmem:s0+$0xFFFFFFD0]  }
0x19d: {  	v21 =	vadd.f32 v22, v21  }
0x19e: {  	v22 =	vld [tilespmem:s0+$0xFFFFFFE0]  }
0x19f: {  	v20 =	vadd.f32 v20, v21  }
0x1a0: {  	v21 =	vld [tilespmem:s0+$0xFFFFFFF0]  }
0x1a1: {  	v20 =	vadd.f32 v23, v20  }
0x1a2: {  	v23 =	vld [tilespmem:s0+$0x0]  }
0x1a3: {  	v20 =	vadd.f32 v22, v20  }
0x1a4: {  	v24 =	vld [tilespmem:s0+$0x10]  }
.Ltmp10:
0x1a5: {  	v20 =	vadd.f32 v21, v20;
	(pc) =	sbr.rel @p0 .LBB2_23-.Ltmp10, $4  }
0x1a6: {  	v21 =	vld [tilespmem:s0+$0x20]  }
0x1a7: {  	v20 =	vadd.f32 v23, v20  }
0x1a8: {  	v22 =	vld [tilespmem:s0+$0x30]  }
0x1a9: {  	s0 =	sadd.s32 $0x80, s0;
	v23 =	vadd.f32 v24, v20  }
0x1aa: {  	s0 =	sadd.s32 s31, s16  }
0x1ab: {  	s0 =	smul.u32 $0x4E2, s0;
	_ =	sdelay $0x1  }
0x1ac: {  	s0 =	sadd.s32 s2, s0  }
0x1ad: {  	v20 =	vld [tilespmem:$0x2700];
	[tilespmem:s3], [sflag:$0x1] =	stream.linear.gather [hbm4b:s0+s3], $0x2710, $0x38  }
0x1ae: {  	_ =	swait.ge [sflag:s25], $0x2710  }
0x1af: {  	[sflag:s25] =	ssyncset.done $0x0  }
0x1b0: {  	s0 =	simm.s32 $0x27C0;
	[sflag:s25] =	ssyncadd.s32 $0xFFFFD8F0  }
0x1b1: {  	v24 =	vld [tilespmem:s0+$0xFFFFFFC0];
	_ =	sdelay $0x1  }
0x1b2: {  	v25 =	vld [tilespmem:s0+$0xFFFFFFD0];
	_ =	sdelay $0x1  }
0x1b3: {  	v26 =	vimm.f32 $0.0e+00;
	v27 =	vld [tilespmem:s0+$0xFFFFFFE0]  }
0x1b4: {  	v24 =	vadd.f32 v24, v26  }
0x1b5: {  	v26 =	vld [tilespmem:s0+$0xFFFFFFF0]  }
0x1b6: {  	v24 =	vadd.f32 v25, v24  }
0x1b7: {  	v25 =	vld [tilespmem:s0+$0x0]  }
0x1b8: {  	v24 =	vadd.f32 v27, v24  }
0x1b9: {  	v27 =	vld [tilespmem:s0+$0x10]  }
0x1ba: {  	v24 =	vadd.f32 v26, v24  }
0x1bb: {  	v21 =	vadd.f32 v21, v23;
	v23 =	vld [tilespmem:s0+$0x20]  }
0x1bc: {  	v25 =	vadd.f32 v25, v24  }
0x1bd: {  	v24 =	vld [tilespmem:s0+$0x30]  }
0x1be: {  	s1 =	simm.s32 $0x0;
	v21 =	vadd.f32 v22, v21;
	s0 =	simm.s32 $0x2840;
	v25 =	vadd.f32 v27, v25  }
.LBB2_25:
0x1bf: {  	v22 =	vld [tilespmem:s0+$0xFFFFFFC0];
	s1 =	sadd.s32 $0x8, s1  }
0x1c0: {  	p0 =	slt.u32 s1, $0x268;
	v23 =	vadd.f32 v23, v25  }
0x1c1: {  	v25 =	vld [tilespmem:s0+$0xFFFFFFD0]  }
0x1c2: {  	v23 =	vadd.f32 v24, v23  }
0x1c3: {  	v24 =	vld [tilespmem:s0+$0xFFFFFFE0]  }
0x1c4: {  	v22 =	vadd.f32 v22, v23  }
0x1c5: {  	v23 =	vld [tilespmem:s0+$0xFFFFFFF0]  }
0x1c6: {  	v22 =	vadd.f32 v25, v22  }
0x1c7: {  	v25 =	vld [tilespmem:s0+$0x0]  }
0x1c8: {  	v22 =	vadd.f32 v24, v22  }
0x1c9: {  	v26 =	vld [tilespmem:s0+$0x10]  }
.Ltmp11:
0x1ca: {  	v22 =	vadd.f32 v23, v22;
	(pc) =	sbr.rel @p0 .LBB2_25-.Ltmp11, $4  }
0x1cb: {  	v23 =	vld [tilespmem:s0+$0x20]  }
0x1cc: {  	v22 =	vadd.f32 v25, v22  }
0x1cd: {  	v24 =	vld [tilespmem:s0+$0x30]  }
0x1ce: {  	s0 =	sadd.s32 $0x80, s0;
	v25 =	vadd.f32 v26, v22  }
0x1cf: {  	s0 =	sadd.s32 s31, s17  }
0x1d0: {  	s0 =	smul.u32 $0x4E2, s0;
	_ =	sdelay $0x1  }
0x1d1: {  	s0 =	sadd.s32 s2, s0  }
0x1d2: {  	v22 =	vld [tilespmem:$0x4E80];
	[tilespmem:s23], [sflag:$0x2] =	stream.linear.gather [hbm4b:s0+s3], $0x2710, $0x38  }
0x1d3: {  	_ =	swait.ge [sflag:s24], $0x2710  }
0x1d4: {  	[sflag:s24] =	ssyncset.done $0x0  }
0x1d5: {  	s0 =	simm.s32 $0x40;
	[sflag:s24] =	ssyncadd.s32 $0xFFFFD8F0  }
0x1d6: {  	v26 =	vld [tilespmem:s0+$0xFFFFFFC0];
	_ =	sdelay $0x1  }
0x1d7: {  	v27 =	vld [tilespmem:s0+$0xFFFFFFD0];
	_ =	sdelay $0x1  }
0x1d8: {  	v28 =	vimm.f32 $0.0e+00;
	v29 =	vld [tilespmem:s0+$0xFFFFFFE0]  }
0x1d9: {  	v26 =	vadd.f32 v26, v28  }
0x1da: {  	v28 =	vld [tilespmem:s0+$0xFFFFFFF0]  }
0x1db: {  	v26 =	vadd.f32 v27, v26  }
0x1dc: {  	v27 =	vld [tilespmem:s0+$0x0]  }
0x1dd: {  	v26 =	vadd.f32 v29, v26  }
0x1de: {  	v29 =	vld [tilespmem:s0+$0x10]  }
0x1df: {  	v26 =	vadd.f32 v28, v26  }
0x1e0: {  	v23 =	vadd.f32 v23, v25;
	v25 =	vld [tilespmem:s0+$0x20]  }
0x1e1: {  	v27 =	vadd.f32 v27, v26  }
0x1e2: {  	v26 =	vld [tilespmem:s0+$0x30]  }
0x1e3: {  	s1 =	simm.s32 $0x0;
	v23 =	vadd.f32 v24, v23;
	s0 =	simm.s32 $0xC0;
	v27 =	vadd.f32 v29, v27  }
.LBB2_27:
0x1e4: {  	v24 =	vld [tilespmem:s0+$0xFFFFFFC0];
	s1 =	sadd.s32 $0x8, s1  }
0x1e5: {  	p0 =	slt.u32 s1, $0x268;
	v25 =	vadd.f32 v25, v27  }
0x1e6: {  	v27 =	vld [tilespmem:s0+$0xFFFFFFD0]  }
0x1e7: {  	v25 =	vadd.f32 v26, v25  }
0x1e8: {  	v26 =	vld [tilespmem:s0+$0xFFFFFFE0]  }
0x1e9: {  	v24 =	vadd.f32 v24, v25  }
0x1ea: {  	v25 =	vld [tilespmem:s0+$0xFFFFFFF0]  }
0x1eb: {  	v24 =	vadd.f32 v27, v24  }
0x1ec: {  	v27 =	vld [tilespmem:s0+$0x0]  }
0x1ed: {  	v24 =	vadd.f32 v26, v24  }
0x1ee: {  	v28 =	vld [tilespmem:s0+$0x10]  }
.Ltmp12:
0x1ef: {  	v24 =	vadd.f32 v25, v24;
	(pc) =	sbr.rel @p0 .LBB2_27-.Ltmp12, $4  }
0x1f0: {  	v25 =	vld [tilespmem:s0+$0x20]  }
0x1f1: {  	v24 =	vadd.f32 v27, v24  }
0x1f2: {  	v26 =	vld [tilespmem:s0+$0x30]  }
0x1f3: {  	s0 =	sadd.s32 $0x80, s0;
	v27 =	vadd.f32 v28, v24  }
0x1f4: {  	s0 =	sadd.s32 s31, s18  }
0x1f5: {  	s0 =	smul.u32 $0x4E2, s0;
	_ =	sdelay $0x1  }
0x1f6: {  	s0 =	sadd.s32 s2, s0  }
0x1f7: {  	v24 =	vld [tilespmem:$0x2700];
	[tilespmem:s3], [sflag:$0x1] =	stream.linear.gather [hbm4b:s0+s3], $0x2710, $0x38  }
0x1f8: {  	_ =	swait.ge [sflag:s25], $0x2710  }
0x1f9: {  	[sflag:s25] =	ssyncset.done $0x0  }
0x1fa: {  	s0 =	simm.s32 $0x27C0;
	[sflag:s25] =	ssyncadd.s32 $0xFFFFD8F0  }
0x1fb: {  	v28 =	vld [tilespmem:s0+$0xFFFFFFC0];
	_ =	sdelay $0x1  }
0x1fc: {  	v29 =	vld [tilespmem:s0+$0xFFFFFFD0];
	_ =	sdelay $0x1  }
0x1fd: {  	v30 =	vimm.f32 $0.0e+00;
	v31 =	vld [tilespmem:s0+$0xFFFFFFE0]  }
0x1fe: {  	v28 =	vadd.f32 v28, v30  }
0x1ff: {  	v30 =	vld [tilespmem:s0+$0xFFFFFFF0]  }
0x200: {  	v28 =	vadd.f32 v29, v28  }
0x201: {  	v29 =	vld [tilespmem:s0+$0x0]  }
0x202: {  	v28 =	vadd.f32 v31, v28  }
0x203: {  	v31 =	vld [tilespmem:s0+$0x10]  }
0x204: {  	v28 =	vadd.f32 v30, v28  }
0x205: {  	v25 =	vadd.f32 v25, v27;
	v27 =	vld [tilespmem:s0+$0x20]  }
0x206: {  	v29 =	vadd.f32 v29, v28  }
0x207: {  	v28 =	vld [tilespmem:s0+$0x30]  }
0x208: {  	s1 =	simm.s32 $0x0;
	v25 =	vadd.f32 v26, v25;
	s0 =	simm.s32 $0x2840;
	v29 =	vadd.f32 v31, v29  }
.LBB2_29:
0x209: {  	v26 =	vld [tilespmem:s0+$0xFFFFFFC0];
	s1 =	sadd.s32 $0x8, s1  }
0x20a: {  	p0 =	slt.u32 s1, $0x268;
	v27 =	vadd.f32 v27, v29  }
0x20b: {  	v29 =	vld [tilespmem:s0+$0xFFFFFFD0]  }
0x20c: {  	v27 =	vadd.f32 v28, v27  }
0x20d: {  	v28 =	vld [tilespmem:s0+$0xFFFFFFE0]  }
0x20e: {  	v26 =	vadd.f32 v26, v27  }
0x20f: {  	v27 =	vld [tilespmem:s0+$0xFFFFFFF0]  }
0x210: {  	v26 =	vadd.f32 v29, v26  }
0x211: {  	v29 =	vld [tilespmem:s0+$0x0]  }
0x212: {  	v26 =	vadd.f32 v28, v26  }
0x213: {  	v30 =	vld [tilespmem:s0+$0x10]  }
.Ltmp13:
0x214: {  	v26 =	vadd.f32 v27, v26;
	(pc) =	sbr.rel @p0 .LBB2_29-.Ltmp13, $4  }
0x215: {  	v27 =	vld [tilespmem:s0+$0x20]  }
0x216: {  	v26 =	vadd.f32 v29, v26  }
0x217: {  	v28 =	vld [tilespmem:s0+$0x30]  }
0x218: {  	s0 =	sadd.s32 $0x80, s0;
	v29 =	vadd.f32 v30, v26  }
0x219: {  	s0 =	sadd.s32 s31, s19  }
0x21a: {  	s0 =	smul.u32 $0x4E2, s0;
	_ =	sdelay $0x1  }
0x21b: {  	s0 =	sadd.s32 s2, s0  }
0x21c: {  	v26 =	vld [tilespmem:$0x4E80];
	[tilespmem:s23], [sflag:$0x2] =	stream.linear.gather [hbm4b:s0+s3], $0x2710, $0x38  }
0x21d: {  	_ =	swait.ge [sflag:s24], $0x2710  }
0x21e: {  	[sflag:s24] =	ssyncset.done $0x0  }
0x21f: {  	s0 =	simm.s32 $0x40;
	[sflag:s24] =	ssyncadd.s32 $0xFFFFD8F0  }
0x220: {  	v30 =	vld [tilespmem:s0+$0xFFFFFFC0];
	_ =	sdelay $0x1  }
0x221: {  	v31 =	vld [tilespmem:s0+$0xFFFFFFD0];
	_ =	sdelay $0x1  }
0x222: {  	v32 =	vimm.f32 $0.0e+00;
	v33 =	vld [tilespmem:s0+$0xFFFFFFE0]  }
0x223: {  	v30 =	vadd.f32 v30, v32  }
0x224: {  	v62 =	vld [tilespmem:s0+$0xFFFFFFF0]  }
0x225: {  	v30 =	vadd.f32 v31, v30  }
0x226: {  	v31 =	vld [tilespmem:s0+$0x0]  }
0x227: {  	v30 =	vadd.f32 v33, v30  }
0x228: {  	v63 =	vld [tilespmem:s0+$0x10]  }
0x229: {  	v30 =	vadd.f32 v62, v30  }
0x22a: {  	v27 =	vadd.f32 v27, v29;
	v29 =	vld [tilespmem:s0+$0x20]  }
0x22b: {  	v30 =	vadd.f32 v31, v30  }
0x22c: {  	v27 =	vadd.f32 v28, v27;
	v28 =	vld [tilespmem:s0+$0x30]  }
0x22d: {  	s1 =	simm.s32 $0x0;
	s0 =	simm.s32 $0xC0;
	v30 =	vadd.f32 v63, v30  }
.LBB2_31:
0x22e: {  	v31 =	vld [tilespmem:s0+$0xFFFFFFC0];
	s1 =	sadd.s32 $0x8, s1  }
0x22f: {  	p0 =	slt.u32 s1, $0x268;
	v29 =	vadd.f32 v29, v30  }
0x230: {  	v30 =	vld [tilespmem:s0+$0xFFFFFFD0]  }
0x231: {  	v28 =	vadd.f32 v28, v29  }
0x232: {  	v29 =	vld [tilespmem:s0+$0xFFFFFFE0]  }
0x233: {  	v28 =	vadd.f32 v31, v28  }
0x234: {  	v31 =	vld [tilespmem:s0+$0xFFFFFFF0]  }
0x235: {  	v28 =	vadd.f32 v30, v28  }
0x236: {  	v30 =	vld [tilespmem:s0+$0x0]  }
0x237: {  	v28 =	vadd.f32 v29, v28  }
0x238: {  	v32 =	vld [tilespmem:s0+$0x10]  }
.Ltmp14:
0x239: {  	v28 =	vadd.f32 v31, v28;
	(pc) =	sbr.rel @p0 .LBB2_31-.Ltmp14, $4  }
0x23a: {  	v29 =	vld [tilespmem:s0+$0x20]  }
0x23b: {  	v30 =	vadd.f32 v30, v28  }
0x23c: {  	v28 =	vld [tilespmem:s0+$0x30]  }
0x23d: {  	s0 =	sadd.s32 $0x80, s0;
	v30 =	vadd.f32 v32, v30  }
0x23e: {  	v0 =	vadd.f32 v0, v1  }
0x23f: {  	v1 =	vadd.f32 v2, v3  }
0x240: {  	(xrf2) =	vadd.scan.msk.f32 $0xffff, v0;
	v0 =	vadd.f32 v4, v5  }
0x241: {  	(xrf2) =	vadd.scan.msk.f32 $0xffff, v1;
	v1 =	vadd.f32 v6, v7  }
0x242: {  	(xrf2) =	vadd.scan.msk.f32 $0xffff, v0;
	v0 =	vadd.f32 v8, v9  }
0x243: {  	(xrf2) =	vadd.scan.msk.f32 $0xffff, v1;
	v1 =	vadd.f32 v10, v11  }
0x244: {  	(xrf2) =	vadd.scan.msk.f32 $0xffff, v0;
	v0 =	vadd.f32 v12, v13  }
0x245: {  	(xrf2) =	vadd.scan.msk.f32 $0xffff, v1;
	v1 =	vadd.f32 v14, v15  }
0x246: {  	(xrf2) =	vadd.scan.msk.f32 $0xffff, v0;
	v0 =	vadd.f32 v16, v17  }
0x247: {  	v2 =	vld [tilespmem:$0x2700];
	(xrf2) =	vadd.scan.msk.f32 $0xffff, v1;
	v1 =	vadd.f32 v18, v19  }
0x248: {  	v3 =	vadd.f32 v29, v30;
	(xrf2) =	vadd.scan.msk.f32 $0xffff, v0;
	v0 =	vadd.f32 v20, v21  }
0x249: {  	(xrf2) =	vadd.scan.msk.f32 $0xffff, v1;
	v1 =	vadd.f32 v22, v23  }
0x24a: {  	v3 =	vadd.f32 v28, v3;
	v4, _, _ =	vpop (xrf2);
	(xrf2) =	vadd.scan.msk.f32 $0xffff, v0;
	v0 =	vadd.f32 v24, v25  }
0x24b: {  	v5, _, _ =	vpop (xrf2);
	(xrf2) =	vadd.scan.msk.f32 $0xffff, v1;
	v1 =	vadd.f32 v26, v27  }
0x24c: {  	v52, _, _ =	vpop (xrf2);
	(xrf2) =	vadd.scan.msk.f32 $0xffff, v0;
	v0 =	vadd.f32 v2, v3;
	_ =	sdelay $0x1  }
0x24d: {  	v2, _, _ =	vpop (xrf2);
	(xrf2) =	vadd.scan.msk.f32 $0xffff, v1  }
0x24e: {  	v1, _, _ =	vpop (xrf2);
	(xrf2) =	vadd.scan.msk.f32 $0xffff, v0  }
0x24f: {  	v0, _, _ =	vpop (xrf2)  }
0x250: {  	v3, _, _ =	vpop (xrf2)  }
0x251: {  	v53, _, _ =	vpop (xrf2)  }
0x252: {  	v54, _, _ =	vpop (xrf2)  }
0x253: {  	p0 =	seq.s32 s30, $0x13;
	v55, _, _ =	vpop (xrf2)  }
0x254: {  	s0 =	sadd.s32 @!p0 s31, s20;
	v56, _, _ =	vpop (xrf2)  }
0x255: {  	s0 =	smul.u32 @!p0 $0x4E2, s0;
	v57, _, _ =	vpop (xrf2)  }
0x256: {  	v58, _, _ =	vpop (xrf2)  }
0x257: {  	s1 =	simm.s32 @!p0 $0x0;
	s0 =	sadd.s32 @!p0 s2, s0;
	v59, _, _ =	vpop (xrf2)  }
0x258: {  	[tilespmem:s1], [sflag:$0x1] =	stream.linear.gather @!p0 [hbm4b:s0+s1], $0x2710, $0x38;
	v60, _, _ =	vpop (xrf2);
	[tilespmem:$0x5080] =	vst v63  }
0x259: {  	_ =	swait.ge [sflag:s25], $0x2710  }
0x25a: {  	v4 =	vbroadcast v4, $0xF;
	v5 =	vbroadcast v5, $0xF;
	[sflag:s25] =	ssyncset.done $0x0  }
0x25b: {  	s0 =	simm.s32 $0x27C0;
	v6 =	vbroadcast v52, $0xF;
	[sflag:s25] =	ssyncadd.s32 $0xFFFFD8F0  }
0x25c: {  	v4 =	vsel vm0, v4, v5;
	v2 =	vbroadcast v2, $0xF;
	v61 =	vld [tilespmem:s0+$0xFFFFFFC0]  }
0x25d: {  	v4 =	vsel vm1, v4, v6;
	v1 =	vbroadcast v1, $0xF  }
0x25e: {  	v2 =	vsel vm2, v4, v2;
	v0 =	vbroadcast v0, $0xF;
	v5 =	vld [tilespmem:s0+$0xFFFFFFD0]  }
0x25f: {  	v1 =	vsel vm3, v2, v1;
	v2 =	vbroadcast v3, $0xF  }
0x260: {  	v4 =	vimm.f32 $0.0e+00;
	v0 =	vsel vm4, v1, v0;
	v1 =	vbroadcast v53, $0xF;
	v62 =	vld [tilespmem:s0+$0xFFFFFFE0]  }
0x261: {  	v0 =	vsel vm5, v0, v2;
	v2 =	vbroadcast v54, $0xF;
	v3 =	vadd.f32 v61, v4  }
0x262: {  	v0 =	vsel vm6, v0, v1;
	v1 =	vbroadcast v55, $0xF;
	v4 =	vld [tilespmem:s0+$0xFFFFFFF0]  }
0x263: {  	v0 =	vsel vm7, v0, v2;
	v2 =	vbroadcast v56, $0xF;
	v3 =	vadd.f32 v5, v3  }
0x264: {  	v0 =	vsel vm8, v0, v1;
	v1 =	vbroadcast v57, $0xF;
	v5 =	vld [tilespmem:s0+$0x0]  }
0x265: {  	v0 =	vsel vm9, v0, v2;
	v2 =	vbroadcast v58, $0xF;
	v3 =	vadd.f32 v62, v3  }
0x266: {  	v0 =	vsel vm10, v0, v1;
	v1 =	vbroadcast v59, $0xF;
	v63 =	vld [tilespmem:s0+$0x10]  }
0x267: {  	v0 =	vsel vm11, v0, v2;
	v3 =	vadd.f32 v4, v3  }
0x268: {  	v2 =	vbroadcast v60, $0xF;
	v0 =	vsel vm12, v0, v1;
	v1 =	vld [tilespmem:s0+$0x20]  }
0x269: {  	v3 =	vadd.f32 v5, v3  }
0x26a: {  	v0 =	vsel vm13, v0, v2;
	v2 =	vld [tilespmem:s0+$0x30]  }
0x26b: {  	s1 =	simm.s32 $0x0;
	s0 =	simm.s32 $0x2840;
	v3 =	vadd.f32 v63, v3  }
.LBB2_33:
0x26c: {  	v4 =	vld [tilespmem:s0+$0xFFFFFFC0];
	s1 =	sadd.s32 $0x8, s1  }
0x26d: {  	p0 =	slt.u32 s1, $0x268;
	v1 =	vadd.f32 v1, v3  }
0x26e: {  	v3 =	vld [tilespmem:s0+$0xFFFFFFD0]  }
0x26f: {  	v1 =	vadd.f32 v2, v1  }
0x270: {  	v2 =	vld [tilespmem:s0+$0xFFFFFFE0]  }
0x271: {  	v1 =	vadd.f32 v4, v1  }
0x272: {  	v4 =	vld [tilespmem:s0+$0xFFFFFFF0]  }
0x273: {  	v1 =	vadd.f32 v3, v1  }
0x274: {  	v3 =	vld [tilespmem:s0+$0x0]  }
0x275: {  	v1 =	vadd.f32 v2, v1  }
0x276: {  	v5 =	vld [tilespmem:s0+$0x10]  }
.Ltmp15:
0x277: {  	v2 =	vadd.f32 v4, v1;
	(pc) =	sbr.rel @p0 .LBB2_33-.Ltmp15, $4  }
0x278: {  	v1 =	vld [tilespmem:s0+$0x20]  }
0x279: {  	v3 =	vadd.f32 v3, v2  }
0x27a: {  	v2 =	vld [tilespmem:s0+$0x30]  }
0x27b: {  	s0 =	sadd.s32 $0x80, s0;
	v3 =	vadd.f32 v5, v3  }
0x27c: {  	v4 =	vld [tilespmem:$0x4E80]  }
0x27d: {  	v1 =	vadd.f32 v1, v3;
	_ =	sdelay $0x1  }
0x27e: {  	v1 =	vadd.f32 v2, v1;
	_ =	sdelay $0x1  }
0x27f: {  	v1 =	vadd.f32 v4, v1;
	_ =	sdelay $0x1  }
0x280: {  	(xrf2) =	vadd.scan.msk.f32 $0xffff, v1;
	_ =	sdelay $0x5  }
0x281: {  	s30 =	sadd.s32 $0x1, s30  }
0x282: {  	p0 =	sne.s32 s30, $0x14  }
.Ltmp16:
0x283: {  	_ = 	snop;
	(pc) =	sbr.rel @p0 .LBB2_2-.Ltmp16, $4  }
0x284: {  	_ = 	snop  }
0x285: {  	v1, _, _ =	vpop (xrf2)  }
0x286: {  	v0 =	vsel vm14, v0, v1  }
0x287: {  	[tilespmem:s31+$0x4F00] =	vst v0  }
0x288: {  	s29 =	sadd.s32 $0x1, s29  }
0x289: {  	p0 =	sne.s32 s29, s22  }
.Ltmp17:
0x28a: {  	_ = 	snop;
	(pc) =	sbr.rel @p0 .LBB2_1-.Ltmp17, $4  }
0x28b: {  	[hbm4b:s21+s3] =	stream.linear.scatter [tilespmem:s26], [sflag:$0x3], $0x140, $0x38;
	[tilespmem:$0x5080] =	vst v63  }
0x28c: {  	_ =	swait.ge [sflag:s28], $0x140  }
0x28d: {  	[sflag:s28] =	ssyncset.done $0x0  }
0x28e: {  	[sflag:s28] =	ssyncadd.s32 $0xFFFFFEC0  }
0x28f: {  	_ =	sfence.sel $0x180000  }
0x290: {  	[bflag:$0x0] =	sbarrier.arrive $0xFFFF  }
0x291: {  	_ =	strace $0x9000004A  }
0x292: {  	s0 =	stileid.u32;
	[bflag:$0x2] =	sbarrier.arrive $0xFFFF  }
0x293: {  	p0 =	sne.s32 s0, $0x0;
	s0 =	rddreg [dreg:$0x2]  }
0x294: {  	s0 =	sadd.s32 @!p0 $0x100000, s0  }
0x295: {  	[sflag:s0] =	ssyncadd.tile.s32 @!p0 $0x1;
	_ =	shalt  }
.Lfunc_end2:
_tile_overlayer_lowered:
.L_overlay_start_2:
0x296: {  	(tag) =	ssettag $0x2  }
0x297: {  	s0 =	rddreg [dreg:$0x0];
	s2 =	stileid.u32  }
0x298: {  	s1 =	rddreg [dreg:$0x1];
	p0 =	sne.s32 s2, $0x0  }
0x299: {  	s3 =	rddreg [dreg:$0x2];
	[bflag:$0x3] =	sbarrier.arrive $0xFFFF;
	s2 =	simm.s32 @!p0 $0x1C03  }
0x29a: {  	[timem:s3], [sflag:s2] =	dma.local @!p0 [hbm:s0], s1  }
0x29b: {  	s0 =	simm.s32 @!p0 $0x3  }
0x29c: {  	_ =	swait.ge @!p0 [sflag:s0], s1  }
0x29d: {  	s1 =	ssub.s32 @!p0 $0x0, s1;
	[sflag:s0] =	ssyncset.done @!p0 $0x0  }
0x29e: {  	[sflag:s0] =	ssyncadd.s32 @!p0 s1  }
0x29f: {  	[bflag:$0x3] =	sbarrier.arrive $0xFFFF  }
0x2a0: {  	_ =	shalt  }

</sc_bundles>
